<compile_context>
chip_gen: v7x
topology: tpu7x:2x2x1
jax: 0.10.2.dev20260603
libtpu: 0.0.44.dev20260713+nightly
codegen_flags: <defaults>
</compile_context>

<pallas_src>
import functools

import jax
import jax.numpy as jnp
from jax import lax
from jax.experimental import pallas as pl
from jax.experimental.pallas import tpu as pltpu
from jax.experimental.pallas import tpu_sc as plsc

NC = 2
NS = 16
NW = NC * NS
LANES = 16
LB = 4


@functools.lru_cache(maxsize=None)
def _build(B, L, V, E):
    assert E % NW == 0 and L % LB == 0 and B % LANES == 0
    e_per_w = E // NW
    n_blk = L // LB

    mesh = plsc.VectorSubcoreMesh(
        core_axis_name="c", subcore_axis_name="s", num_cores=NC, num_subcores=NS
    )

    def body(xt_hbm, tokt_hbm, posf_hbm, w_hbm,
             col_v, pos_v, xb0, xb1, ob0, ob1, cs, xs0, xs1, os0, os1):
        xbufs = (xb0, xb1)
        obufs = (ob0, ob1)
        xsems = (xs0, xs1)
        osems = (os0, os1)
        wid = lax.axis_index("s") * NC + lax.axis_index("c")
        e0 = wid * e_per_w

        pltpu.sync_copy(posf_hbm, pos_v)

        def xload(blk, b):
            return pltpu.make_async_copy(
                xt_hbm.at[pl.ds(blk * LB, LB)], xbufs[b], xsems[b]
            )

        def oscatter(blk, e, b):
            return pltpu.make_async_copy(
                obufs[b], w_hbm.at[pl.ds(blk * LB, LB), e], osems[b]
            )

        def compute_blk(blk, e, b):
            xb, ob = xbufs[b], obufs[b]
            pos_base = e * L
            for lb in range(LB):
                l = blk * LB + lb
                pos = plsc.load_gather(
                    pos_v, [jnp.full((LANES,), pos_base + l, jnp.int32)]
                )

                @plsc.parallel_loop(0, B, LANES, unroll=32)
                def per_k(c, xb=xb, ob=ob, lb=lb, pos=pos):
                    v = xb[lb, pl.ds(c, LANES)]
                    val = plsc.load_gather(col_v, [v])
                    ob[lb, pl.ds(c, LANES)] = val + pos

        for p in range(e_per_w):
            e = e0 + p
            pltpu.async_copy(tokt_hbm.at[e], col_v, cs).wait()

            xload(0, 0).start()
            xload(1, 1).start()

            def pair_body(t, _, e=e):
                for b in range(2):
                    blk = 2 * t + b
                    xload(blk, b).wait()

                    @pl.when(t > 0)
                    def _():
                        oscatter(blk - 2, e, b).wait()

                    compute_blk(blk, e, b)

                    @pl.when(blk + 2 < n_blk)
                    def _():
                        xload(blk + 2, b).start()

                    oscatter(blk, e, b).start()
                return 0

            lax.fori_loop(0, n_blk // 2, pair_body, 0)

            oscatter(n_blk - 2, e, 0).wait()
            oscatter(n_blk - 1, e, 1).wait()

    return pl.kernel(
        body,
        out_type=jax.ShapeDtypeStruct((L, E, B), jnp.float32),
        mesh=mesh,
        compiler_params=pltpu.CompilerParams(
            use_tc_tiling_on_sc=False, needs_layout_passes=False
        ),
        scratch_types=[
            pltpu.VMEM((V,), jnp.float32),
            pltpu.VMEM((E * L,), jnp.float32),
            pltpu.VMEM((LB, B), jnp.int32),
            pltpu.VMEM((LB, B), jnp.int32),
            pltpu.VMEM((LB, B), jnp.float32),
            pltpu.VMEM((LB, B), jnp.float32),
            pltpu.SemaphoreType.DMA,
            pltpu.SemaphoreType.DMA,
            pltpu.SemaphoreType.DMA,
            pltpu.SemaphoreType.DMA,
            pltpu.SemaphoreType.DMA,
        ],
    )


def kernel(x, token_table, pos_table):
    B, L = x.shape
    V, E = token_table.shape
    k = _build(B, L, V, E)
    w = k(
        x.T.astype(jnp.int32),
        token_table.T,
        pos_table.T.reshape(E * L),
    )
    return w.transpose(2, 0, 1)

# --- scband reference (transcript-rebuilt; emitter-appended) ---
"""Pipeline reference for scband-token-and-position-embedding-9165460209773 (READ-ONLY COPY).

The authoritative reference and input builder live on the scoring server;
editing this copy changes nothing except your own understanding.
"""

import jax, jax.numpy as jnp
import numpy as np

VOCAB = 100000
MAXLEN = 200
EMBED = 64
BATCH = 1024

def setup_inputs(seed: int = 0) -> dict:
    key = jax.random.key(seed)
    k1, k2, k3 = jax.random.split(key, 3)
    x = jax.random.randint(k1, (BATCH, MAXLEN), 0, VOCAB, dtype=jnp.int64 if jax.config.jax_enable_x64 else jnp.int32)
    token_table = jax.random.normal(k2, (VOCAB, EMBED), dtype=jnp.float32) * 0.05
    pos_table = jax.random.normal(k3, (MAXLEN, EMBED), dtype=jnp.float32) * 0.05
    return {"x": x, "token_table": token_table, "pos_table": pos_table}

def reference(x, token_table, pos_table):
    # maxlen = tf.shape(x)[-1]; positions = range(maxlen)
    seq_len = x.shape[-1]
    positions = jnp.arange(0, seq_len)
    pos_emb = jnp.take(pos_table, positions, axis=0)          # [L, E]
    tok_emb = jnp.take(token_table, x, axis=0)                # [B, L, E]
    return tok_emb + pos_emb[None, :, :]

if __name__ == "__main__":
    import jax
    _d = setup_inputs()
    print(jax.jit(kernel)(*tuple(_d.values())))

</pallas_src>

<mosaic_0001>
#map = affine_map<(d0, d1) -> (0, 0)>
#map1 = affine_map<(d0, d1) -> (0)>
#map2 = affine_map<(d0, d1) -> (0, 0, 0)>
module attributes {stable_mosaic.version = 14 : i64} {
  func.func @body(%arg0: i32, %arg1: i32, %arg2: memref<200x1024xi32, #tpu.memory_space<hbm>>, %arg3: memref<64x100000xf32, #tpu.memory_space<hbm>>, %arg4: memref<12800xf32, #tpu.memory_space<hbm>>, %arg5: memref<200x64x1024xf32, #tpu.memory_space<hbm>>, %arg6: memref<100000xf32, #tpu.memory_space<vmem>>, %arg7: memref<12800xf32, #tpu.memory_space<vmem>>, %arg8: memref<4x1024xi32, #tpu.memory_space<vmem>>, %arg9: memref<4x1024xi32, #tpu.memory_space<vmem>>, %arg10: memref<4x1024xf32, #tpu.memory_space<vmem>>, %arg11: memref<4x1024xf32, #tpu.memory_space<vmem>>, %arg12: memref<!tpu.dma_semaphore, #tpu.memory_space<semaphore_mem>>, %arg13: memref<!tpu.dma_semaphore, #tpu.memory_space<semaphore_mem>>, %arg14: memref<!tpu.dma_semaphore, #tpu.memory_space<semaphore_mem>>, %arg15: memref<!tpu.dma_semaphore, #tpu.memory_space<semaphore_mem>>, %arg16: memref<!tpu.dma_semaphore, #tpu.memory_space<semaphore_mem>>) attributes {dimension_semantics = [#tpu.dimension_semantics<core_parallel>, #tpu.dimension_semantics<subcore_parallel>], iteration_bounds = array<i64: 2, 16>, scalar_prefetch = 0 : i64, scratch_operands = 11 : i64, tpu.core_type = #tpu.core_type<sc_vector_subcore>, window_params = [{transform_indices = #map}, {transform_indices = #map}, {transform_indices = #map1}, {transform_indices = #map2}]} {
    %mul3A = arith.constant 2 : i32
    %mul3A_0 = arith.muli %arg1, %mul3A : i32
    %add3A = arith.addi %mul3A_0, %arg0 : i32
    %mul3A_1 = arith.constant 2 : i32
    %mul3A_2 = arith.muli %add3A, %mul3A_1 : i32
    "tpu.region"() ({
      %run_scoped3A = tpu.sem_alloc : memref<!tpu.dma_semaphore, #tpu.memory_space<semaphore_mem>>
      tpu.enqueue_dma source(%arg4 : memref<12800xf32, #tpu.memory_space<hbm>>) target(%arg7 : memref<12800xf32, #tpu.memory_space<vmem>>) target_semaphore(%run_scoped3A : memref<!tpu.dma_semaphore, #tpu.memory_space<semaphore_mem>>)
      tpu.wait_dma2 semaphore(%run_scoped3A : memref<!tpu.dma_semaphore, #tpu.memory_space<semaphore_mem>>) src(%arg4 : memref<12800xf32, #tpu.memory_space<hbm>>) dst(%arg7 : memref<12800xf32, #tpu.memory_space<vmem>>)
      tpu.yield
    }) : () -> ()
    %add3A_3 = arith.constant 0 : i32
    %add3A_4 = arith.addi %mul3A_2, %add3A_3 : i32
    %dma_start3A = arith.constant 0 : i32
    %dma_start3A_5 = tpu.memref_slice %arg3[%add3A_4, %dma_start3A] : memref<64x100000xf32, #tpu.memory_space<hbm>> -> memref<1x100000xf32, #tpu.memory_space<hbm>>
    %dma_start3A_6 = tpu.memref_squeeze %dma_start3A_5 : memref<1x100000xf32, #tpu.memory_space<hbm>> -> memref<100000xf32, #tpu.memory_space<hbm>>
    %dma_start3A_7 = arith.constant 0 : i32
    %dma_start3A_8 = tpu.memref_slice %arg3[%add3A_4, %dma_start3A_7] : memref<64x100000xf32, #tpu.memory_space<hbm>> -> memref<1x100000xf32, #tpu.memory_space<hbm>>
    %dma_start3A_9 = tpu.memref_squeeze %dma_start3A_8 : memref<1x100000xf32, #tpu.memory_space<hbm>> -> memref<100000xf32, #tpu.memory_space<hbm>>
    tpu.enqueue_dma source(%dma_start3A_9 : memref<100000xf32, #tpu.memory_space<hbm>>) target(%arg6 : memref<100000xf32, #tpu.memory_space<vmem>>) target_semaphore(%arg12 : memref<!tpu.dma_semaphore, #tpu.memory_space<semaphore_mem>>)
    %dma_wait3A = arith.constant 0 : i32
    %dma_wait3A_10 = tpu.memref_slice %arg3[%add3A_4, %dma_wait3A] : memref<64x100000xf32, #tpu.memory_space<hbm>> -> memref<1x100000xf32, #tpu.memory_space<hbm>>
    %dma_wait3A_11 = tpu.memref_squeeze %dma_wait3A_10 : memref<1x100000xf32, #tpu.memory_space<hbm>> -> memref<100000xf32, #tpu.memory_space<hbm>>
    %dma_wait3A_12 = arith.constant 0 : i32
    %dma_wait3A_13 = tpu.memref_slice %arg3[%add3A_4, %dma_wait3A_12] : memref<64x100000xf32, #tpu.memory_space<hbm>> -> memref<1x100000xf32, #tpu.memory_space<hbm>>
    %dma_wait3A_14 = tpu.memref_squeeze %dma_wait3A_13 : memref<1x100000xf32, #tpu.memory_space<hbm>> -> memref<100000xf32, #tpu.memory_space<hbm>>
    tpu.wait_dma2 semaphore(%arg12 : memref<!tpu.dma_semaphore, #tpu.memory_space<semaphore_mem>>) src(%dma_wait3A_14 : memref<100000xf32, #tpu.memory_space<hbm>>) dst(%arg6 : memref<100000xf32, #tpu.memory_space<vmem>>)
    %dma_start3A_15 = arith.constant 0 : i32
    %dma_start3A_16 = arith.constant 0 : i32
    %dma_start3A_17 = tpu.memref_slice %arg2[%dma_start3A_15, %dma_start3A_16] : memref<200x1024xi32, #tpu.memory_space<hbm>> -> memref<4x1024xi32, #tpu.memory_space<hbm>>
    %dma_start3A_18 = arith.constant 0 : i32
    %dma_start3A_19 = arith.constant 0 : i32
    %dma_start3A_20 = tpu.memref_slice %arg2[%dma_start3A_18, %dma_start3A_19] : memref<200x1024xi32, #tpu.memory_space<hbm>> -> memref<4x1024xi32, #tpu.memory_space<hbm>>
    tpu.enqueue_dma source(%dma_start3A_20 : memref<4x1024xi32, #tpu.memory_space<hbm>>) target(%arg8 : memref<4x1024xi32, #tpu.memory_space<vmem>>) target_semaphore(%arg13 : memref<!tpu.dma_semaphore, #tpu.memory_space<semaphore_mem>>)
    %dma_start3A_21 = arith.constant 4 : i32
    %dma_start3A_22 = arith.constant 0 : i32
    %dma_start3A_23 = tpu.memref_slice %arg2[%dma_start3A_21, %dma_start3A_22] : memref<200x1024xi32, #tpu.memory_space<hbm>> -> memref<4x1024xi32, #tpu.memory_space<hbm>>
    %dma_start3A_24 = arith.constant 4 : i32
    %dma_start3A_25 = arith.constant 0 : i32
    %dma_start3A_26 = tpu.memref_slice %arg2[%dma_start3A_24, %dma_start3A_25] : memref<200x1024xi32, #tpu.memory_space<hbm>> -> memref<4x1024xi32, #tpu.memory_space<hbm>>
    tpu.enqueue_dma source(%dma_start3A_26 : memref<4x1024xi32, #tpu.memory_space<hbm>>) target(%arg9 : memref<4x1024xi32, #tpu.memory_space<vmem>>) target_semaphore(%arg14 : memref<!tpu.dma_semaphore, #tpu.memory_space<semaphore_mem>>)
    %scan3A = arith.constant 0 : i32
    %scan3A_27 = arith.constant 0 : i32
    %scan3A_28 = arith.constant 25 : i32
    %scan3A_29 = arith.addi %scan3A_27, %scan3A_28 : i32
    %scan3A_30 = arith.constant 1 : i32
    %scan3A_31 = scf.for %scan3A_98 = %scan3A_27 to %scan3A_29 step %scan3A_30 iter_args(%scan3A_99 = %scan3A) -> (i32)  : i32 {
      %mul3A_100 = arith.constant 2 : i32
      %mul3A_101 = arith.muli %mul3A_100, %scan3A_98 : i32
      %add3A_102 = arith.constant 0 : i32
      %add3A_103 = arith.addi %mul3A_101, %add3A_102 : i32
      %mul3A_104 = arith.constant 4 : i32
      %mul3A_105 = arith.muli %add3A_103, %mul3A_104 : i32
      %dma_wait3A_106 = arith.constant 0 : i32
      %dma_wait3A_107 = tpu.memref_slice %arg2[%mul3A_105, %dma_wait3A_106] : memref<200x1024xi32, #tpu.memory_space<hbm>> -> memref<4x1024xi32, #tpu.memory_space<hbm>>
      %dma_wait3A_108 = arith.constant 0 : i32
      %dma_wait3A_109 = tpu.memref_slice %arg2[%mul3A_105, %dma_wait3A_108] : memref<200x1024xi32, #tpu.memory_space<hbm>> -> memref<4x1024xi32, #tpu.memory_space<hbm>>
      tpu.wait_dma2 semaphore(%arg13 : memref<!tpu.dma_semaphore, #tpu.memory_space<semaphore_mem>>) src(%dma_wait3A_109 : memref<4x1024xi32, #tpu.memory_space<hbm>>) dst(%arg8 : memref<4x1024xi32, #tpu.memory_space<vmem>>)
      %gt3A = arith.constant 0 : i32
      %gt3A_110 = arith.cmpi sgt, %scan3A_98, %gt3A : i32
      %convert_element_type3A = arith.extui %gt3A_110 : i1 to i32
      %cond3A = arith.constant 0 : i32
      %cond3A_111 = arith.cmpi ne, %convert_element_type3A, %cond3A : i32
      scf.if %cond3A_111 {
        %sub3A = arith.constant 2 : i32
        %sub3A_238 = arith.subi %add3A_103, %sub3A : i32
        %mul3A_239 = arith.constant 4 : i32
        %mul3A_240 = arith.muli %sub3A_238, %mul3A_239 : i32
        %dma_wait3A_241 = arith.constant 0 : i32
        %dma_wait3A_242 = tpu.memref_slice %arg5[%mul3A_240, %add3A_4, %dma_wait3A_241] : memref<200x64x1024xf32, #tpu.memory_space<hbm>> -> memref<4x1x1024xf32, #tpu.memory_space<hbm>>
        %dma_wait3A_243 = tpu.memref_squeeze %dma_wait3A_242 : memref<4x1x1024xf32, #tpu.memory_space<hbm>> -> memref<4x1024xf32, #tpu.memory_space<hbm>>
        %dma_wait3A_244 = arith.constant 0 : i32
        %dma_wait3A_245 = tpu.memref_slice %arg5[%mul3A_240, %add3A_4, %dma_wait3A_244] : memref<200x64x1024xf32, #tpu.memory_space<hbm>> -> memref<4x1x1024xf32, #tpu.memory_space<hbm>>
        %dma_wait3A_246 = tpu.memref_squeeze %dma_wait3A_245 : memref<4x1x1024xf32, #tpu.memory_space<hbm>> -> memref<4x1024xf32, #tpu.memory_space<hbm>>
        tpu.wait_dma2 semaphore(%arg15 : memref<!tpu.dma_semaphore, #tpu.memory_space<semaphore_mem>>) src(%arg10 : memref<4x1024xf32, #tpu.memory_space<vmem>>) dst(%dma_wait3A_246 : memref<4x1024xf32, #tpu.memory_space<hbm>>)
      } else {
      }
      %mul3A_112 = arith.constant 200 : i32
      %mul3A_113 = arith.muli %add3A_4, %mul3A_112 : i32
      %mul3A_114 = arith.constant 4 : i32
      %mul3A_115 = arith.muli %add3A_103, %mul3A_114 : i32
      %add3A_116 = arith.constant 0 : i32
      %add3A_117 = arith.addi %mul3A_115, %add3A_116 : i32
      %add3A_118 = arith.addi %mul3A_113, %add3A_117 : i32
      %broadcast_in_dim3A = vector.broadcast %add3A_118 : i32 to vector<16xi32>
      %gather3A = tpu.vector_load_idx %arg7[%broadcast_in_dim3A] : memref<12800xf32, #tpu.memory_space<vmem>>[vector<16xi32>], vector<16xf32>,
      %parallel_loop3A = arith.constant 0 : i32
      %parallel_loop3A_119 = arith.constant 1024 : i32
      %parallel_loop3A_120 = arith.constant 16 : i32
      scf.for %parallel_loop3A_238 = %parallel_loop3A to %parallel_loop3A_119 step %parallel_loop3A_120  : i32 {
        %parallel_loop3A_239 = arith.constant 0 : i32
        %parallel_loop3A_240 = arith.index_cast %parallel_loop3A_239 : i32 to index
        %parallel_loop3A_241 = arith.index_cast %parallel_loop3A_238 : i32 to index
        %parallel_loop3A_242 = tpu.vector_load %arg8[%parallel_loop3A_240, %parallel_loop3A_241] {strides = array<i32>} : memref<4x1024xi32, #tpu.memory_space<vmem>>, vector<16xi32>,
        %parallel_loop3A_243 = tpu.vector_load_idx %arg6[%parallel_loop3A_242] : memref<100000xf32, #tpu.memory_space<vmem>>[vector<16xi32>], vector<16xf32>,
        %parallel_loop3A_244 = arith.addf %parallel_loop3A_243, %gather3A : vector<16xf32>
        %parallel_loop3A_245 = arith.constant 0 : i32
        %parallel_loop3A_246 = arith.index_cast %parallel_loop3A_245 : i32 to index
        %parallel_loop3A_247 = arith.index_cast %parallel_loop3A_238 : i32 to index
        %parallel_loop3A_248 = tpu.vector_load %arg10[%parallel_loop3A_246, %parallel_loop3A_247] {strides = array<i32>} : memref<4x1024xf32, #tpu.memory_space<vmem>>, vector<16xf32>,
        tpu.vector_store %arg10[%parallel_loop3A_246, %parallel_loop3A_247], %parallel_loop3A_244 {strides = array<i32>} : memref<4x1024xf32, #tpu.memory_space<vmem>>, vector<16xf32>,
      } {sc.loop_unroll_factor = 32 : i64, sc.parallel_access}
      %mul3A_121 = arith.constant 4 : i32
      %mul3A_122 = arith.muli %add3A_103, %mul3A_121 : i32
      %add3A_123 = arith.constant 1 : i32
      %add3A_124 = arith.addi %mul3A_122, %add3A_123 : i32
      %add3A_125 = arith.addi %mul3A_113, %add3A_124 : i32
      %broadcast_in_dim3A_126 = vector.broadcast %add3A_125 : i32 to vector<16xi32>
      %gather3A_127 = tpu.vector_load_idx %arg7[%broadcast_in_dim3A_126] : memref<12800xf32, #tpu.memory_space<vmem>>[vector<16xi32>], vector<16xf32>,
      %parallel_loop3A_128 = arith.constant 0 : i32
      %parallel_loop3A_129 = arith.constant 1024 : i32
      %parallel_loop3A_130 = arith.constant 16 : i32
      scf.for %parallel_loop3A_238 = %parallel_loop3A_128 to %parallel_loop3A_129 step %parallel_loop3A_130  : i32 {
        %parallel_loop3A_239 = arith.constant 1 : i32
        %parallel_loop3A_240 = arith.index_cast %parallel_loop3A_239 : i32 to index
        %parallel_loop3A_241 = arith.index_cast %parallel_loop3A_238 : i32 to index
        %parallel_loop3A_242 = tpu.vector_load %arg8[%parallel_loop3A_240, %parallel_loop3A_241] {strides = array<i32>} : memref<4x1024xi32, #tpu.memory_space<vmem>>, vector<16xi32>,
        %parallel_loop3A_243 = tpu.vector_load_idx %arg6[%parallel_loop3A_242] : memref<100000xf32, #tpu.memory_space<vmem>>[vector<16xi32>], vector<16xf32>,
        %parallel_loop3A_244 = arith.addf %parallel_loop3A_243, %gather3A_127 : vector<16xf32>
        %parallel_loop3A_245 = arith.constant 1 : i32
        %parallel_loop3A_246 = arith.index_cast %parallel_loop3A_245 : i32 to index
        %parallel_loop3A_247 = arith.index_cast %parallel_loop3A_238 : i32 to index
        %parallel_loop3A_248 = tpu.vector_load %arg10[%parallel_loop3A_246, %parallel_loop3A_247] {strides = array<i32>} : memref<4x1024xf32, #tpu.memory_space<vmem>>, vector<16xf32>,
        tpu.vector_store %arg10[%parallel_loop3A_246, %parallel_loop3A_247], %parallel_loop3A_244 {strides = array<i32>} : memref<4x1024xf32, #tpu.memory_space<vmem>>, vector<16xf32>,
      } {sc.loop_unroll_factor = 32 : i64, sc.parallel_access}
      %mul3A_131 = arith.constant 4 : i32
      %mul3A_132 = arith.muli %add3A_103, %mul3A_131 : i32
      %add3A_133 = arith.constant 2 : i32
      %add3A_134 = arith.addi %mul3A_132, %add3A_133 : i32
      %add3A_135 = arith.addi %mul3A_113, %add3A_134 : i32
      %broadcast_in_dim3A_136 = vector.broadcast %add3A_135 : i32 to vector<16xi32>
      %gather3A_137 = tpu.vector_load_idx %arg7[%broadcast_in_dim3A_136] : memref<12800xf32, #tpu.memory_space<vmem>>[vector<16xi32>], vector<16xf32>,
      %parallel_loop3A_138 = arith.constant 0 : i32
      %parallel_loop3A_139 = arith.constant 1024 : i32
      %parallel_loop3A_140 = arith.constant 16 : i32
      scf.for %parallel_loop3A_238 = %parallel_loop3A_138 to %parallel_loop3A_139 step %parallel_loop3A_140  : i32 {
        %parallel_loop3A_239 = arith.constant 2 : i32
        %parallel_loop3A_240 = arith.index_cast %parallel_loop3A_239 : i32 to index
        %parallel_loop3A_241 = arith.index_cast %parallel_loop3A_238 : i32 to index
        %parallel_loop3A_242 = tpu.vector_load %arg8[%parallel_loop3A_240, %parallel_loop3A_241] {strides = array<i32>} : memref<4x1024xi32, #tpu.memory_space<vmem>>, vector<16xi32>,
        %parallel_loop3A_243 = tpu.vector_load_idx %arg6[%parallel_loop3A_242] : memref<100000xf32, #tpu.memory_space<vmem>>[vector<16xi32>], vector<16xf32>,
        %parallel_loop3A_244 = arith.addf %parallel_loop3A_243, %gather3A_137 : vector<16xf32>
        %parallel_loop3A_245 = arith.constant 2 : i32
        %parallel_loop3A_246 = arith.index_cast %parallel_loop3A_245 : i32 to index
        %parallel_loop3A_247 = arith.index_cast %parallel_loop3A_238 : i32 to index
        %parallel_loop3A_248 = tpu.vector_load %arg10[%parallel_loop3A_246, %parallel_loop3A_247] {strides = array<i32>} : memref<4x1024xf32, #tpu.memory_space<vmem>>, vector<16xf32>,
        tpu.vector_store %arg10[%parallel_loop3A_246, %parallel_loop3A_247], %parallel_loop3A_244 {strides = array<i32>} : memref<4x1024xf32, #tpu.memory_space<vmem>>, vector<16xf32>,
      } {sc.loop_unroll_factor = 32 : i64, sc.parallel_access}
      %mul3A_141 = arith.constant 4 : i32
      %mul3A_142 = arith.muli %add3A_103, %mul3A_141 : i32
      %add3A_143 = arith.constant 3 : i32
      %add3A_144 = arith.addi %mul3A_142, %add3A_143 : i32
      %add3A_145 = arith.addi %mul3A_113, %add3A_144 : i32
      %broadcast_in_dim3A_146 = vector.broadcast %add3A_145 : i32 to vector<16xi32>
      %gather3A_147 = tpu.vector_load_idx %arg7[%broadcast_in_dim3A_146] : memref<12800xf32, #tpu.memory_space<vmem>>[vector<16xi32>], vector<16xf32>,
      %parallel_loop3A_148 = arith.constant 0 : i32
      %parallel_loop3A_149 = arith.constant 1024 : i32
      %parallel_loop3A_150 = arith.constant 16 : i32
      scf.for %parallel_loop3A_238 = %parallel_loop3A_148 to %parallel_loop3A_149 step %parallel_loop3A_150  : i32 {
        %parallel_loop3A_239 = arith.constant 3 : i32
        %parallel_loop3A_240 = arith.index_cast %parallel_loop3A_239 : i32 to index
        %parallel_loop3A_241 = arith.index_cast %parallel_loop3A_238 : i32 to index
        %parallel_loop3A_242 = tpu.vector_load %arg8[%parallel_loop3A_240, %parallel_loop3A_241] {strides = array<i32>} : memref<4x1024xi32, #tpu.memory_space<vmem>>, vector<16xi32>,
        %parallel_loop3A_243 = tpu.vector_load_idx %arg6[%parallel_loop3A_242] : memref<100000xf32, #tpu.memory_space<vmem>>[vector<16xi32>], vector<16xf32>,
        %parallel_loop3A_244 = arith.addf %parallel_loop3A_243, %gather3A_147 : vector<16xf32>
        %parallel_loop3A_245 = arith.constant 3 : i32
        %parallel_loop3A_246 = arith.index_cast %parallel_loop3A_245 : i32 to index
        %parallel_loop3A_247 = arith.index_cast %parallel_loop3A_238 : i32 to index
        %parallel_loop3A_248 = tpu.vector_load %arg10[%parallel_loop3A_246, %parallel_loop3A_247] {strides = array<i32>} : memref<4x1024xf32, #tpu.memory_space<vmem>>, vector<16xf32>,
        tpu.vector_store %arg10[%parallel_loop3A_246, %parallel_loop3A_247], %parallel_loop3A_244 {strides = array<i32>} : memref<4x1024xf32, #tpu.memory_space<vmem>>, vector<16xf32>,
      } {sc.loop_unroll_factor = 32 : i64, sc.parallel_access}
      %add3A_151 = arith.constant 2 : i32
      %add3A_152 = arith.addi %add3A_103, %add3A_151 : i32
      %lt3A = arith.constant 50 : i32
      %lt3A_153 = arith.cmpi slt, %add3A_152, %lt3A : i32
      %convert_element_type3A_154 = arith.extui %lt3A_153 : i1 to i32
      %cond3A_155 = arith.constant 0 : i32
      %cond3A_156 = arith.cmpi ne, %convert_element_type3A_154, %cond3A_155 : i32
      scf.if %cond3A_156 {
        %add3A_238 = arith.constant 2 : i32
        %add3A_239 = arith.addi %add3A_103, %add3A_238 : i32
        %mul3A_240 = arith.constant 4 : i32
        %mul3A_241 = arith.muli %add3A_239, %mul3A_240 : i32
        %dma_start3A_242 = arith.constant 0 : i32
        %dma_start3A_243 = tpu.memref_slice %arg2[%mul3A_241, %dma_start3A_242] : memref<200x1024xi32, #tpu.memory_space<hbm>> -> memref<4x1024xi32, #tpu.memory_space<hbm>>
        %dma_start3A_244 = arith.constant 0 : i32
        %dma_start3A_245 = tpu.memref_slice %arg2[%mul3A_241, %dma_start3A_244] : memref<200x1024xi32, #tpu.memory_space<hbm>> -> memref<4x1024xi32, #tpu.memory_space<hbm>>
        tpu.enqueue_dma source(%dma_start3A_245 : memref<4x1024xi32, #tpu.memory_space<hbm>>) target(%arg8 : memref<4x1024xi32, #tpu.memory_space<vmem>>) target_semaphore(%arg13 : memref<!tpu.dma_semaphore, #tpu.memory_space<semaphore_mem>>)
      } else {
      }
      %mul3A_157 = arith.constant 4 : i32
      %mul3A_158 = arith.muli %add3A_103, %mul3A_157 : i32
      %dma_start3A_159 = arith.constant 0 : i32
      %dma_start3A_160 = tpu.memref_slice %arg5[%mul3A_158, %add3A_4, %dma_start3A_159] : memref<200x64x1024xf32, #tpu.memory_space<hbm>> -> memref<4x1x1024xf32, #tpu.memory_space<hbm>>
      %dma_start3A_161 = tpu.memref_squeeze %dma_start3A_160 : memref<4x1x1024xf32, #tpu.memory_space<hbm>> -> memref<4x1024xf32, #tpu.memory_space<hbm>>
      %dma_start3A_162 = arith.constant 0 : i32
      %dma_start3A_163 = tpu.memref_slice %arg5[%mul3A_158, %add3A_4, %dma_start3A_162] : memref<200x64x1024xf32, #tpu.memory_space<hbm>> -> memref<4x1x1024xf32, #tpu.memory_space<hbm>>
      %dma_start3A_164 = tpu.memref_squeeze %dma_start3A_163 : memref<4x1x1024xf32, #tpu.memory_space<hbm>> -> memref<4x1024xf32, #tpu.memory_space<hbm>>
      tpu.enqueue_dma source(%arg10 : memref<4x1024xf32, #tpu.memory_space<vmem>>) target(%dma_start3A_164 : memref<4x1024xf32, #tpu.memory_space<hbm>>) target_semaphore(%arg15 : memref<!tpu.dma_semaphore, #tpu.memory_space<semaphore_mem>>)
      %mul3A_165 = arith.constant 2 : i32
      %mul3A_166 = arith.muli %mul3A_165, %scan3A_98 : i32
      %add3A_167 = arith.constant 1 : i32
      %add3A_168 = arith.addi %mul3A_166, %add3A_167 : i32
      %mul3A_169 = arith.constant 4 : i32
      %mul3A_170 = arith.muli %add3A_168, %mul3A_169 : i32
      %dma_wait3A_171 = arith.constant 0 : i32
      %dma_wait3A_172 = tpu.memref_slice %arg2[%mul3A_170, %dma_wait3A_171] : memref<200x1024xi32, #tpu.memory_space<hbm>> -> memref<4x1024xi32, #tpu.memory_space<hbm>>
      %dma_wait3A_173 = arith.constant 0 : i32
      %dma_wait3A_174 = tpu.memref_slice %arg2[%mul3A_170, %dma_wait3A_173] : memref<200x1024xi32, #tpu.memory_space<hbm>> -> memref<4x1024xi32, #tpu.memory_space<hbm>>
      tpu.wait_dma2 semaphore(%arg14 : memref<!tpu.dma_semaphore, #tpu.memory_space<semaphore_mem>>) src(%dma_wait3A_174 : memref<4x1024xi32, #tpu.memory_space<hbm>>) dst(%arg9 : memref<4x1024xi32, #tpu.memory_space<vmem>>)
      %gt3A_175 = arith.constant 0 : i32
      %gt3A_176 = arith.cmpi sgt, %scan3A_98, %gt3A_175 : i32
      %convert_element_type3A_177 = arith.extui %gt3A_176 : i1 to i32
      %cond3A_178 = arith.constant 0 : i32
      %cond3A_179 = arith.cmpi ne, %convert_element_type3A_177, %cond3A_178 : i32
      scf.if %cond3A_179 {
        %sub3A = arith.constant 2 : i32
        %sub3A_238 = arith.subi %add3A_168, %sub3A : i32
        %mul3A_239 = arith.constant 4 : i32
        %mul3A_240 = arith.muli %sub3A_238, %mul3A_239 : i32
        %dma_wait3A_241 = arith.constant 0 : i32
        %dma_wait3A_242 = tpu.memref_slice %arg5[%mul3A_240, %add3A_4, %dma_wait3A_241] : memref<200x64x1024xf32, #tpu.memory_space<hbm>> -> memref<4x1x1024xf32, #tpu.memory_space<hbm>>
        %dma_wait3A_243 = tpu.memref_squeeze %dma_wait3A_242 : memref<4x1x1024xf32, #tpu.memory_space<hbm>> -> memref<4x1024xf32, #tpu.memory_space<hbm>>
        %dma_wait3A_244 = arith.constant 0 : i32
        %dma_wait3A_245 = tpu.memref_slice %arg5[%mul3A_240, %add3A_4, %dma_wait3A_244] : memref<200x64x1024xf32, #tpu.memory_space<hbm>> -> memref<4x1x1024xf32, #tpu.memory_space<hbm>>
        %dma_wait3A_246 = tpu.memref_squeeze %dma_wait3A_245 : memref<4x1x1024xf32, #tpu.memory_space<hbm>> -> memref<4x1024xf32, #tpu.memory_space<hbm>>
        tpu.wait_dma2 semaphore(%arg16 : memref<!tpu.dma_semaphore, #tpu.memory_space<semaphore_mem>>) src(%arg11 : memref<4x1024xf32, #tpu.memory_space<vmem>>) dst(%dma_wait3A_246 : memref<4x1024xf32, #tpu.memory_space<hbm>>)
      } else {
      }
      %mul3A_180 = arith.constant 200 : i32
      %mul3A_181 = arith.muli %add3A_4, %mul3A_180 : i32
      %mul3A_182 = arith.constant 4 : i32
      %mul3A_183 = arith.muli %add3A_168, %mul3A_182 : i32
      %add3A_184 = arith.constant 0 : i32
      %add3A_185 = arith.addi %mul3A_183, %add3A_184 : i32
      %add3A_186 = arith.addi %mul3A_181, %add3A_185 : i32
      %broadcast_in_dim3A_187 = vector.broadcast %add3A_186 : i32 to vector<16xi32>
      %gather3A_188 = tpu.vector_load_idx %arg7[%broadcast_in_dim3A_187] : memref<12800xf32, #tpu.memory_space<vmem>>[vector<16xi32>], vector<16xf32>,
      %parallel_loop3A_189 = arith.constant 0 : i32
      %parallel_loop3A_190 = arith.constant 1024 : i32
      %parallel_loop3A_191 = arith.constant 16 : i32
      scf.for %parallel_loop3A_238 = %parallel_loop3A_189 to %parallel_loop3A_190 step %parallel_loop3A_191  : i32 {
        %parallel_loop3A_239 = arith.constant 0 : i32
        %parallel_loop3A_240 = arith.index_cast %parallel_loop3A_239 : i32 to index
        %parallel_loop3A_241 = arith.index_cast %parallel_loop3A_238 : i32 to index
        %parallel_loop3A_242 = tpu.vector_load %arg9[%parallel_loop3A_240, %parallel_loop3A_241] {strides = array<i32>} : memref<4x1024xi32, #tpu.memory_space<vmem>>, vector<16xi32>,
        %parallel_loop3A_243 = tpu.vector_load_idx %arg6[%parallel_loop3A_242] : memref<100000xf32, #tpu.memory_space<vmem>>[vector<16xi32>], vector<16xf32>,
        %parallel_loop3A_244 = arith.addf %parallel_loop3A_243, %gather3A_188 : vector<16xf32>
        %parallel_loop3A_245 = arith.constant 0 : i32
        %parallel_loop3A_246 = arith.index_cast %parallel_loop3A_245 : i32 to index
        %parallel_loop3A_247 = arith.index_cast %parallel_loop3A_238 : i32 to index
        %parallel_loop3A_248 = tpu.vector_load %arg11[%parallel_loop3A_246, %parallel_loop3A_247] {strides = array<i32>} : memref<4x1024xf32, #tpu.memory_space<vmem>>, vector<16xf32>,
        tpu.vector_store %arg11[%parallel_loop3A_246, %parallel_loop3A_247], %parallel_loop3A_244 {strides = array<i32>} : memref<4x1024xf32, #tpu.memory_space<vmem>>, vector<16xf32>,
      } {sc.loop_unroll_factor = 32 : i64, sc.parallel_access}
      %mul3A_192 = arith.constant 4 : i32
      %mul3A_193 = arith.muli %add3A_168, %mul3A_192 : i32
      %add3A_194 = arith.constant 1 : i32
      %add3A_195 = arith.addi %mul3A_193, %add3A_194 : i32
      %add3A_196 = arith.addi %mul3A_181, %add3A_195 : i32
      %broadcast_in_dim3A_197 = vector.broadcast %add3A_196 : i32 to vector<16xi32>
      %gather3A_198 = tpu.vector_load_idx %arg7[%broadcast_in_dim3A_197] : memref<12800xf32, #tpu.memory_space<vmem>>[vector<16xi32>], vector<16xf32>,
      %parallel_loop3A_199 = arith.constant 0 : i32
      %parallel_loop3A_200 = arith.constant 1024 : i32
      %parallel_loop3A_201 = arith.constant 16 : i32
      scf.for %parallel_loop3A_238 = %parallel_loop3A_199 to %parallel_loop3A_200 step %parallel_loop3A_201  : i32 {
        %parallel_loop3A_239 = arith.constant 1 : i32
        %parallel_loop3A_240 = arith.index_cast %parallel_loop3A_239 : i32 to index
        %parallel_loop3A_241 = arith.index_cast %parallel_loop3A_238 : i32 to index
        %parallel_loop3A_242 = tpu.vector_load %arg9[%parallel_loop3A_240, %parallel_loop3A_241] {strides = array<i32>} : memref<4x1024xi32, #tpu.memory_space<vmem>>, vector<16xi32>,
        %parallel_loop3A_243 = tpu.vector_load_idx %arg6[%parallel_loop3A_242] : memref<100000xf32, #tpu.memory_space<vmem>>[vector<16xi32>], vector<16xf32>,
        %parallel_loop3A_244 = arith.addf %parallel_loop3A_243, %gather3A_198 : vector<16xf32>
        %parallel_loop3A_245 = arith.constant 1 : i32
        %parallel_loop3A_246 = arith.index_cast %parallel_loop3A_245 : i32 to index
        %parallel_loop3A_247 = arith.index_cast %parallel_loop3A_238 : i32 to index
        %parallel_loop3A_248 = tpu.vector_load %arg11[%parallel_loop3A_246, %parallel_loop3A_247] {strides = array<i32>} : memref<4x1024xf32, #tpu.memory_space<vmem>>, vector<16xf32>,
        tpu.vector_store %arg11[%parallel_loop3A_246, %parallel_loop3A_247], %parallel_loop3A_244 {strides = array<i32>} : memref<4x1024xf32, #tpu.memory_space<vmem>>, vector<16xf32>,
      } {sc.loop_unroll_factor = 32 : i64, sc.parallel_access}
      %mul3A_202 = arith.constant 4 : i32
      %mul3A_203 = arith.muli %add3A_168, %mul3A_202 : i32
      %add3A_204 = arith.constant 2 : i32
      %add3A_205 = arith.addi %mul3A_203, %add3A_204 : i32
      %add3A_206 = arith.addi %mul3A_181, %add3A_205 : i32
      %broadcast_in_dim3A_207 = vector.broadcast %add3A_206 : i32 to vector<16xi32>
      %gather3A_208 = tpu.vector_load_idx %arg7[%broadcast_in_dim3A_207] : memref<12800xf32, #tpu.memory_space<vmem>>[vector<16xi32>], vector<16xf32>,
      %parallel_loop3A_209 = arith.constant 0 : i32
      %parallel_loop3A_210 = arith.constant 1024 : i32
      %parallel_loop3A_211 = arith.constant 16 : i32
      scf.for %parallel_loop3A_238 = %parallel_loop3A_209 to %parallel_loop3A_210 step %parallel_loop3A_211  : i32 {
        %parallel_loop3A_239 = arith.constant 2 : i32
        %parallel_loop3A_240 = arith.index_cast %parallel_loop3A_239 : i32 to index
        %parallel_loop3A_241 = arith.index_cast %parallel_loop3A_238 : i32 to index
        %parallel_loop3A_242 = tpu.vector_load %arg9[%parallel_loop3A_240, %parallel_loop3A_241] {strides = array<i32>} : memref<4x1024xi32, #tpu.memory_space<vmem>>, vector<16xi32>,
        %parallel_loop3A_243 = tpu.vector_load_idx %arg6[%parallel_loop3A_242] : memref<100000xf32, #tpu.memory_space<vmem>>[vector<16xi32>], vector<16xf32>,
        %parallel_loop3A_244 = arith.addf %parallel_loop3A_243, %gather3A_208 : vector<16xf32>
        %parallel_loop3A_245 = arith.constant 2 : i32
        %parallel_loop3A_246 = arith.index_cast %parallel_loop3A_245 : i32 to index
        %parallel_loop3A_247 = arith.index_cast %parallel_loop3A_238 : i32 to index
        %parallel_loop3A_248 = tpu.vector_load %arg11[%parallel_loop3A_246, %parallel_loop3A_247] {strides = array<i32>} : memref<4x1024xf32, #tpu.memory_space<vmem>>, vector<16xf32>,
        tpu.vector_store %arg11[%parallel_loop3A_246, %parallel_loop3A_247], %parallel_loop3A_244 {strides = array<i32>} : memref<4x1024xf32, #tpu.memory_space<vmem>>, vector<16xf32>,
      } {sc.loop_unroll_factor = 32 : i64, sc.parallel_access}
      %mul3A_212 = arith.constant 4 : i32
      %mul3A_213 = arith.muli %add3A_168, %mul3A_212 : i32
      %add3A_214 = arith.constant 3 : i32
      %add3A_215 = arith.addi %mul3A_213, %add3A_214 : i32
      %add3A_216 = arith.addi %mul3A_181, %add3A_215 : i32
      %broadcast_in_dim3A_217 = vector.broadcast %add3A_216 : i32 to vector<16xi32>
      %gather3A_218 = tpu.vector_load_idx %arg7[%broadcast_in_dim3A_217] : memref<12800xf32, #tpu.memory_space<vmem>>[vector<16xi32>], vector<16xf32>,
      %parallel_loop3A_219 = arith.constant 0 : i32
      %parallel_loop3A_220 = arith.constant 1024 : i32
      %parallel_loop3A_221 = arith.constant 16 : i32
      scf.for %parallel_loop3A_238 = %parallel_loop3A_219 to %parallel_loop3A_220 step %parallel_loop3A_221  : i32 {
        %parallel_loop3A_239 = arith.constant 3 : i32
        %parallel_loop3A_240 = arith.index_cast %parallel_loop3A_239 : i32 to index
        %parallel_loop3A_241 = arith.index_cast %parallel_loop3A_238 : i32 to index
        %parallel_loop3A_242 = tpu.vector_load %arg9[%parallel_loop3A_240, %parallel_loop3A_241] {strides = array<i32>} : memref<4x1024xi32, #tpu.memory_space<vmem>>, vector<16xi32>,
        %parallel_loop3A_243 = tpu.vector_load_idx %arg6[%parallel_loop3A_242] : memref<100000xf32, #tpu.memory_space<vmem>>[vector<16xi32>], vector<16xf32>,
        %parallel_loop3A_244 = arith.addf %parallel_loop3A_243, %gather3A_218 : vector<16xf32>
        %parallel_loop3A_245 = arith.constant 3 : i32
        %parallel_loop3A_246 = arith.index_cast %parallel_loop3A_245 : i32 to index
        %parallel_loop3A_247 = arith.index_cast %parallel_loop3A_238 : i32 to index
        %parallel_loop3A_248 = tpu.vector_load %arg11[%parallel_loop3A_246, %parallel_loop3A_247] {strides = array<i32>} : memref<4x1024xf32, #tpu.memory_space<vmem>>, vector<16xf32>,
        tpu.vector_store %arg11[%parallel_loop3A_246, %parallel_loop3A_247], %parallel_loop3A_244 {strides = array<i32>} : memref<4x1024xf32, #tpu.memory_space<vmem>>, vector<16xf32>,
      } {sc.loop_unroll_factor = 32 : i64, sc.parallel_access}
      %add3A_222 = arith.constant 2 : i32
      %add3A_223 = arith.addi %add3A_168, %add3A_222 : i32
      %lt3A_224 = arith.constant 50 : i32
      %lt3A_225 = arith.cmpi slt, %add3A_223, %lt3A_224 : i32
      %convert_element_type3A_226 = arith.extui %lt3A_225 : i1 to i32
      %cond3A_227 = arith.constant 0 : i32
      %cond3A_228 = arith.cmpi ne, %convert_element_type3A_226, %cond3A_227 : i32
      scf.if %cond3A_228 {
        %add3A_238 = arith.constant 2 : i32
        %add3A_239 = arith.addi %add3A_168, %add3A_238 : i32
        %mul3A_240 = arith.constant 4 : i32
        %mul3A_241 = arith.muli %add3A_239, %mul3A_240 : i32
        %dma_start3A_242 = arith.constant 0 : i32
        %dma_start3A_243 = tpu.memref_slice %arg2[%mul3A_241, %dma_start3A_242] : memref<200x1024xi32, #tpu.memory_space<hbm>> -> memref<4x1024xi32, #tpu.memory_space<hbm>>
        %dma_start3A_244 = arith.constant 0 : i32
        %dma_start3A_245 = tpu.memref_slice %arg2[%mul3A_241, %dma_start3A_244] : memref<200x1024xi32, #tpu.memory_space<hbm>> -> memref<4x1024xi32, #tpu.memory_space<hbm>>
        tpu.enqueue_dma source(%dma_start3A_245 : memref<4x1024xi32, #tpu.memory_space<hbm>>) target(%arg9 : memref<4x1024xi32, #tpu.memory_space<vmem>>) target_semaphore(%arg14 : memref<!tpu.dma_semaphore, #tpu.memory_space<semaphore_mem>>)
      } else {
      }
      %mul3A_229 = arith.constant 4 : i32
      %mul3A_230 = arith.muli %add3A_168, %mul3A_229 : i32
      %dma_start3A_231 = arith.constant 0 : i32
      %dma_start3A_232 = tpu.memref_slice %arg5[%mul3A_230, %add3A_4, %dma_start3A_231] : memref<200x64x1024xf32, #tpu.memory_space<hbm>> -> memref<4x1x1024xf32, #tpu.memory_space<hbm>>
      %dma_start3A_233 = tpu.memref_squeeze %dma_start3A_232 : memref<4x1x1024xf32, #tpu.memory_space<hbm>> -> memref<4x1024xf32, #tpu.memory_space<hbm>>
      %dma_start3A_234 = arith.constant 0 : i32
      %dma_start3A_235 = tpu.memref_slice %arg5[%mul3A_230, %add3A_4, %dma_start3A_234] : memref<200x64x1024xf32, #tpu.memory_space<hbm>> -> memref<4x1x1024xf32, #tpu.memory_space<hbm>>
      %dma_start3A_236 = tpu.memref_squeeze %dma_start3A_235 : memref<4x1x1024xf32, #tpu.memory_space<hbm>> -> memref<4x1024xf32, #tpu.memory_space<hbm>>
      tpu.enqueue_dma source(%arg11 : memref<4x1024xf32, #tpu.memory_space<vmem>>) target(%dma_start3A_236 : memref<4x1024xf32, #tpu.memory_space<hbm>>) target_semaphore(%arg16 : memref<!tpu.dma_semaphore, #tpu.memory_space<semaphore_mem>>)
      %scan3A_237 = arith.constant 0 : i32
      scf.yield %scan3A_237 : i32
    }
    %scan3A_32 = arith.constant 25 : i32
    %dma_wait3A_33 = arith.constant 192 : i32
    %dma_wait3A_34 = arith.constant 0 : i32
    %dma_wait3A_35 = tpu.memref_slice %arg5[%dma_wait3A_33, %add3A_4, %dma_wait3A_34] : memref<200x64x1024xf32, #tpu.memory_space<hbm>> -> memref<4x1x1024xf32, #tpu.memory_space<hbm>>
    %dma_wait3A_36 = tpu.memref_squeeze %dma_wait3A_35 : memref<4x1x1024xf32, #tpu.memory_space<hbm>> -> memref<4x1024xf32, #tpu.memory_space<hbm>>
    %dma_wait3A_37 = arith.constant 192 : i32
    %dma_wait3A_38 = arith.constant 0 : i32
    %dma_wait3A_39 = tpu.memref_slice %arg5[%dma_wait3A_37, %add3A_4, %dma_wait3A_38] : memref<200x64x1024xf32, #tpu.memory_space<hbm>> -> memref<4x1x1024xf32, #tpu.memory_space<hbm>>
    %dma_wait3A_40 = tpu.memref_squeeze %dma_wait3A_39 : memref<4x1x1024xf32, #tpu.memory_space<hbm>> -> memref<4x1024xf32, #tpu.memory_space<hbm>>
    tpu.wait_dma2 semaphore(%arg15 : memref<!tpu.dma_semaphore, #tpu.memory_space<semaphore_mem>>) src(%arg10 : memref<4x1024xf32, #tpu.memory_space<vmem>>) dst(%dma_wait3A_40 : memref<4x1024xf32, #tpu.memory_space<hbm>>)
    %dma_wait3A_41 = arith.constant 196 : i32
    %dma_wait3A_42 = arith.constant 0 : i32
    %dma_wait3A_43 = tpu.memref_slice %arg5[%dma_wait3A_41, %add3A_4, %dma_wait3A_42] : memref<200x64x1024xf32, #tpu.memory_space<hbm>> -> memref<4x1x1024xf32, #tpu.memory_space<hbm>>
    %dma_wait3A_44 = tpu.memref_squeeze %dma_wait3A_43 : memref<4x1x1024xf32, #tpu.memory_space<hbm>> -> memref<4x1024xf32, #tpu.memory_space<hbm>>
    %dma_wait3A_45 = arith.constant 196 : i32
    %dma_wait3A_46 = arith.constant 0 : i32
    %dma_wait3A_47 = tpu.memref_slice %arg5[%dma_wait3A_45, %add3A_4, %dma_wait3A_46] : memref<200x64x1024xf32, #tpu.memory_space<hbm>> -> memref<4x1x1024xf32, #tpu.memory_space<hbm>>
    %dma_wait3A_48 = tpu.memref_squeeze %dma_wait3A_47 : memref<4x1x1024xf32, #tpu.memory_space<hbm>> -> memref<4x1024xf32, #tpu.memory_space<hbm>>
    tpu.wait_dma2 semaphore(%arg16 : memref<!tpu.dma_semaphore, #tpu.memory_space<semaphore_mem>>) src(%arg11 : memref<4x1024xf32, #tpu.memory_space<vmem>>) dst(%dma_wait3A_48 : memref<4x1024xf32, #tpu.memory_space<hbm>>)
    %add3A_49 = arith.constant 1 : i32
    %add3A_50 = arith.addi %mul3A_2, %add3A_49 : i32
    %dma_start3A_51 = arith.constant 0 : i32
    %dma_start3A_52 = tpu.memref_slice %arg3[%add3A_50, %dma_start3A_51] : memref<64x100000xf32, #tpu.memory_space<hbm>> -> memref<1x100000xf32, #tpu.memory_space<hbm>>
    %dma_start3A_53 = tpu.memref_squeeze %dma_start3A_52 : memref<1x100000xf32, #tpu.memory_space<hbm>> -> memref<100000xf32, #tpu.memory_space<hbm>>
    %dma_start3A_54 = arith.constant 0 : i32
    %dma_start3A_55 = tpu.memref_slice %arg3[%add3A_50, %dma_start3A_54] : memref<64x100000xf32, #tpu.memory_space<hbm>> -> memref<1x100000xf32, #tpu.memory_space<hbm>>
    %dma_start3A_56 = tpu.memref_squeeze %dma_start3A_55 : memref<1x100000xf32, #tpu.memory_space<hbm>> -> memref<100000xf32, #tpu.memory_space<hbm>>
    tpu.enqueue_dma source(%dma_start3A_56 : memref<100000xf32, #tpu.memory_space<hbm>>) target(%arg6 : memref<100000xf32, #tpu.memory_space<vmem>>) target_semaphore(%arg12 : memref<!tpu.dma_semaphore, #tpu.memory_space<semaphore_mem>>)
    %dma_wait3A_57 = arith.constant 0 : i32
    %dma_wait3A_58 = tpu.memref_slice %arg3[%add3A_50, %dma_wait3A_57] : memref<64x100000xf32, #tpu.memory_space<hbm>> -> memref<1x100000xf32, #tpu.memory_space<hbm>>
    %dma_wait3A_59 = tpu.memref_squeeze %dma_wait3A_58 : memref<1x100000xf32, #tpu.memory_space<hbm>> -> memref<100000xf32, #tpu.memory_space<hbm>>
    %dma_wait3A_60 = arith.constant 0 : i32
    %dma_wait3A_61 = tpu.memref_slice %arg3[%add3A_50, %dma_wait3A_60] : memref<64x100000xf32, #tpu.memory_space<hbm>> -> memref<1x100000xf32, #tpu.memory_space<hbm>>
    %dma_wait3A_62 = tpu.memref_squeeze %dma_wait3A_61 : memref<1x100000xf32, #tpu.memory_space<hbm>> -> memref<100000xf32, #tpu.memory_space<hbm>>
    tpu.wait_dma2 semaphore(%arg12 : memref<!tpu.dma_semaphore, #tpu.memory_space<semaphore_mem>>) src(%dma_wait3A_62 : memref<100000xf32, #tpu.memory_space<hbm>>) dst(%arg6 : memref<100000xf32, #tpu.memory_space<vmem>>)
    %dma_start3A_63 = arith.constant 0 : i32
    %dma_start3A_64 = arith.constant 0 : i32
    %dma_start3A_65 = tpu.memref_slice %arg2[%dma_start3A_63, %dma_start3A_64] : memref<200x1024xi32, #tpu.memory_space<hbm>> -> memref<4x1024xi32, #tpu.memory_space<hbm>>
    %dma_start3A_66 = arith.constant 0 : i32
    %dma_start3A_67 = arith.constant 0 : i32
    %dma_start3A_68 = tpu.memref_slice %arg2[%dma_start3A_66, %dma_start3A_67] : memref<200x1024xi32, #tpu.memory_space<hbm>> -> memref<4x1024xi32, #tpu.memory_space<hbm>>
    tpu.enqueue_dma source(%dma_start3A_68 : memref<4x1024xi32, #tpu.memory_space<hbm>>) target(%arg8 : memref<4x1024xi32, #tpu.memory_space<vmem>>) target_semaphore(%arg13 : memref<!tpu.dma_semaphore, #tpu.memory_space<semaphore_mem>>)
    %dma_start3A_69 = arith.constant 4 : i32
    %dma_start3A_70 = arith.constant 0 : i32
    %dma_start3A_71 = tpu.memref_slice %arg2[%dma_start3A_69, %dma_start3A_70] : memref<200x1024xi32, #tpu.memory_space<hbm>> -> memref<4x1024xi32, #tpu.memory_space<hbm>>
    %dma_start3A_72 = arith.constant 4 : i32
    %dma_start3A_73 = arith.constant 0 : i32
    %dma_start3A_74 = tpu.memref_slice %arg2[%dma_start3A_72, %dma_start3A_73] : memref<200x1024xi32, #tpu.memory_space<hbm>> -> memref<4x1024xi32, #tpu.memory_space<hbm>>
    tpu.enqueue_dma source(%dma_start3A_74 : memref<4x1024xi32, #tpu.memory_space<hbm>>) target(%arg9 : memref<4x1024xi32, #tpu.memory_space<vmem>>) target_semaphore(%arg14 : memref<!tpu.dma_semaphore, #tpu.memory_space<semaphore_mem>>)
    %scan3A_75 = arith.constant 0 : i32
    %scan3A_76 = arith.constant 0 : i32
    %scan3A_77 = arith.constant 25 : i32
    %scan3A_78 = arith.addi %scan3A_76, %scan3A_77 : i32
    %scan3A_79 = arith.constant 1 : i32
    %scan3A_80 = scf.for %scan3A_98 = %scan3A_76 to %scan3A_78 step %scan3A_79 iter_args(%scan3A_99 = %scan3A_75) -> (i32)  : i32 {
      %mul3A_100 = arith.constant 2 : i32
      %mul3A_101 = arith.muli %mul3A_100, %scan3A_98 : i32
      %add3A_102 = arith.constant 0 : i32
      %add3A_103 = arith.addi %mul3A_101, %add3A_102 : i32
      %mul3A_104 = arith.constant 4 : i32
      %mul3A_105 = arith.muli %add3A_103, %mul3A_104 : i32
      %dma_wait3A_106 = arith.constant 0 : i32
      %dma_wait3A_107 = tpu.memref_slice %arg2[%mul3A_105, %dma_wait3A_106] : memref<200x1024xi32, #tpu.memory_space<hbm>> -> memref<4x1024xi32, #tpu.memory_space<hbm>>
      %dma_wait3A_108 = arith.constant 0 : i32
      %dma_wait3A_109 = tpu.memref_slice %arg2[%mul3A_105, %dma_wait3A_108] : memref<200x1024xi32, #tpu.memory_space<hbm>> -> memref<4x1024xi32, #tpu.memory_space<hbm>>
      tpu.wait_dma2 semaphore(%arg13 : memref<!tpu.dma_semaphore, #tpu.memory_space<semaphore_mem>>) src(%dma_wait3A_109 : memref<4x1024xi32, #tpu.memory_space<hbm>>) dst(%arg8 : memref<4x1024xi32, #tpu.memory_space<vmem>>)
      %gt3A = arith.constant 0 : i32
      %gt3A_110 = arith.cmpi sgt, %scan3A_98, %gt3A : i32
      %convert_element_type3A = arith.extui %gt3A_110 : i1 to i32
      %cond3A = arith.constant 0 : i32
      %cond3A_111 = arith.cmpi ne, %convert_element_type3A, %cond3A : i32
      scf.if %cond3A_111 {
        %sub3A = arith.constant 2 : i32
        %sub3A_238 = arith.subi %add3A_103, %sub3A : i32
        %mul3A_239 = arith.constant 4 : i32
        %mul3A_240 = arith.muli %sub3A_238, %mul3A_239 : i32
        %dma_wait3A_241 = arith.constant 0 : i32
        %dma_wait3A_242 = tpu.memref_slice %arg5[%mul3A_240, %add3A_50, %dma_wait3A_241] : memref<200x64x1024xf32, #tpu.memory_space<hbm>> -> memref<4x1x1024xf32, #tpu.memory_space<hbm>>
        %dma_wait3A_243 = tpu.memref_squeeze %dma_wait3A_242 : memref<4x1x1024xf32, #tpu.memory_space<hbm>> -> memref<4x1024xf32, #tpu.memory_space<hbm>>
        %dma_wait3A_244 = arith.constant 0 : i32
        %dma_wait3A_245 = tpu.memref_slice %arg5[%mul3A_240, %add3A_50, %dma_wait3A_244] : memref<200x64x1024xf32, #tpu.memory_space<hbm>> -> memref<4x1x1024xf32, #tpu.memory_space<hbm>>
        %dma_wait3A_246 = tpu.memref_squeeze %dma_wait3A_245 : memref<4x1x1024xf32, #tpu.memory_space<hbm>> -> memref<4x1024xf32, #tpu.memory_space<hbm>>
        tpu.wait_dma2 semaphore(%arg15 : memref<!tpu.dma_semaphore, #tpu.memory_space<semaphore_mem>>) src(%arg10 : memref<4x1024xf32, #tpu.memory_space<vmem>>) dst(%dma_wait3A_246 : memref<4x1024xf32, #tpu.memory_space<hbm>>)
      } else {
      }
      %mul3A_112 = arith.constant 200 : i32
      %mul3A_113 = arith.muli %add3A_50, %mul3A_112 : i32
      %mul3A_114 = arith.constant 4 : i32
      %mul3A_115 = arith.muli %add3A_103, %mul3A_114 : i32
      %add3A_116 = arith.constant 0 : i32
      %add3A_117 = arith.addi %mul3A_115, %add3A_116 : i32
      %add3A_118 = arith.addi %mul3A_113, %add3A_117 : i32
      %broadcast_in_dim3A = vector.broadcast %add3A_118 : i32 to vector<16xi32>
      %gather3A = tpu.vector_load_idx %arg7[%broadcast_in_dim3A] : memref<12800xf32, #tpu.memory_space<vmem>>[vector<16xi32>], vector<16xf32>,
      %parallel_loop3A = arith.constant 0 : i32
      %parallel_loop3A_119 = arith.constant 1024 : i32
      %parallel_loop3A_120 = arith.constant 16 : i32
      scf.for %parallel_loop3A_238 = %parallel_loop3A to %parallel_loop3A_119 step %parallel_loop3A_120  : i32 {
        %parallel_loop3A_239 = arith.constant 0 : i32
        %parallel_loop3A_240 = arith.index_cast %parallel_loop3A_239 : i32 to index
        %parallel_loop3A_241 = arith.index_cast %parallel_loop3A_238 : i32 to index
        %parallel_loop3A_242 = tpu.vector_load %arg8[%parallel_loop3A_240, %parallel_loop3A_241] {strides = array<i32>} : memref<4x1024xi32, #tpu.memory_space<vmem>>, vector<16xi32>,
        %parallel_loop3A_243 = tpu.vector_load_idx %arg6[%parallel_loop3A_242] : memref<100000xf32, #tpu.memory_space<vmem>>[vector<16xi32>], vector<16xf32>,
        %parallel_loop3A_244 = arith.addf %parallel_loop3A_243, %gather3A : vector<16xf32>
        %parallel_loop3A_245 = arith.constant 0 : i32
        %parallel_loop3A_246 = arith.index_cast %parallel_loop3A_245 : i32 to index
        %parallel_loop3A_247 = arith.index_cast %parallel_loop3A_238 : i32 to index
        %parallel_loop3A_248 = tpu.vector_load %arg10[%parallel_loop3A_246, %parallel_loop3A_247] {strides = array<i32>} : memref<4x1024xf32, #tpu.memory_space<vmem>>, vector<16xf32>,
        tpu.vector_store %arg10[%parallel_loop3A_246, %parallel_loop3A_247], %parallel_loop3A_244 {strides = array<i32>} : memref<4x1024xf32, #tpu.memory_space<vmem>>, vector<16xf32>,
      } {sc.loop_unroll_factor = 32 : i64, sc.parallel_access}
      %mul3A_121 = arith.constant 4 : i32
      %mul3A_122 = arith.muli %add3A_103, %mul3A_121 : i32
      %add3A_123 = arith.constant 1 : i32
      %add3A_124 = arith.addi %mul3A_122, %add3A_123 : i32
      %add3A_125 = arith.addi %mul3A_113, %add3A_124 : i32
      %broadcast_in_dim3A_126 = vector.broadcast %add3A_125 : i32 to vector<16xi32>
      %gather3A_127 = tpu.vector_load_idx %arg7[%broadcast_in_dim3A_126] : memref<12800xf32, #tpu.memory_space<vmem>>[vector<16xi32>], vector<16xf32>,
      %parallel_loop3A_128 = arith.constant 0 : i32
      %parallel_loop3A_129 = arith.constant 1024 : i32
      %parallel_loop3A_130 = arith.constant 16 : i32
      scf.for %parallel_loop3A_238 = %parallel_loop3A_128 to %parallel_loop3A_129 step %parallel_loop3A_130  : i32 {
        %parallel_loop3A_239 = arith.constant 1 : i32
        %parallel_loop3A_240 = arith.index_cast %parallel_loop3A_239 : i32 to index
        %parallel_loop3A_241 = arith.index_cast %parallel_loop3A_238 : i32 to index
        %parallel_loop3A_242 = tpu.vector_load %arg8[%parallel_loop3A_240, %parallel_loop3A_241] {strides = array<i32>} : memref<4x1024xi32, #tpu.memory_space<vmem>>, vector<16xi32>,
        %parallel_loop3A_243 = tpu.vector_load_idx %arg6[%parallel_loop3A_242] : memref<100000xf32, #tpu.memory_space<vmem>>[vector<16xi32>], vector<16xf32>,
        %parallel_loop3A_244 = arith.addf %parallel_loop3A_243, %gather3A_127 : vector<16xf32>
        %parallel_loop3A_245 = arith.constant 1 : i32
        %parallel_loop3A_246 = arith.index_cast %parallel_loop3A_245 : i32 to index
        %parallel_loop3A_247 = arith.index_cast %parallel_loop3A_238 : i32 to index
        %parallel_loop3A_248 = tpu.vector_load %arg10[%parallel_loop3A_246, %parallel_loop3A_247] {strides = array<i32>} : memref<4x1024xf32, #tpu.memory_space<vmem>>, vector<16xf32>,
        tpu.vector_store %arg10[%parallel_loop3A_246, %parallel_loop3A_247], %parallel_loop3A_244 {strides = array<i32>} : memref<4x1024xf32, #tpu.memory_space<vmem>>, vector<16xf32>,
      } {sc.loop_unroll_factor = 32 : i64, sc.parallel_access}
      %mul3A_131 = arith.constant 4 : i32
      %mul3A_132 = arith.muli %add3A_103, %mul3A_131 : i32
      %add3A_133 = arith.constant 2 : i32
      %add3A_134 = arith.addi %mul3A_132, %add3A_133 : i32
      %add3A_135 = arith.addi %mul3A_113, %add3A_134 : i32
      %broadcast_in_dim3A_136 = vector.broadcast %add3A_135 : i32 to vector<16xi32>
      %gather3A_137 = tpu.vector_load_idx %arg7[%broadcast_in_dim3A_136] : memref<12800xf32, #tpu.memory_space<vmem>>[vector<16xi32>], vector<16xf32>,
      %parallel_loop3A_138 = arith.constant 0 : i32
      %parallel_loop3A_139 = arith.constant 1024 : i32
      %parallel_loop3A_140 = arith.constant 16 : i32
      scf.for %parallel_loop3A_238 = %parallel_loop3A_138 to %parallel_loop3A_139 step %parallel_loop3A_140  : i32 {
        %parallel_loop3A_239 = arith.constant 2 : i32
        %parallel_loop3A_240 = arith.index_cast %parallel_loop3A_239 : i32 to index
        %parallel_loop3A_241 = arith.index_cast %parallel_loop3A_238 : i32 to index
        %parallel_loop3A_242 = tpu.vector_load %arg8[%parallel_loop3A_240, %parallel_loop3A_241] {strides = array<i32>} : memref<4x1024xi32, #tpu.memory_space<vmem>>, vector<16xi32>,
        %parallel_loop3A_243 = tpu.vector_load_idx %arg6[%parallel_loop3A_242] : memref<100000xf32, #tpu.memory_space<vmem>>[vector<16xi32>], vector<16xf32>,
        %parallel_loop3A_244 = arith.addf %parallel_loop3A_243, %gather3A_137 : vector<16xf32>
        %parallel_loop3A_245 = arith.constant 2 : i32
        %parallel_loop3A_246 = arith.index_cast %parallel_loop3A_245 : i32 to index
        %parallel_loop3A_247 = arith.index_cast %parallel_loop3A_238 : i32 to index
        %parallel_loop3A_248 = tpu.vector_load %arg10[%parallel_loop3A_246, %parallel_loop3A_247] {strides = array<i32>} : memref<4x1024xf32, #tpu.memory_space<vmem>>, vector<16xf32>,
        tpu.vector_store %arg10[%parallel_loop3A_246, %parallel_loop3A_247], %parallel_loop3A_244 {strides = array<i32>} : memref<4x1024xf32, #tpu.memory_space<vmem>>, vector<16xf32>,
      } {sc.loop_unroll_factor = 32 : i64, sc.parallel_access}
      %mul3A_141 = arith.constant 4 : i32
      %mul3A_142 = arith.muli %add3A_103, %mul3A_141 : i32
      %add3A_143 = arith.constant 3 : i32
      %add3A_144 = arith.addi %mul3A_142, %add3A_143 : i32
      %add3A_145 = arith.addi %mul3A_113, %add3A_144 : i32
      %broadcast_in_dim3A_146 = vector.broadcast %add3A_145 : i32 to vector<16xi32>
      %gather3A_147 = tpu.vector_load_idx %arg7[%broadcast_in_dim3A_146] : memref<12800xf32, #tpu.memory_space<vmem>>[vector<16xi32>], vector<16xf32>,
      %parallel_loop3A_148 = arith.constant 0 : i32
      %parallel_loop3A_149 = arith.constant 1024 : i32
      %parallel_loop3A_150 = arith.constant 16 : i32
      scf.for %parallel_loop3A_238 = %parallel_loop3A_148 to %parallel_loop3A_149 step %parallel_loop3A_150  : i32 {
        %parallel_loop3A_239 = arith.constant 3 : i32
        %parallel_loop3A_240 = arith.index_cast %parallel_loop3A_239 : i32 to index
        %parallel_loop3A_241 = arith.index_cast %parallel_loop3A_238 : i32 to index
        %parallel_loop3A_242 = tpu.vector_load %arg8[%parallel_loop3A_240, %parallel_loop3A_241] {strides = array<i32>} : memref<4x1024xi32, #tpu.memory_space<vmem>>, vector<16xi32>,
        %parallel_loop3A_243 = tpu.vector_load_idx %arg6[%parallel_loop3A_242] : memref<100000xf32, #tpu.memory_space<vmem>>[vector<16xi32>], vector<16xf32>,
        %parallel_loop3A_244 = arith.addf %parallel_loop3A_243, %gather3A_147 : vector<16xf32>
        %parallel_loop3A_245 = arith.constant 3 : i32
        %parallel_loop3A_246 = arith.index_cast %parallel_loop3A_245 : i32 to index
        %parallel_loop3A_247 = arith.index_cast %parallel_loop3A_238 : i32 to index
        %parallel_loop3A_248 = tpu.vector_load %arg10[%parallel_loop3A_246, %parallel_loop3A_247] {strides = array<i32>} : memref<4x1024xf32, #tpu.memory_space<vmem>>, vector<16xf32>,
        tpu.vector_store %arg10[%parallel_loop3A_246, %parallel_loop3A_247], %parallel_loop3A_244 {strides = array<i32>} : memref<4x1024xf32, #tpu.memory_space<vmem>>, vector<16xf32>,
      } {sc.loop_unroll_factor = 32 : i64, sc.parallel_access}
      %add3A_151 = arith.constant 2 : i32
      %add3A_152 = arith.addi %add3A_103, %add3A_151 : i32
      %lt3A = arith.constant 50 : i32
      %lt3A_153 = arith.cmpi slt, %add3A_152, %lt3A : i32
      %convert_element_type3A_154 = arith.extui %lt3A_153 : i1 to i32
      %cond3A_155 = arith.constant 0 : i32
      %cond3A_156 = arith.cmpi ne, %convert_element_type3A_154, %cond3A_155 : i32
      scf.if %cond3A_156 {
        %add3A_238 = arith.constant 2 : i32
        %add3A_239 = arith.addi %add3A_103, %add3A_238 : i32
        %mul3A_240 = arith.constant 4 : i32
        %mul3A_241 = arith.muli %add3A_239, %mul3A_240 : i32
        %dma_start3A_242 = arith.constant 0 : i32
        %dma_start3A_243 = tpu.memref_slice %arg2[%mul3A_241, %dma_start3A_242] : memref<200x1024xi32, #tpu.memory_space<hbm>> -> memref<4x1024xi32, #tpu.memory_space<hbm>>
        %dma_start3A_244 = arith.constant 0 : i32
        %dma_start3A_245 = tpu.memref_slice %arg2[%mul3A_241, %dma_start3A_244] : memref<200x1024xi32, #tpu.memory_space<hbm>> -> memref<4x1024xi32, #tpu.memory_space<hbm>>
        tpu.enqueue_dma source(%dma_start3A_245 : memref<4x1024xi32, #tpu.memory_space<hbm>>) target(%arg8 : memref<4x1024xi32, #tpu.memory_space<vmem>>) target_semaphore(%arg13 : memref<!tpu.dma_semaphore, #tpu.memory_space<semaphore_mem>>)
      } else {
      }
      %mul3A_157 = arith.constant 4 : i32
      %mul3A_158 = arith.muli %add3A_103, %mul3A_157 : i32
      %dma_start3A_159 = arith.constant 0 : i32
      %dma_start3A_160 = tpu.memref_slice %arg5[%mul3A_158, %add3A_50, %dma_start3A_159] : memref<200x64x1024xf32, #tpu.memory_space<hbm>> -> memref<4x1x1024xf32, #tpu.memory_space<hbm>>
      %dma_start3A_161 = tpu.memref_squeeze %dma_start3A_160 : memref<4x1x1024xf32, #tpu.memory_space<hbm>> -> memref<4x1024xf32, #tpu.memory_space<hbm>>
      %dma_start3A_162 = arith.constant 0 : i32
      %dma_start3A_163 = tpu.memref_slice %arg5[%mul3A_158, %add3A_50, %dma_start3A_162] : memref<200x64x1024xf32, #tpu.memory_space<hbm>> -> memref<4x1x1024xf32, #tpu.memory_space<hbm>>
      %dma_start3A_164 = tpu.memref_squeeze %dma_start3A_163 : memref<4x1x1024xf32, #tpu.memory_space<hbm>> -> memref<4x1024xf32, #tpu.memory_space<hbm>>
      tpu.enqueue_dma source(%arg10 : memref<4x1024xf32, #tpu.memory_space<vmem>>) target(%dma_start3A_164 : memref<4x1024xf32, #tpu.memory_space<hbm>>) target_semaphore(%arg15 : memref<!tpu.dma_semaphore, #tpu.memory_space<semaphore_mem>>)
      %mul3A_165 = arith.constant 2 : i32
      %mul3A_166 = arith.muli %mul3A_165, %scan3A_98 : i32
      %add3A_167 = arith.constant 1 : i32
      %add3A_168 = arith.addi %mul3A_166, %add3A_167 : i32
      %mul3A_169 = arith.constant 4 : i32
      %mul3A_170 = arith.muli %add3A_168, %mul3A_169 : i32
      %dma_wait3A_171 = arith.constant 0 : i32
      %dma_wait3A_172 = tpu.memref_slice %arg2[%mul3A_170, %dma_wait3A_171] : memref<200x1024xi32, #tpu.memory_space<hbm>> -> memref<4x1024xi32, #tpu.memory_space<hbm>>
      %dma_wait3A_173 = arith.constant 0 : i32
      %dma_wait3A_174 = tpu.memref_slice %arg2[%mul3A_170, %dma_wait3A_173] : memref<200x1024xi32, #tpu.memory_space<hbm>> -> memref<4x1024xi32, #tpu.memory_space<hbm>>
      tpu.wait_dma2 semaphore(%arg14 : memref<!tpu.dma_semaphore, #tpu.memory_space<semaphore_mem>>) src(%dma_wait3A_174 : memref<4x1024xi32, #tpu.memory_space<hbm>>) dst(%arg9 : memref<4x1024xi32, #tpu.memory_space<vmem>>)
      %gt3A_175 = arith.constant 0 : i32
      %gt3A_176 = arith.cmpi sgt, %scan3A_98, %gt3A_175 : i32
      %convert_element_type3A_177 = arith.extui %gt3A_176 : i1 to i32
      %cond3A_178 = arith.constant 0 : i32
      %cond3A_179 = arith.cmpi ne, %convert_element_type3A_177, %cond3A_178 : i32
      scf.if %cond3A_179 {
        %sub3A = arith.constant 2 : i32
        %sub3A_238 = arith.subi %add3A_168, %sub3A : i32
        %mul3A_239 = arith.constant 4 : i32
        %mul3A_240 = arith.muli %sub3A_238, %mul3A_239 : i32
        %dma_wait3A_241 = arith.constant 0 : i32
        %dma_wait3A_242 = tpu.memref_slice %arg5[%mul3A_240, %add3A_50, %dma_wait3A_241] : memref<200x64x1024xf32, #tpu.memory_space<hbm>> -> memref<4x1x1024xf32, #tpu.memory_space<hbm>>
        %dma_wait3A_243 = tpu.memref_squeeze %dma_wait3A_242 : memref<4x1x1024xf32, #tpu.memory_space<hbm>> -> memref<4x1024xf32, #tpu.memory_space<hbm>>
        %dma_wait3A_244 = arith.constant 0 : i32
        %dma_wait3A_245 = tpu.memref_slice %arg5[%mul3A_240, %add3A_50, %dma_wait3A_244] : memref<200x64x1024xf32, #tpu.memory_space<hbm>> -> memref<4x1x1024xf32, #tpu.memory_space<hbm>>
        %dma_wait3A_246 = tpu.memref_squeeze %dma_wait3A_245 : memref<4x1x1024xf32, #tpu.memory_space<hbm>> -> memref<4x1024xf32, #tpu.memory_space<hbm>>
        tpu.wait_dma2 semaphore(%arg16 : memref<!tpu.dma_semaphore, #tpu.memory_space<semaphore_mem>>) src(%arg11 : memref<4x1024xf32, #tpu.memory_space<vmem>>) dst(%dma_wait3A_246 : memref<4x1024xf32, #tpu.memory_space<hbm>>)
      } else {
      }
      %mul3A_180 = arith.constant 200 : i32
      %mul3A_181 = arith.muli %add3A_50, %mul3A_180 : i32
      %mul3A_182 = arith.constant 4 : i32
      %mul3A_183 = arith.muli %add3A_168, %mul3A_182 : i32
      %add3A_184 = arith.constant 0 : i32
      %add3A_185 = arith.addi %mul3A_183, %add3A_184 : i32
      %add3A_186 = arith.addi %mul3A_181, %add3A_185 : i32
      %broadcast_in_dim3A_187 = vector.broadcast %add3A_186 : i32 to vector<16xi32>
      %gather3A_188 = tpu.vector_load_idx %arg7[%broadcast_in_dim3A_187] : memref<12800xf32, #tpu.memory_space<vmem>>[vector<16xi32>], vector<16xf32>,
      %parallel_loop3A_189 = arith.constant 0 : i32
      %parallel_loop3A_190 = arith.constant 1024 : i32
      %parallel_loop3A_191 = arith.constant 16 : i32
      scf.for %parallel_loop3A_238 = %parallel_loop3A_189 to %parallel_loop3A_190 step %parallel_loop3A_191  : i32 {
        %parallel_loop3A_239 = arith.constant 0 : i32
        %parallel_loop3A_240 = arith.index_cast %parallel_loop3A_239 : i32 to index
        %parallel_loop3A_241 = arith.index_cast %parallel_loop3A_238 : i32 to index
        %parallel_loop3A_242 = tpu.vector_load %arg9[%parallel_loop3A_240, %parallel_loop3A_241] {strides = array<i32>} : memref<4x1024xi32, #tpu.memory_space<vmem>>, vector<16xi32>,
        %parallel_loop3A_243 = tpu.vector_load_idx %arg6[%parallel_loop3A_242] : memref<100000xf32, #tpu.memory_space<vmem>>[vector<16xi32>], vector<16xf32>,
        %parallel_loop3A_244 = arith.addf %parallel_loop3A_243, %gather3A_188 : vector<16xf32>
        %parallel_loop3A_245 = arith.constant 0 : i32
        %parallel_loop3A_246 = arith.index_cast %parallel_loop3A_245 : i32 to index
        %parallel_loop3A_247 = arith.index_cast %parallel_loop3A_238 : i32 to index
        %parallel_loop3A_248 = tpu.vector_load %arg11[%parallel_loop3A_246, %parallel_loop3A_247] {strides = array<i32>} : memref<4x1024xf32, #tpu.memory_space<vmem>>, vector<16xf32>,
        tpu.vector_store %arg11[%parallel_loop3A_246, %parallel_loop3A_247], %parallel_loop3A_244 {strides = array<i32>} : memref<4x1024xf32, #tpu.memory_space<vmem>>, vector<16xf32>,
      } {sc.loop_unroll_factor = 32 : i64, sc.parallel_access}
      %mul3A_192 = arith.constant 4 : i32
      %mul3A_193 = arith.muli %add3A_168, %mul3A_192 : i32
      %add3A_194 = arith.constant 1 : i32
      %add3A_195 = arith.addi %mul3A_193, %add3A_194 : i32
      %add3A_196 = arith.addi %mul3A_181, %add3A_195 : i32
      %broadcast_in_dim3A_197 = vector.broadcast %add3A_196 : i32 to vector<16xi32>
      %gather3A_198 = tpu.vector_load_idx %arg7[%broadcast_in_dim3A_197] : memref<12800xf32, #tpu.memory_space<vmem>>[vector<16xi32>], vector<16xf32>,
      %parallel_loop3A_199 = arith.constant 0 : i32
      %parallel_loop3A_200 = arith.constant 1024 : i32
      %parallel_loop3A_201 = arith.constant 16 : i32
      scf.for %parallel_loop3A_238 = %parallel_loop3A_199 to %parallel_loop3A_200 step %parallel_loop3A_201  : i32 {
        %parallel_loop3A_239 = arith.constant 1 : i32
        %parallel_loop3A_240 = arith.index_cast %parallel_loop3A_239 : i32 to index
        %parallel_loop3A_241 = arith.index_cast %parallel_loop3A_238 : i32 to index
        %parallel_loop3A_242 = tpu.vector_load %arg9[%parallel_loop3A_240, %parallel_loop3A_241] {strides = array<i32>} : memref<4x1024xi32, #tpu.memory_space<vmem>>, vector<16xi32>,
        %parallel_loop3A_243 = tpu.vector_load_idx %arg6[%parallel_loop3A_242] : memref<100000xf32, #tpu.memory_space<vmem>>[vector<16xi32>], vector<16xf32>,
        %parallel_loop3A_244 = arith.addf %parallel_loop3A_243, %gather3A_198 : vector<16xf32>
        %parallel_loop3A_245 = arith.constant 1 : i32
        %parallel_loop3A_246 = arith.index_cast %parallel_loop3A_245 : i32 to index
        %parallel_loop3A_247 = arith.index_cast %parallel_loop3A_238 : i32 to index
        %parallel_loop3A_248 = tpu.vector_load %arg11[%parallel_loop3A_246, %parallel_loop3A_247] {strides = array<i32>} : memref<4x1024xf32, #tpu.memory_space<vmem>>, vector<16xf32>,
        tpu.vector_store %arg11[%parallel_loop3A_246, %parallel_loop3A_247], %parallel_loop3A_244 {strides = array<i32>} : memref<4x1024xf32, #tpu.memory_space<vmem>>, vector<16xf32>,
      } {sc.loop_unroll_factor = 32 : i64, sc.parallel_access}
      %mul3A_202 = arith.constant 4 : i32
      %mul3A_203 = arith.muli %add3A_168, %mul3A_202 : i32
      %add3A_204 = arith.constant 2 : i32
      %add3A_205 = arith.addi %mul3A_203, %add3A_204 : i32
      %add3A_206 = arith.addi %mul3A_181, %add3A_205 : i32
      %broadcast_in_dim3A_207 = vector.broadcast %add3A_206 : i32 to vector<16xi32>
      %gather3A_208 = tpu.vector_load_idx %arg7[%broadcast_in_dim3A_207] : memref<12800xf32, #tpu.memory_space<vmem>>[vector<16xi32>], vector<16xf32>,
      %parallel_loop3A_209 = arith.constant 0 : i32
      %parallel_loop3A_210 = arith.constant 1024 : i32
      %parallel_loop3A_211 = arith.constant 16 : i32
      scf.for %parallel_loop3A_238 = %parallel_loop3A_209 to %parallel_loop3A_210 step %parallel_loop3A_211  : i32 {
        %parallel_loop3A_239 = arith.constant 2 : i32
        %parallel_loop3A_240 = arith.index_cast %parallel_loop3A_239 : i32 to index
        %parallel_loop3A_241 = arith.index_cast %parallel_loop3A_238 : i32 to index
        %parallel_loop3A_242 = tpu.vector_load %arg9[%parallel_loop3A_240, %parallel_loop3A_241] {strides = array<i32>} : memref<4x1024xi32, #tpu.memory_space<vmem>>, vector<16xi32>,
        %parallel_loop3A_243 = tpu.vector_load_idx %arg6[%parallel_loop3A_242] : memref<100000xf32, #tpu.memory_space<vmem>>[vector<16xi32>], vector<16xf32>,
        %parallel_loop3A_244 = arith.addf %parallel_loop3A_243, %gather3A_208 : vector<16xf32>
        %parallel_loop3A_245 = arith.constant 2 : i32
        %parallel_loop3A_246 = arith.index_cast %parallel_loop3A_245 : i32 to index
        %parallel_loop3A_247 = arith.index_cast %parallel_loop3A_238 : i32 to index
        %parallel_loop3A_248 = tpu.vector_load %arg11[%parallel_loop3A_246, %parallel_loop3A_247] {strides = array<i32>} : memref<4x1024xf32, #tpu.memory_space<vmem>>, vector<16xf32>,
        tpu.vector_store %arg11[%parallel_loop3A_246, %parallel_loop3A_247], %parallel_loop3A_244 {strides = array<i32>} : memref<4x1024xf32, #tpu.memory_space<vmem>>, vector<16xf32>,
      } {sc.loop_unroll_factor = 32 : i64, sc.parallel_access}
      %mul3A_212 = arith.constant 4 : i32
      %mul3A_213 = arith.muli %add3A_168, %mul3A_212 : i32
      %add3A_214 = arith.constant 3 : i32
      %add3A_215 = arith.addi %mul3A_213, %add3A_214 : i32
      %add3A_216 = arith.addi %mul3A_181, %add3A_215 : i32
      %broadcast_in_dim3A_217 = vector.broadcast %add3A_216 : i32 to vector<16xi32>
      %gather3A_218 = tpu.vector_load_idx %arg7[%broadcast_in_dim3A_217] : memref<12800xf32, #tpu.memory_space<vmem>>[vector<16xi32>], vector<16xf32>,
      %parallel_loop3A_219 = arith.constant 0 : i32
      %parallel_loop3A_220 = arith.constant 1024 : i32
      %parallel_loop3A_221 = arith.constant 16 : i32
      scf.for %parallel_loop3A_238 = %parallel_loop3A_219 to %parallel_loop3A_220 step %parallel_loop3A_221  : i32 {
        %parallel_loop3A_239 = arith.constant 3 : i32
        %parallel_loop3A_240 = arith.index_cast %parallel_loop3A_239 : i32 to index
        %parallel_loop3A_241 = arith.index_cast %parallel_loop3A_238 : i32 to index
        %parallel_loop3A_242 = tpu.vector_load %arg9[%parallel_loop3A_240, %parallel_loop3A_241] {strides = array<i32>} : memref<4x1024xi32, #tpu.memory_space<vmem>>, vector<16xi32>,
        %parallel_loop3A_243 = tpu.vector_load_idx %arg6[%parallel_loop3A_242] : memref<100000xf32, #tpu.memory_space<vmem>>[vector<16xi32>], vector<16xf32>,
        %parallel_loop3A_244 = arith.addf %parallel_loop3A_243, %gather3A_218 : vector<16xf32>
        %parallel_loop3A_245 = arith.constant 3 : i32
        %parallel_loop3A_246 = arith.index_cast %parallel_loop3A_245 : i32 to index
        %parallel_loop3A_247 = arith.index_cast %parallel_loop3A_238 : i32 to index
        %parallel_loop3A_248 = tpu.vector_load %arg11[%parallel_loop3A_246, %parallel_loop3A_247] {strides = array<i32>} : memref<4x1024xf32, #tpu.memory_space<vmem>>, vector<16xf32>,
        tpu.vector_store %arg11[%parallel_loop3A_246, %parallel_loop3A_247], %parallel_loop3A_244 {strides = array<i32>} : memref<4x1024xf32, #tpu.memory_space<vmem>>, vector<16xf32>,
      } {sc.loop_unroll_factor = 32 : i64, sc.parallel_access}
      %add3A_222 = arith.constant 2 : i32
      %add3A_223 = arith.addi %add3A_168, %add3A_222 : i32
      %lt3A_224 = arith.constant 50 : i32
      %lt3A_225 = arith.cmpi slt, %add3A_223, %lt3A_224 : i32
      %convert_element_type3A_226 = arith.extui %lt3A_225 : i1 to i32
      %cond3A_227 = arith.constant 0 : i32
      %cond3A_228 = arith.cmpi ne, %convert_element_type3A_226, %cond3A_227 : i32
      scf.if %cond3A_228 {
        %add3A_238 = arith.constant 2 : i32
        %add3A_239 = arith.addi %add3A_168, %add3A_238 : i32
        %mul3A_240 = arith.constant 4 : i32
        %mul3A_241 = arith.muli %add3A_239, %mul3A_240 : i32
        %dma_start3A_242 = arith.constant 0 : i32
        %dma_start3A_243 = tpu.memref_slice %arg2[%mul3A_241, %dma_start3A_242] : memref<200x1024xi32, #tpu.memory_space<hbm>> -> memref<4x1024xi32, #tpu.memory_space<hbm>>
        %dma_start3A_244 = arith.constant 0 : i32
        %dma_start3A_245 = tpu.memref_slice %arg2[%mul3A_241, %dma_start3A_244] : memref<200x1024xi32, #tpu.memory_space<hbm>> -> memref<4x1024xi32, #tpu.memory_space<hbm>>
        tpu.enqueue_dma source(%dma_start3A_245 : memref<4x1024xi32, #tpu.memory_space<hbm>>) target(%arg9 : memref<4x1024xi32, #tpu.memory_space<vmem>>) target_semaphore(%arg14 : memref<!tpu.dma_semaphore, #tpu.memory_space<semaphore_mem>>)
      } else {
      }
      %mul3A_229 = arith.constant 4 : i32
      %mul3A_230 = arith.muli %add3A_168, %mul3A_229 : i32
      %dma_start3A_231 = arith.constant 0 : i32
      %dma_start3A_232 = tpu.memref_slice %arg5[%mul3A_230, %add3A_50, %dma_start3A_231] : memref<200x64x1024xf32, #tpu.memory_space<hbm>> -> memref<4x1x1024xf32, #tpu.memory_space<hbm>>
      %dma_start3A_233 = tpu.memref_squeeze %dma_start3A_232 : memref<4x1x1024xf32, #tpu.memory_space<hbm>> -> memref<4x1024xf32, #tpu.memory_space<hbm>>
      %dma_start3A_234 = arith.constant 0 : i32
      %dma_start3A_235 = tpu.memref_slice %arg5[%mul3A_230, %add3A_50, %dma_start3A_234] : memref<200x64x1024xf32, #tpu.memory_space<hbm>> -> memref<4x1x1024xf32, #tpu.memory_space<hbm>>
      %dma_start3A_236 = tpu.memref_squeeze %dma_start3A_235 : memref<4x1x1024xf32, #tpu.memory_space<hbm>> -> memref<4x1024xf32, #tpu.memory_space<hbm>>
      tpu.enqueue_dma source(%arg11 : memref<4x1024xf32, #tpu.memory_space<vmem>>) target(%dma_start3A_236 : memref<4x1024xf32, #tpu.memory_space<hbm>>) target_semaphore(%arg16 : memref<!tpu.dma_semaphore, #tpu.memory_space<semaphore_mem>>)
      %scan3A_237 = arith.constant 0 : i32
      scf.yield %scan3A_237 : i32
    }
    %scan3A_81 = arith.constant 25 : i32
    %dma_wait3A_82 = arith.constant 192 : i32
    %dma_wait3A_83 = arith.constant 0 : i32
    %dma_wait3A_84 = tpu.memref_slice %arg5[%dma_wait3A_82, %add3A_50, %dma_wait3A_83] : memref<200x64x1024xf32, #tpu.memory_space<hbm>> -> memref<4x1x1024xf32, #tpu.memory_space<hbm>>
    %dma_wait3A_85 = tpu.memref_squeeze %dma_wait3A_84 : memref<4x1x1024xf32, #tpu.memory_space<hbm>> -> memref<4x1024xf32, #tpu.memory_space<hbm>>
    %dma_wait3A_86 = arith.constant 192 : i32
    %dma_wait3A_87 = arith.constant 0 : i32
    %dma_wait3A_88 = tpu.memref_slice %arg5[%dma_wait3A_86, %add3A_50, %dma_wait3A_87] : memref<200x64x1024xf32, #tpu.memory_space<hbm>> -> memref<4x1x1024xf32, #tpu.memory_space<hbm>>
    %dma_wait3A_89 = tpu.memref_squeeze %dma_wait3A_88 : memref<4x1x1024xf32, #tpu.memory_space<hbm>> -> memref<4x1024xf32, #tpu.memory_space<hbm>>
    tpu.wait_dma2 semaphore(%arg15 : memref<!tpu.dma_semaphore, #tpu.memory_space<semaphore_mem>>) src(%arg10 : memref<4x1024xf32, #tpu.memory_space<vmem>>) dst(%dma_wait3A_89 : memref<4x1024xf32, #tpu.memory_space<hbm>>)
    %dma_wait3A_90 = arith.constant 196 : i32
    %dma_wait3A_91 = arith.constant 0 : i32
    %dma_wait3A_92 = tpu.memref_slice %arg5[%dma_wait3A_90, %add3A_50, %dma_wait3A_91] : memref<200x64x1024xf32, #tpu.memory_space<hbm>> -> memref<4x1x1024xf32, #tpu.memory_space<hbm>>
    %dma_wait3A_93 = tpu.memref_squeeze %dma_wait3A_92 : memref<4x1x1024xf32, #tpu.memory_space<hbm>> -> memref<4x1024xf32, #tpu.memory_space<hbm>>
    %dma_wait3A_94 = arith.constant 196 : i32
    %dma_wait3A_95 = arith.constant 0 : i32
    %dma_wait3A_96 = tpu.memref_slice %arg5[%dma_wait3A_94, %add3A_50, %dma_wait3A_95] : memref<200x64x1024xf32, #tpu.memory_space<hbm>> -> memref<4x1x1024xf32, #tpu.memory_space<hbm>>
    %dma_wait3A_97 = tpu.memref_squeeze %dma_wait3A_96 : memref<4x1x1024xf32, #tpu.memory_space<hbm>> -> memref<4x1024xf32, #tpu.memory_space<hbm>>
    tpu.wait_dma2 semaphore(%arg16 : memref<!tpu.dma_semaphore, #tpu.memory_space<semaphore_mem>>) src(%arg11 : memref<4x1024xf32, #tpu.memory_space<vmem>>) dst(%dma_wait3A_97 : memref<4x1024xf32, #tpu.memory_space<hbm>>)
    return
  }
}

</mosaic_0001>

<sc_bundles>
// kernel: kernel.3.cloned.1.call-start
scs
__scs_entry_jumppad:
0x0: {  	(pc) =	sbr.rel $0x88, $3  }
0x1: {  	(tag) =	ssettag $0x0;
	lr =	simm.s32 $0x1  }
0x2: {  	[smem:$0x3F9E] =	sst lr;
	_ =	strace $0xD0000000  }
0x3: {  	_ = 	snop  }
0x4: {  	_ = 	snop  }
0x5: {  	_ = 	snop  }
0x6: {  	_ = 	snop  }
0x7: {  	_ = 	snop  }
__scs_overlays_trampoline_lowered:
0x8: {  	[smem:$0x3FAD] =	sst s0  }
0x9: {  	[smem:$0x3FAE] =	sst s1  }
0xa: {  	[smem:$0x3FAF] =	sst s2  }
0xb: {  	[smem:$0x3FB0] =	sst s3  }
0xc: {  	[smem:$0x3FB1] =	sst s4  }
0xd: {  	[smem:$0x3FB2] =	sst s5  }
0xe: {  	[smem:$0x3FB3] =	sst s6  }
0xf: {  	[smem:$0x3FB4] =	sst s7  }
0x10: {  	[smem:$0x3FB5] =	sst s8  }
0x11: {  	[smem:$0x3FB6] =	sst s9;
	s0 =	simm.s32 @!p0 $0x0  }
0x12: {  	s1 =	sld [smem:$0x3F9C];
	s0 =	simm.s32 @p0 $0x1  }
0x13: {  	[smem:$0x3FB7] =	sst s0;
	s0 =	simm.s32 @!p1 $0x0  }
0x14: {  	s2 =	sld [smem:$0x3F9B];
	s0 =	simm.s32 @p1 $0x1  }
0x15: {  	[smem:$0x3FB8] =	sst s0;
	s0 =	simm.s32 @!p2 $0x0  }
0x16: {  	s3 =	sld [smem:$0x3FDB];
	s0 =	simm.s32 @p2 $0x1  }
0x17: {  	s4 =	simm.s32 $0x1BF5;
	[smem:$0x3FBA] =	sst s0  }
0x18: {  	s0 =	sld [smem:$0x3F9D];
	_ =	swait.ge [sflag:s4], $0x0  }
0x19: {  	s7 =	sld [smem:$0x3F9E]  }
0x1a: {  	s8 =	sadd.s32 $0xFFFFE003, lr  }
0x1b: {  	s9 =	sadd.s32 $0xFFFFFEF7, lr;
	s5 =	simm.s32 $0xFFFFFFFF;
	p2 =	slt.u32 s8, $0xFFFFF086  }
0x1c: {  	p1 =	slt.u32 s9, $0xF7A;
	s5 =	simm.s32 @!p2 $0x0  }
0x1d: {  	s5 =	simm.s32 @p1 $0x1;
	p0 =	seq.s32 s7, s2  }
0x1e: {  	s7 =	smul.u32 @!p0 $0xF7A, s2;
	p2 =	seq.s32 @!p0 s5, $0x0  }
0x1f: {  	s9 =	smul.u32 $0xF7A, s1;
	s8 =	simm.s32 @!p0 $0x1BF5;
	p2 =	por !p2, p0  }
0x20: {  	[sflag:s8] =	ssyncset.s32 @!p0 $0xFFFFF086;
	s6 =	sadd.s32 @!p0 s3, s7;
	s7 =	simm.s32 @!p0 $0x108  }
0x21: {  	s3 =	sadd.s32 s3, s9;
	s6 =	sadd.s32 @!p0 $0x88, s6;
	s7 =	simm.s32 @p2 $0x1082  }
0x22: {  	[simem:s7], [sflag:s8] =	dma.local @!p0 [hbm:s6], $0xF7A  }
0x23: {  	s9 =	sor.u32 $0xD0000000, s2;
	s6 =	simm.s32 $0x108;
	_ =	swait.ge @!p0 [sflag:s8], $0x0  }
0x24: {  	s3 =	sadd.s32 $0x88, s3;
	s6 =	simm.s32 @!p1 $0x1082;
	[sflag:s4] =	ssyncset.s32 $0xFFFFF086  }
0x25: {  	[simem:s6], [sflag:s4] =	dma.local [hbm:s3], $0xF7A  }
0x26: {  	[smem:$0x3F9E] =	sst s1;
	(tag) =	ssettag s2;
	_ =	strace s9  }
0x27: {  	s1 =	sld [smem:$0x3FAE]  }
0x28: {  	s2 =	sld [smem:$0x3FAF]  }
0x29: {  	s4 =	sld [smem:$0x3FB1]  }
0x2a: {  	p0 =	seq.s32 s5, $0x0;
	s5 =	sld [smem:$0x3FB2]  }
0x2b: {  	s6 =	sld [smem:$0x3FB3]  }
0x2c: {  	s7 =	sld [smem:$0x3FB4]  }
0x2d: {  	s3 =	simm.s32 $0x108;
	s8 =	sld [smem:$0x3FB5]  }
0x2e: {  	s3 =	simm.s32 @!p0 $0x1082;
	s9 =	sld [smem:$0x3FB6]  }
0x2f: {  	lr =	sadd.s32 s0, s3;
	s0 =	sld [smem:$0x3FAD]  }
0x30: {  	s3 =	sld [smem:$0x3FB0]  }
0x31: {  	[smem:$0x3FB9] =	sst s10  }
0x32: {  	s10 =	sld [smem:$0x3FB7];
	_ =	sdelay $0x3  }
0x33: {  	p0 =	seq.s32 s10, $0x1;
	s10 =	sld [smem:$0x3FB9];
	_ =	sdelay $0x3  }
0x34: {  	[smem:$0x3FB9] =	sst s10  }
0x35: {  	s10 =	sld [smem:$0x3FB8];
	_ =	sdelay $0x3  }
0x36: {  	p1 =	seq.s32 s10, $0x1;
	s10 =	sld [smem:$0x3FB9];
	_ =	sdelay $0x3  }
0x37: {  	[smem:$0x3FB9] =	sst s10  }
0x38: {  	s10 =	sld [smem:$0x3FBA]  }
0x39: {  	_ = 	snop;
	(pc) =	sbr.ind lr, $3  }
0x3a: {  	_ = 	snop  }
0x3b: {  	_ = 	snop  }
0x3c: {  	p2 =	seq.s32 s10, $0x1;
	s10 =	sld [smem:$0x3FB9]  }
0x3d: {  	_ =	shalt  }
0x3e: {  	_ =	shalt  }
0x3f: {  	_ =	shalt  }
0x40: {  	_ =	shalt  }
0x41: {  	_ =	shalt  }
0x42: {  	_ =	shalt  }
0x43: {  	_ =	shalt  }
0x44: {  	_ =	shalt  }
0x45: {  	_ =	shalt  }
0x46: {  	_ =	shalt  }
0x47: {  	_ =	shalt  }
0x48: {  	_ =	shalt  }
0x49: {  	_ =	shalt  }
0x4a: {  	_ =	shalt  }
0x4b: {  	_ =	shalt  }
0x4c: {  	_ =	shalt  }
0x4d: {  	_ =	shalt  }
0x4e: {  	_ =	shalt  }
0x4f: {  	_ =	shalt  }
0x50: {  	_ =	shalt  }
0x51: {  	_ =	shalt  }
0x52: {  	_ =	shalt  }
0x53: {  	_ =	shalt  }
0x54: {  	_ =	shalt  }
0x55: {  	_ =	shalt  }
0x56: {  	_ =	shalt  }
0x57: {  	_ =	shalt  }
0x58: {  	_ =	shalt  }
0x59: {  	_ =	shalt  }
0x5a: {  	_ =	shalt  }
0x5b: {  	_ =	shalt  }
0x5c: {  	_ =	shalt  }
0x5d: {  	_ =	shalt  }
0x5e: {  	_ =	shalt  }
0x5f: {  	_ =	shalt  }
0x60: {  	_ =	shalt  }
0x61: {  	_ =	shalt  }
0x62: {  	_ =	shalt  }
0x63: {  	_ =	shalt  }
0x64: {  	_ =	shalt  }
0x65: {  	_ =	shalt  }
0x66: {  	_ =	shalt  }
0x67: {  	_ =	shalt  }
0x68: {  	_ =	shalt  }
0x69: {  	_ =	shalt  }
0x6a: {  	_ =	shalt  }
0x6b: {  	_ =	shalt  }
0x6c: {  	_ =	shalt  }
0x6d: {  	_ =	shalt  }
0x6e: {  	_ =	shalt  }
0x6f: {  	_ =	shalt  }
0x70: {  	_ =	shalt  }
0x71: {  	_ =	shalt  }
0x72: {  	_ =	shalt  }
0x73: {  	_ =	shalt  }
0x74: {  	_ =	shalt  }
0x75: {  	_ =	shalt  }
0x76: {  	_ =	shalt  }
0x77: {  	_ =	shalt  }
0x78: {  	_ =	shalt  }
0x79: {  	_ =	shalt  }
0x7a: {  	_ =	shalt  }
0x7b: {  	_ =	shalt  }
0x7c: {  	_ =	shalt  }
0x7d: {  	_ =	shalt  }
0x7e: {  	_ =	shalt  }
0x7f: {  	_ =	shalt  }
0x80: {  	_ =	shalt  }
0x81: {  	_ =	shalt  }
0x82: {  	_ =	shalt  }
0x83: {  	_ =	shalt  }
0x84: {  	_ =	shalt  }
0x85: {  	_ =	shalt  }
0x86: {  	_ =	shalt  }
0x87: {  	_ =	shalt  }
.Lfunc_end0:
.L_simem_size_0:
called_computation_lowered:
.L_overlay_start_0:
0x88: {  	s2 =	sld [smem:$0x3FD9]  }
0x89: {  	s3 =	sld [smem:$0x3FFE];
	_ =	sdelay $0x1  }
0x8a: {  	s1 =	srdreg.scid  }
0x8b: {  	s0 =	sand.u32 $0x1, s1  }
0x8c: {  	s17 =	sshll.u32 s0, $0xA;
	s2 =	sadd.s32 s3, s2  }
0x8d: {  	s2 =	sadd.s32 s2, s17  }
0x8e: {  	[smem:$0x3FC5] =	sst s2  }
0x8f: {  	_ = 	snop  }
0x90: {  	s2 =	sld [smem:$0x3FD0];
	(tm) =	ssettm $0x1  }
0x91: {  	s18 =	sld [smem:$0x3FFB];
	_ =	sdelay $0x3  }
0x92: {  	_ =	strace s18  }
0x93: {  	s3 =	sld [smem:$0x3FFC];
	_ =	sdelay $0x3  }
0x94: {  	_ =	strace s3  }
0x95: {  	s3 =	sld [smem:$0x3FFD];
	_ =	sdelay $0x3  }
0x96: {  	_ =	strace s3  }
0x97: {  	_ =	strace $0x8FFFFFFF  }
0x98: {  	s19 =	sld [smem:$0x3FDB];
	_ =	sdelay $0x1  }
0x99: {  	s4 =	simm.s32 $_scs_section_size  }
0x9a: {  	s5 =	simm.s32 $_size__tile_overlayer_lowered;
	s6 =	simm.s32 $_tile_overlayer_lowered  }
0x9b: {  	s22 =	simm.s32 $0x1BFF;
	s21 =	sshll.u32 s6, $0x1;
	s3 =	sadd.s32 s4, s19  }
0x9c: {  	s7 =	simm.s32 $0x0;
	s20 =	sshll.u32 s5, $0x1;
	s5 =	sadd.s32 s21, s3  }
0x9d: {  	[timem:s7], [sflag:s22] =	dma.local [hbm:s5], s20  }
0x9e: {  	_ =	swait.ge [sflag:s22], s20  }
0x9f: {  	s4 =	ssub.s32 $0x0, s20;
	[sflag:s22] =	ssyncset.done $0x0  }
0xa0: {  	[sflag:s22] =	ssyncadd.s32 s4;
	_ =	sdelay $0x1  }
0xa1: {  	s23 =	simm.s32 $0x1B8B  }
0xa2: {  	_ =	swait.ge [sflag:s23], $0x1  }
0xa3: {  	[sflag:s23] =	ssyncset.done $0x0  }
0xa4: {  	s25 =	simm.s32 $0x1B8E;
	s24 =	sld [smem:$0x3FFE];
	[sflag:s23] =	ssyncadd.s32 $0xFFFFFFFF  }
0xa5: {  	s26 =	simm.s32 $execute0_lowered;
	[smem:$0x3FD2] =	sst s25  }
0xa6: {  	s5 =	sshll.u32 s26, $0x1;
	_ =	strace $0x80000046;
	[dreg:$0x1] =	wrdreg $0xFFFFFFFF  }
0xa7: {  	s28 =	simm.s32 $_size_execute0_lowered;
	s3 =	sadd.s32 s3, s5;
	[dreg:$0x0] =	wrdreg $0x0  }
0xa8: {  	s5 =	sshll.u32 s28, $0x1;
	[dreg:$0x2] =	wrdreg s3  }
0xa9: {  	[dreg:$0x3] =	wrdreg s5  }
0xaa: {  	[dreg:$0x4] =	wrdreg $0xC0  }
0xab: {  	_ =	task [dreg:s7], $0x5FFFF  }
0xac: {  	[dreg:$0x1] =	wrdreg $0xFFFFFFFF  }
0xad: {  	[dreg:$0x0] =	wrdreg $0x60  }
0xae: {  	[dreg:$0x2] =	wrdreg s24  }
0xaf: {  	[dreg:$0x3] =	wrdreg s2  }
0xb0: {  	[dreg:$0x4] =	wrdreg $0x9  }
0xb1: {  	_ =	task.clear_ibuf [dreg:s7], $0x5FFFF;
	_ =	strace $0x90000046  }
0xb2: {  	s29 =	simm.s32 $0x9;
	_ =	strace $0x80000048  }
0xb3: {  	_ =	swait.ge [sflag:s29], $0x1  }
0xb4: {  	[sflag:s29] =	ssyncadd.s32 $0xFFFFFFFF  }
0xb5: {  	_ =	strace $0x90000048  }
0xb6: {  	_ =	sfence  }
0xb7: {  	s30 =	sld [smem:$0x0];
	_ =	sdelay $0x2  }
0xb8: {  	s31 =	sshll.u32 s1, $0xD;
	s1 =	sshrl.u32 s1, $0x2  }
0xb9: {  	s3 =	sand.u32 $0x4000, s31;
	s1 =	sadd.s32 s1, s30  }
0xba: {  	s0 =	sor.u32 s3, s0;
	s1 =	sshll.u32 s1, $0x11  }
0xbb: {  	s0 =	sor.u32 s1, s0  }
0xbc: {  	s0 =	sadd.s32 $0x8F2B, s0  }
0xbd: {  	[sflag:s0] =	ssyncadd.remote.s32 $0x1  }
0xbe: {  	_ =	sfence.sel $0xFFFF  }
0xbf: {  	[dreg:$0x0] =	wrdreg $0xFFFFFFFF;
	(pc) =	sbr.abs _section_cstart, $3  }
0xc0: {  	[dreg:$0x1] =	wrdreg $0xFFFFFFFF  }
0xc1: {  	_ =	task.clear_ibuf [dreg:s7], $0x2FFFF;
	_ =	strace $0x9FFFFFFF  }
0xc2: {  	(tm) =	ssettm $0x7FFFFFFF  }
0xc3: {  	_ =	shalt  }
tec
execute0_lowered:
.L_overlay_start_1:
0x0: {  	(tag) =	ssettag $0x1  }
0x1: {  	s0 =	rddreg [dreg:$0x0]  }
0x2: {  	s1 =	rddreg [dreg:$0x1];
	s2 =	simm.s32 $0x0  }
0x3: {  	s4 =	srdreg.scid;
	s6 =	stileid.u32;
	s16 =	simm.s32 $0x186A0  }
0x4: {  	s17 =	simm.s32 $0x6;
	s18 =	simm.s32 $0x1;
	s21 =	simm.s32 $0x2  }
0x5: {  	s22 =	simm.s32 $0x400;
	s23 =	simm.s32 $0x10000;
	s24 =	simm.s32 $0x1D8A0  }
0x6: {  	s25 =	simm.s32 $0x3;
	s28 =	simm.s32 $0x4;
	s29 =	simm.s32 $0x5  }
0x7: {  	s30 =	simm.s32 $0x0;
	[smem:$0x7FF] =	sst s2;
	s3 =	sadd.s32 $0xC00, s0  }
0x8: {  	s5 =	sand.u32 $0x1, s4;
	s6 =	sshll.u32 s6, $0x1;
	s26 =	sadd.s32 $0x400, s0  }
0x9: {  	s9 =	sadd.s32 $0x1000, s0;
	s11 =	sadd.s32 $0x1200, s0;
	_ =	strace $0x80000047  }
0xa: {  	[dreg:$0x3] =	wrdreg s26;
	s7 =	ssub.s32 $0x2, s5;
	s10 =	sor.u32 s5, s6  }
0xb: {  	s5 =	sadd.s32 $0x7000, s0;
	s26 =	simm.s32 $0x1E8A0;
	s8 =	smul.u32 $0x61A8, s10  }
0xc: {  	s31 =	sshrl.u32 s7, $0x1;
	s6 =	smul.u32 $0x190, s10;
	s14 =	sshllo.u32 s10, $0x1  }
0xd: {  	s10 =	sshll.u32 s10, $0xB;
	s15 =	ssub.s32 s7, s31;
	s12 =	smul.u32 $0x30D4, s14  }
0xe: {  	v0 =	vimm.s32 $0x0;
	vm0 =	vcmask $0x300;
	s13 =	smul.u32 $0xC8, s14;
	s14 =	sshll.u32 s14, $0xA;
	s7 =	sadd.s32 s1, s8  }
0xf: {  	v0 =	vsel vm0, $0x3, v0;
	s8 =	sadd.s32 $0xE00, s0;
	s15 =	smax.u32 s15, $0x1;
	s12 =	sadd.s32 s1, s12  }
.LBB2_1:
0x10: {  	s0 =	rddreg [dreg:$0x3]  }
0x11: {  	[tilespmem:s16], [sflag:$0x6] =	stream.linear.gather [hbm4b:s0+s2], $0x3200, $0x38;
	[tilespmem:$0x1F8A0] =	vst v63  }
0x12: {  	_ =	swait.ge [sflag:s17], $0x3200  }
0x13: {  	[sflag:s17] =	ssyncset.done $0x0  }
0x14: {  	[sflag:s17] =	ssyncadd.s32 $0xFFFFCE00  }
0x15: {  	[tilespmem:s2], [sflag:$0x1] =	stream.linear.gather [hbm4b:s7+s2], $0x186A0, $0x38;
	[tilespmem:$0x1F8A0] =	vst v63  }
0x16: {  	_ =	swait.ge [sflag:s18], $0x186A0  }
0x17: {  	[sflag:s18] =	ssyncset.done $0x0  }
0x18: {  	s19 =	simm.s32 $0x1B8A0;
	[sflag:s18] =	ssyncadd.s32 $0xFFFE7960  }
0x19: {  	[tilespmem:s19], [sflag:$0x2] =	stream.linear.gather [hbm4b:s3+s2], $0x1000, $0x38;
	[tilespmem:$0x1F8A0] =	vst v63  }
0x1a: {  	s20 =	simm.s32 $0x1C8A0;
	s31 =	simm.s32 $0x0  }
0x1b: {  	[tilespmem:s20], [sflag:$0x3] =	stream.linear.gather [hbm4b:s8+s2], $0x1000, $0x38;
	[tilespmem:$0x1F8A0] =	vst v63  }
.LBB2_2:
0x1c: {  	s1 =	sshll.u32 s31, $0x3  }
0x1d: {  	s0 =	sadd.s32 s6, s1  }
0x1e: {  	v1 =	vmov s0  }
0x1f: {  	v1 =	vshrl.u32 v1, $0x3  }
0x20: {  	v1 =	vshll.u32 v1, v0  }
0x21: {  	_ =	swait.ge [sflag:s21], $0x1000;
	v2 =	vbroadcast v1, $0x0  }
0x22: {  	p0 =	seq.s32 s31, $0x0;
	[sflag:s21] =	ssyncset.done $0x0  }
0x23: {  	[sflag:s21] =	ssyncadd.s32 $0xFFFFF000;
	s0 =	simm.s32 @!p0 $0x4  }
0x24: {  	_ =	swait.ge @!p0 [sflag:s0], $0x1000  }
0x25: {  	[sflag:s0] =	ssyncset.done @!p0 $0x0  }
0x26: {  	[sflag:s0] =	ssyncadd.s32 @!p0 $0xFFFFF000  }
0x27: {  	s19 =	simm.s32 $0x0;
	p1 =	por $0x1, $0x1;
	s0 =	sshll.u32 s31, $0xA;
	v2 =	vld.idx.msk [tilespmem:v2+s16+$0x0], $0xffff  }
.LBB2_3:
0x28: {  	v3 =	vld [tilespmem:s19+$0x1B8A0]  }
0x29: {  	v4 =	vld [tilespmem:s19+$0x1B8B0]  }
0x2a: {  	v5 =	vld [tilespmem:s19+$0x1B8C0]  }
0x2b: {  	v6 =	vld [tilespmem:s19+$0x1B8D0]  }
0x2c: {  	v7 =	vld [tilespmem:s19+$0x1B8E0]  }
0x2d: {  	v8 =	vld [tilespmem:s19+$0x1B8F0]  }
0x2e: {  	v9 =	vld [tilespmem:s19+$0x1B900]  }
0x2f: {  	v10 =	vld [tilespmem:s19+$0x1B910]  }
0x30: {  	v11 =	vld [tilespmem:s19+$0x1B920]  }
0x31: {  	v12 =	vld [tilespmem:s19+$0x1B930]  }
0x32: {  	v13 =	vld [tilespmem:s19+$0x1B940]  }
0x33: {  	v14 =	vld [tilespmem:s19+$0x1B950]  }
0x34: {  	v15 =	vld [tilespmem:s19+$0x1B960]  }
0x35: {  	v16 =	vld [tilespmem:s19+$0x1B970]  }
0x36: {  	v17 =	vld [tilespmem:s19+$0x1B980]  }
0x37: {  	v18 =	vld [tilespmem:s19+$0x1B990]  }
0x38: {  	v19 =	vld [tilespmem:s19+$0x1B9A0]  }
0x39: {  	v20 =	vld [tilespmem:s19+$0x1B9B0]  }
0x3a: {  	v21 =	vld [tilespmem:s19+$0x1B9C0]  }
0x3b: {  	v22 =	vld [tilespmem:s19+$0x1B9D0]  }
0x3c: {  	v23 =	vld [tilespmem:s19+$0x1B9E0]  }
0x3d: {  	v24 =	vld [tilespmem:s19+$0x1B9F0]  }
0x3e: {  	v25 =	vld [tilespmem:s19+$0x1BA00]  }
0x3f: {  	v28 =	vld [tilespmem:s19+$0x1BA10]  }
0x40: {  	v41 =	vld [tilespmem:s19+$0x1BA20]  }
0x41: {  	v42 =	vld [tilespmem:s19+$0x1BA30]  }
0x42: {  	v44 =	vld [tilespmem:s19+$0x1BA40]  }
0x43: {  	v45 =	vld [tilespmem:s19+$0x1BA50]  }
0x44: {  	v47 =	vld [tilespmem:s19+$0x1BA60]  }
0x45: {  	v48 =	vld [tilespmem:s19+$0x1BA70]  }
0x46: {  	v50 =	vld [tilespmem:s19+$0x1BA80]  }
0x47: {  	v51 =	vld [tilespmem:s19+$0x1BA90]  }
0x48: {  	v3 =	vld.idx.msk [tilespmem:v3+s2+$0x0], $0xffff  }
0x49: {  	v4 =	vld.idx.msk [tilespmem:v4+s2+$0x0], $0xffff  }
0x4a: {  	v6 =	vld.idx.msk [tilespmem:v6+s2+$0x0], $0xffff  }
0x4b: {  	v5 =	vld.idx.msk [tilespmem:v5+s2+$0x0], $0xffff  }
0x4c: {  	v8 =	vld.idx.msk [tilespmem:v8+s2+$0x0], $0xffff  }
0x4d: {  	v7 =	vld.idx.msk [tilespmem:v7+s2+$0x0], $0xffff;
	v3 =	vadd.f32 v3, v2  }
0x4e: {  	v10 =	vld.idx.msk [tilespmem:v10+s2+$0x0], $0xffff;
	v4 =	vadd.f32 v4, v2  }
0x4f: {  	v9 =	vld.idx.msk [tilespmem:v9+s2+$0x0], $0xffff;
	v29 =	vadd.f32 v6, v2;
	[tilespmem:s19+$0x1D8A0] =	vst v3  }
0x50: {  	v12 =	vld.idx.msk [tilespmem:v12+s2+$0x0], $0xffff;
	v3 =	vadd.f32 v5, v2;
	[tilespmem:s19+$0x1D8B0] =	vst v4  }
0x51: {  	v11 =	vld.idx.msk [tilespmem:v11+s2+$0x0], $0xffff;
	v32 =	vadd.f32 v8, v2;
	[tilespmem:s19+$0x1D8D0] =	vst v29  }
0x52: {  	v14 =	vld.idx.msk [tilespmem:v14+s2+$0x0], $0xffff;
	[tilespmem:s19+$0x1D8C0] =	vst v3;
	v3 =	vadd.f32 v7, v2  }
0x53: {  	v13 =	vld.idx.msk [tilespmem:v13+s2+$0x0], $0xffff;
	v35 =	vadd.f32 v10, v2;
	[tilespmem:s19+$0x1D8F0] =	vst v32  }
0x54: {  	v16 =	vld.idx.msk [tilespmem:v16+s2+$0x0], $0xffff;
	[tilespmem:s19+$0x1D8E0] =	vst v3;
	v3 =	vadd.f32 v9, v2  }
0x55: {  	v15 =	vld.idx.msk [tilespmem:v15+s2+$0x0], $0xffff;
	v38 =	vadd.f32 v12, v2;
	[tilespmem:s19+$0x1D910] =	vst v35  }
0x56: {  	v18 =	vld.idx.msk [tilespmem:v18+s2+$0x0], $0xffff;
	[tilespmem:s19+$0x1D900] =	vst v3;
	v3 =	vadd.f32 v11, v2  }
0x57: {  	v17 =	vld.idx.msk [tilespmem:v17+s2+$0x0], $0xffff;
	v40 =	vadd.f32 v14, v2;
	[tilespmem:s19+$0x1D930] =	vst v38  }
0x58: {  	v31 =	vld.idx.msk [tilespmem:v20+s2+$0x0], $0xffff;
	[tilespmem:s19+$0x1D920] =	vst v3;
	v3 =	vadd.f32 v13, v2  }
0x59: {  	v30 =	vld.idx.msk [tilespmem:v19+s2+$0x0], $0xffff;
	v43 =	vadd.f32 v16, v2;
	[tilespmem:s19+$0x1D950] =	vst v40  }
0x5a: {  	v34 =	vld.idx.msk [tilespmem:v22+s2+$0x0], $0xffff;
	[tilespmem:s19+$0x1D940] =	vst v3;
	v3 =	vadd.f32 v15, v2  }
0x5b: {  	v33 =	vld.idx.msk [tilespmem:v21+s2+$0x0], $0xffff;
	v46 =	vadd.f32 v18, v2;
	[tilespmem:s19+$0x1D970] =	vst v43  }
0x5c: {  	v37 =	vld.idx.msk [tilespmem:v24+s2+$0x0], $0xffff;
	[tilespmem:s19+$0x1D960] =	vst v3;
	v3 =	vadd.f32 v17, v2  }
0x5d: {  	v36 =	vld.idx.msk [tilespmem:v23+s2+$0x0], $0xffff;
	v49 =	vadd.f32 v31, v2;
	[tilespmem:s19+$0x1D990] =	vst v46  }
0x5e: {  	v54 =	vld.idx.msk [tilespmem:v42+s2+$0x0], $0xffff;
	[tilespmem:s19+$0x1D980] =	vst v3;
	v3 =	vadd.f32 v30, v2  }
0x5f: {  	v39 =	vld.idx.msk [tilespmem:v25+s2+$0x0], $0xffff;
	v52 =	vadd.f32 v34, v2;
	[tilespmem:s19+$0x1D9B0] =	vst v49  }
0x60: {  	v57 =	vld.idx.msk [tilespmem:v45+s2+$0x0], $0xffff;
	[tilespmem:s19+$0x1D9A0] =	vst v3;
	v3 =	vadd.f32 v33, v2  }
0x61: {  	v53 =	vld.idx.msk [tilespmem:v41+s2+$0x0], $0xffff;
	v55 =	vadd.f32 v37, v2;
	[tilespmem:s19+$0x1D9D0] =	vst v52  }
0x62: {  	v6 =	vld.idx.msk [tilespmem:v48+s2+$0x0], $0xffff;
	[tilespmem:s19+$0x1D9C0] =	vst v3;
	v3 =	vadd.f32 v36, v2  }
0x63: {  	v56 =	vld.idx.msk [tilespmem:v44+s2+$0x0], $0xffff;
	v60 =	vadd.f32 v54, v2;
	[tilespmem:s19+$0x1D9F0] =	vst v55  }
0x64: {  	v8 =	vld.idx.msk [tilespmem:v51+s2+$0x0], $0xffff;
	[tilespmem:s19+$0x1D9E0] =	vst v3;
	v3 =	vadd.f32 v39, v2  }
0x65: {  	v59 =	vld.idx.msk [tilespmem:v47+s2+$0x0], $0xffff;
	v61 =	vadd.f32 v57, v2;
	[tilespmem:s19+$0x1DA30] =	vst v60  }
0x66: {  	v5 =	vld.idx.msk [tilespmem:v28+s2+$0x0], $0xffff;
	[tilespmem:s19+$0x1DA00] =	vst v3;
	v3 =	vadd.f32 v53, v2  }
0x67: {  	[tilespmem:s19+$0x1DA50] =	vst v61;
	v7 =	vld.idx.msk [tilespmem:v50+s2+$0x0], $0xffff;
	v62 =	vadd.f32 v6, v2  }
0x68: {  	[tilespmem:s19+$0x1DA20] =	vst v3;
	v3 =	vadd.f32 v56, v2  }
0x69: {  	p2 =	por p1, p1;
	v63 =	vadd.f32 v8, v2;
	[tilespmem:s19+$0x1DA70] =	vst v62  }
.Ltmp0:
0x6a: {  	[tilespmem:s19+$0x1DA40] =	vst v3;
	v3 =	vadd.f32 v59, v2;
	(pc) =	sbr.rel @p2 .LBB2_3-.Ltmp0, $4  }
0x6b: {  	v58 =	vadd.f32 v5, v2;
	[tilespmem:s19+$0x1DA90] =	vst v63  }
0x6c: {  	[tilespmem:s19+$0x1DA60] =	vst v3;
	v3 =	vadd.f32 v7, v2  }
0x6d: {  	[tilespmem:s19+$0x1DA10] =	vst v58  }
0x6e: {  	p1 =	por $0x0, $0x0;
	[tilespmem:s19+$0x1DA80] =	vst v3;
	s19 =	simm.s32 $0x200  }
0x6f: {  	v2 =	vadd.s32 $0x1, v1  }
0x70: {  	v2 =	vbroadcast v2, $0x0;
	_ =	sdelay $0x5  }
0x71: {  	s19 =	simm.s32 $0x0;
	p1 =	por $0x1, $0x1;
	v2 =	vld.idx.msk [tilespmem:v2+s16+$0x0], $0xffff  }
.LBB2_5:
0x72: {  	v3 =	vld [tilespmem:s19+$0x1BCA0]  }
0x73: {  	v4 =	vld [tilespmem:s19+$0x1BCB0]  }
0x74: {  	v5 =	vld [tilespmem:s19+$0x1BCC0]  }
0x75: {  	v6 =	vld [tilespmem:s19+$0x1BCD0]  }
0x76: {  	v7 =	vld [tilespmem:s19+$0x1BCE0]  }
0x77: {  	v8 =	vld [tilespmem:s19+$0x1BCF0]  }
0x78: {  	v9 =	vld [tilespmem:s19+$0x1BD00]  }
0x79: {  	v10 =	vld [tilespmem:s19+$0x1BD10]  }
0x7a: {  	v11 =	vld [tilespmem:s19+$0x1BD20]  }
0x7b: {  	v12 =	vld [tilespmem:s19+$0x1BD30]  }
0x7c: {  	v13 =	vld [tilespmem:s19+$0x1BD40]  }
0x7d: {  	v14 =	vld [tilespmem:s19+$0x1BD50]  }
0x7e: {  	v15 =	vld [tilespmem:s19+$0x1BD60]  }
0x7f: {  	v16 =	vld [tilespmem:s19+$0x1BD70]  }
0x80: {  	v17 =	vld [tilespmem:s19+$0x1BD80]  }
0x81: {  	v18 =	vld [tilespmem:s19+$0x1BD90]  }
0x82: {  	v19 =	vld [tilespmem:s19+$0x1BDA0]  }
0x83: {  	v20 =	vld [tilespmem:s19+$0x1BDB0]  }
0x84: {  	v21 =	vld [tilespmem:s19+$0x1BDC0]  }
0x85: {  	v22 =	vld [tilespmem:s19+$0x1BDD0]  }
0x86: {  	v23 =	vld [tilespmem:s19+$0x1BDE0]  }
0x87: {  	v24 =	vld [tilespmem:s19+$0x1BDF0]  }
0x88: {  	v25 =	vld [tilespmem:s19+$0x1BE00]  }
0x89: {  	v28 =	vld [tilespmem:s19+$0x1BE10]  }
0x8a: {  	v41 =	vld [tilespmem:s19+$0x1BE20]  }
0x8b: {  	v42 =	vld [tilespmem:s19+$0x1BE30]  }
0x8c: {  	v44 =	vld [tilespmem:s19+$0x1BE40]  }
0x8d: {  	v45 =	vld [tilespmem:s19+$0x1BE50]  }
0x8e: {  	v47 =	vld [tilespmem:s19+$0x1BE60]  }
0x8f: {  	v48 =	vld [tilespmem:s19+$0x1BE70]  }
0x90: {  	v50 =	vld [tilespmem:s19+$0x1BE80]  }
0x91: {  	v51 =	vld [tilespmem:s19+$0x1BE90]  }
0x92: {  	v3 =	vld.idx.msk [tilespmem:v3+s2+$0x0], $0xffff  }
0x93: {  	v4 =	vld.idx.msk [tilespmem:v4+s2+$0x0], $0xffff  }
0x94: {  	v6 =	vld.idx.msk [tilespmem:v6+s2+$0x0], $0xffff  }
0x95: {  	v5 =	vld.idx.msk [tilespmem:v5+s2+$0x0], $0xffff  }
0x96: {  	v8 =	vld.idx.msk [tilespmem:v8+s2+$0x0], $0xffff  }
0x97: {  	v7 =	vld.idx.msk [tilespmem:v7+s2+$0x0], $0xffff;
	v3 =	vadd.f32 v3, v2  }
0x98: {  	v10 =	vld.idx.msk [tilespmem:v10+s2+$0x0], $0xffff;
	v4 =	vadd.f32 v4, v2  }
0x99: {  	v9 =	vld.idx.msk [tilespmem:v9+s2+$0x0], $0xffff;
	v29 =	vadd.f32 v6, v2;
	[tilespmem:s19+$0x1DCA0] =	vst v3  }
0x9a: {  	v12 =	vld.idx.msk [tilespmem:v12+s2+$0x0], $0xffff;
	v3 =	vadd.f32 v5, v2;
	[tilespmem:s19+$0x1DCB0] =	vst v4  }
0x9b: {  	v11 =	vld.idx.msk [tilespmem:v11+s2+$0x0], $0xffff;
	v32 =	vadd.f32 v8, v2;
	[tilespmem:s19+$0x1DCD0] =	vst v29  }
0x9c: {  	v14 =	vld.idx.msk [tilespmem:v14+s2+$0x0], $0xffff;
	[tilespmem:s19+$0x1DCC0] =	vst v3;
	v3 =	vadd.f32 v7, v2  }
0x9d: {  	v13 =	vld.idx.msk [tilespmem:v13+s2+$0x0], $0xffff;
	v35 =	vadd.f32 v10, v2;
	[tilespmem:s19+$0x1DCF0] =	vst v32  }
0x9e: {  	v16 =	vld.idx.msk [tilespmem:v16+s2+$0x0], $0xffff;
	[tilespmem:s19+$0x1DCE0] =	vst v3;
	v3 =	vadd.f32 v9, v2  }
0x9f: {  	v15 =	vld.idx.msk [tilespmem:v15+s2+$0x0], $0xffff;
	v38 =	vadd.f32 v12, v2;
	[tilespmem:s19+$0x1DD10] =	vst v35  }
0xa0: {  	v18 =	vld.idx.msk [tilespmem:v18+s2+$0x0], $0xffff;
	[tilespmem:s19+$0x1DD00] =	vst v3;
	v3 =	vadd.f32 v11, v2  }
0xa1: {  	v17 =	vld.idx.msk [tilespmem:v17+s2+$0x0], $0xffff;
	v40 =	vadd.f32 v14, v2;
	[tilespmem:s19+$0x1DD30] =	vst v38  }
0xa2: {  	v31 =	vld.idx.msk [tilespmem:v20+s2+$0x0], $0xffff;
	[tilespmem:s19+$0x1DD20] =	vst v3;
	v3 =	vadd.f32 v13, v2  }
0xa3: {  	v30 =	vld.idx.msk [tilespmem:v19+s2+$0x0], $0xffff;
	v43 =	vadd.f32 v16, v2;
	[tilespmem:s19+$0x1DD50] =	vst v40  }
0xa4: {  	v34 =	vld.idx.msk [tilespmem:v22+s2+$0x0], $0xffff;
	[tilespmem:s19+$0x1DD40] =	vst v3;
	v3 =	vadd.f32 v15, v2  }
0xa5: {  	v33 =	vld.idx.msk [tilespmem:v21+s2+$0x0], $0xffff;
	v46 =	vadd.f32 v18, v2;
	[tilespmem:s19+$0x1DD70] =	vst v43  }
0xa6: {  	v37 =	vld.idx.msk [tilespmem:v24+s2+$0x0], $0xffff;
	[tilespmem:s19+$0x1DD60] =	vst v3;
	v3 =	vadd.f32 v17, v2  }
0xa7: {  	v36 =	vld.idx.msk [tilespmem:v23+s2+$0x0], $0xffff;
	v49 =	vadd.f32 v31, v2;
	[tilespmem:s19+$0x1DD90] =	vst v46  }
0xa8: {  	v54 =	vld.idx.msk [tilespmem:v42+s2+$0x0], $0xffff;
	[tilespmem:s19+$0x1DD80] =	vst v3;
	v3 =	vadd.f32 v30, v2  }
0xa9: {  	v39 =	vld.idx.msk [tilespmem:v25+s2+$0x0], $0xffff;
	v52 =	vadd.f32 v34, v2;
	[tilespmem:s19+$0x1DDB0] =	vst v49  }
0xaa: {  	v57 =	vld.idx.msk [tilespmem:v45+s2+$0x0], $0xffff;
	[tilespmem:s19+$0x1DDA0] =	vst v3;
	v3 =	vadd.f32 v33, v2  }
0xab: {  	v53 =	vld.idx.msk [tilespmem:v41+s2+$0x0], $0xffff;
	v55 =	vadd.f32 v37, v2;
	[tilespmem:s19+$0x1DDD0] =	vst v52  }
0xac: {  	v6 =	vld.idx.msk [tilespmem:v48+s2+$0x0], $0xffff;
	[tilespmem:s19+$0x1DDC0] =	vst v3;
	v3 =	vadd.f32 v36, v2  }
0xad: {  	v56 =	vld.idx.msk [tilespmem:v44+s2+$0x0], $0xffff;
	v60 =	vadd.f32 v54, v2;
	[tilespmem:s19+$0x1DDF0] =	vst v55  }
0xae: {  	v8 =	vld.idx.msk [tilespmem:v51+s2+$0x0], $0xffff;
	[tilespmem:s19+$0x1DDE0] =	vst v3;
	v3 =	vadd.f32 v39, v2  }
0xaf: {  	v59 =	vld.idx.msk [tilespmem:v47+s2+$0x0], $0xffff;
	v61 =	vadd.f32 v57, v2;
	[tilespmem:s19+$0x1DE30] =	vst v60  }
0xb0: {  	v5 =	vld.idx.msk [tilespmem:v28+s2+$0x0], $0xffff;
	[tilespmem:s19+$0x1DE00] =	vst v3;
	v3 =	vadd.f32 v53, v2  }
0xb1: {  	[tilespmem:s19+$0x1DE50] =	vst v61;
	v7 =	vld.idx.msk [tilespmem:v50+s2+$0x0], $0xffff;
	v62 =	vadd.f32 v6, v2  }
0xb2: {  	[tilespmem:s19+$0x1DE20] =	vst v3;
	v3 =	vadd.f32 v56, v2  }
0xb3: {  	p2 =	por p1, p1;
	v63 =	vadd.f32 v8, v2;
	[tilespmem:s19+$0x1DE70] =	vst v62  }
.Ltmp1:
0xb4: {  	[tilespmem:s19+$0x1DE40] =	vst v3;
	v3 =	vadd.f32 v59, v2;
	(pc) =	sbr.rel @p2 .LBB2_5-.Ltmp1, $4  }
0xb5: {  	v58 =	vadd.f32 v5, v2;
	[tilespmem:s19+$0x1DE90] =	vst v63  }
0xb6: {  	[tilespmem:s19+$0x1DE60] =	vst v3;
	v3 =	vadd.f32 v7, v2  }
0xb7: {  	[tilespmem:s19+$0x1DE10] =	vst v58  }
0xb8: {  	p1 =	por $0x0, $0x0;
	[tilespmem:s19+$0x1DE80] =	vst v3;
	s19 =	simm.s32 $0x200  }
0xb9: {  	v2 =	vadd.s32 $0x2, v1  }
0xba: {  	v2 =	vbroadcast v2, $0x0;
	_ =	sdelay $0x5  }
0xbb: {  	s19 =	simm.s32 $0x0;
	p1 =	por $0x1, $0x1;
	v2 =	vld.idx.msk [tilespmem:v2+s16+$0x0], $0xffff  }
.LBB2_7:
0xbc: {  	v3 =	vld [tilespmem:s19+$0x1C0A0]  }
0xbd: {  	v4 =	vld [tilespmem:s19+$0x1C0B0]  }
0xbe: {  	v5 =	vld [tilespmem:s19+$0x1C0C0]  }
0xbf: {  	v6 =	vld [tilespmem:s19+$0x1C0D0]  }
0xc0: {  	v7 =	vld [tilespmem:s19+$0x1C0E0]  }
0xc1: {  	v8 =	vld [tilespmem:s19+$0x1C0F0]  }
0xc2: {  	v9 =	vld [tilespmem:s19+$0x1C100]  }
0xc3: {  	v10 =	vld [tilespmem:s19+$0x1C110]  }
0xc4: {  	v11 =	vld [tilespmem:s19+$0x1C120]  }
0xc5: {  	v12 =	vld [tilespmem:s19+$0x1C130]  }
0xc6: {  	v13 =	vld [tilespmem:s19+$0x1C140]  }
0xc7: {  	v14 =	vld [tilespmem:s19+$0x1C150]  }
0xc8: {  	v15 =	vld [tilespmem:s19+$0x1C160]  }
0xc9: {  	v16 =	vld [tilespmem:s19+$0x1C170]  }
0xca: {  	v17 =	vld [tilespmem:s19+$0x1C180]  }
0xcb: {  	v18 =	vld [tilespmem:s19+$0x1C190]  }
0xcc: {  	v19 =	vld [tilespmem:s19+$0x1C1A0]  }
0xcd: {  	v20 =	vld [tilespmem:s19+$0x1C1B0]  }
0xce: {  	v21 =	vld [tilespmem:s19+$0x1C1C0]  }
0xcf: {  	v22 =	vld [tilespmem:s19+$0x1C1D0]  }
0xd0: {  	v23 =	vld [tilespmem:s19+$0x1C1E0]  }
0xd1: {  	v24 =	vld [tilespmem:s19+$0x1C1F0]  }
0xd2: {  	v25 =	vld [tilespmem:s19+$0x1C200]  }
0xd3: {  	v28 =	vld [tilespmem:s19+$0x1C210]  }
0xd4: {  	v41 =	vld [tilespmem:s19+$0x1C220]  }
0xd5: {  	v42 =	vld [tilespmem:s19+$0x1C230]  }
0xd6: {  	v44 =	vld [tilespmem:s19+$0x1C240]  }
0xd7: {  	v45 =	vld [tilespmem:s19+$0x1C250]  }
0xd8: {  	v47 =	vld [tilespmem:s19+$0x1C260]  }
0xd9: {  	v48 =	vld [tilespmem:s19+$0x1C270]  }
0xda: {  	v50 =	vld [tilespmem:s19+$0x1C280]  }
0xdb: {  	v51 =	vld [tilespmem:s19+$0x1C290]  }
0xdc: {  	v3 =	vld.idx.msk [tilespmem:v3+s2+$0x0], $0xffff  }
0xdd: {  	v4 =	vld.idx.msk [tilespmem:v4+s2+$0x0], $0xffff  }
0xde: {  	v6 =	vld.idx.msk [tilespmem:v6+s2+$0x0], $0xffff  }
0xdf: {  	v5 =	vld.idx.msk [tilespmem:v5+s2+$0x0], $0xffff  }
0xe0: {  	v8 =	vld.idx.msk [tilespmem:v8+s2+$0x0], $0xffff  }
0xe1: {  	v7 =	vld.idx.msk [tilespmem:v7+s2+$0x0], $0xffff;
	v3 =	vadd.f32 v3, v2  }
0xe2: {  	v10 =	vld.idx.msk [tilespmem:v10+s2+$0x0], $0xffff;
	v4 =	vadd.f32 v4, v2  }
0xe3: {  	v9 =	vld.idx.msk [tilespmem:v9+s2+$0x0], $0xffff;
	v29 =	vadd.f32 v6, v2;
	[tilespmem:s19+$0x1E0A0] =	vst v3  }
0xe4: {  	v12 =	vld.idx.msk [tilespmem:v12+s2+$0x0], $0xffff;
	v3 =	vadd.f32 v5, v2;
	[tilespmem:s19+$0x1E0B0] =	vst v4  }
0xe5: {  	v11 =	vld.idx.msk [tilespmem:v11+s2+$0x0], $0xffff;
	v32 =	vadd.f32 v8, v2;
	[tilespmem:s19+$0x1E0D0] =	vst v29  }
0xe6: {  	v14 =	vld.idx.msk [tilespmem:v14+s2+$0x0], $0xffff;
	[tilespmem:s19+$0x1E0C0] =	vst v3;
	v3 =	vadd.f32 v7, v2  }
0xe7: {  	v13 =	vld.idx.msk [tilespmem:v13+s2+$0x0], $0xffff;
	v35 =	vadd.f32 v10, v2;
	[tilespmem:s19+$0x1E0F0] =	vst v32  }
0xe8: {  	v16 =	vld.idx.msk [tilespmem:v16+s2+$0x0], $0xffff;
	[tilespmem:s19+$0x1E0E0] =	vst v3;
	v3 =	vadd.f32 v9, v2  }
0xe9: {  	v15 =	vld.idx.msk [tilespmem:v15+s2+$0x0], $0xffff;
	v38 =	vadd.f32 v12, v2;
	[tilespmem:s19+$0x1E110] =	vst v35  }
0xea: {  	v18 =	vld.idx.msk [tilespmem:v18+s2+$0x0], $0xffff;
	[tilespmem:s19+$0x1E100] =	vst v3;
	v3 =	vadd.f32 v11, v2  }
0xeb: {  	v17 =	vld.idx.msk [tilespmem:v17+s2+$0x0], $0xffff;
	v40 =	vadd.f32 v14, v2;
	[tilespmem:s19+$0x1E130] =	vst v38  }
0xec: {  	v31 =	vld.idx.msk [tilespmem:v20+s2+$0x0], $0xffff;
	[tilespmem:s19+$0x1E120] =	vst v3;
	v3 =	vadd.f32 v13, v2  }
0xed: {  	v30 =	vld.idx.msk [tilespmem:v19+s2+$0x0], $0xffff;
	v43 =	vadd.f32 v16, v2;
	[tilespmem:s19+$0x1E150] =	vst v40  }
0xee: {  	v34 =	vld.idx.msk [tilespmem:v22+s2+$0x0], $0xffff;
	[tilespmem:s19+$0x1E140] =	vst v3;
	v3 =	vadd.f32 v15, v2  }
0xef: {  	v33 =	vld.idx.msk [tilespmem:v21+s2+$0x0], $0xffff;
	v46 =	vadd.f32 v18, v2;
	[tilespmem:s19+$0x1E170] =	vst v43  }
0xf0: {  	v37 =	vld.idx.msk [tilespmem:v24+s2+$0x0], $0xffff;
	[tilespmem:s19+$0x1E160] =	vst v3;
	v3 =	vadd.f32 v17, v2  }
0xf1: {  	v36 =	vld.idx.msk [tilespmem:v23+s2+$0x0], $0xffff;
	v49 =	vadd.f32 v31, v2;
	[tilespmem:s19+$0x1E190] =	vst v46  }
0xf2: {  	v54 =	vld.idx.msk [tilespmem:v42+s2+$0x0], $0xffff;
	[tilespmem:s19+$0x1E180] =	vst v3;
	v3 =	vadd.f32 v30, v2  }
0xf3: {  	v39 =	vld.idx.msk [tilespmem:v25+s2+$0x0], $0xffff;
	v52 =	vadd.f32 v34, v2;
	[tilespmem:s19+$0x1E1B0] =	vst v49  }
0xf4: {  	v57 =	vld.idx.msk [tilespmem:v45+s2+$0x0], $0xffff;
	[tilespmem:s19+$0x1E1A0] =	vst v3;
	v3 =	vadd.f32 v33, v2  }
0xf5: {  	v53 =	vld.idx.msk [tilespmem:v41+s2+$0x0], $0xffff;
	v55 =	vadd.f32 v37, v2;
	[tilespmem:s19+$0x1E1D0] =	vst v52  }
0xf6: {  	v6 =	vld.idx.msk [tilespmem:v48+s2+$0x0], $0xffff;
	[tilespmem:s19+$0x1E1C0] =	vst v3;
	v3 =	vadd.f32 v36, v2  }
0xf7: {  	v56 =	vld.idx.msk [tilespmem:v44+s2+$0x0], $0xffff;
	v60 =	vadd.f32 v54, v2;
	[tilespmem:s19+$0x1E1F0] =	vst v55  }
0xf8: {  	v8 =	vld.idx.msk [tilespmem:v51+s2+$0x0], $0xffff;
	[tilespmem:s19+$0x1E1E0] =	vst v3;
	v3 =	vadd.f32 v39, v2  }
0xf9: {  	v59 =	vld.idx.msk [tilespmem:v47+s2+$0x0], $0xffff;
	v61 =	vadd.f32 v57, v2;
	[tilespmem:s19+$0x1E230] =	vst v60  }
0xfa: {  	v5 =	vld.idx.msk [tilespmem:v28+s2+$0x0], $0xffff;
	[tilespmem:s19+$0x1E200] =	vst v3;
	v3 =	vadd.f32 v53, v2  }
0xfb: {  	[tilespmem:s19+$0x1E250] =	vst v61;
	v7 =	vld.idx.msk [tilespmem:v50+s2+$0x0], $0xffff;
	v62 =	vadd.f32 v6, v2  }
0xfc: {  	[tilespmem:s19+$0x1E220] =	vst v3;
	v3 =	vadd.f32 v56, v2  }
0xfd: {  	p2 =	por p1, p1;
	v63 =	vadd.f32 v8, v2;
	[tilespmem:s19+$0x1E270] =	vst v62  }
.Ltmp2:
0xfe: {  	[tilespmem:s19+$0x1E240] =	vst v3;
	v3 =	vadd.f32 v59, v2;
	(pc) =	sbr.rel @p2 .LBB2_7-.Ltmp2, $4  }
0xff: {  	v58 =	vadd.f32 v5, v2;
	[tilespmem:s19+$0x1E290] =	vst v63  }
0x100: {  	[tilespmem:s19+$0x1E260] =	vst v3;
	v3 =	vadd.f32 v7, v2  }
0x101: {  	[tilespmem:s19+$0x1E210] =	vst v58  }
0x102: {  	p1 =	por $0x0, $0x0;
	[tilespmem:s19+$0x1E280] =	vst v3;
	s19 =	simm.s32 $0x200  }
0x103: {  	v2 =	vadd.s32 $0x3, v1  }
0x104: {  	v2 =	vbroadcast v2, $0x0;
	_ =	sdelay $0x5  }
0x105: {  	s19 =	simm.s32 $0x0;
	p1 =	por $0x1, $0x1;
	v2 =	vld.idx.msk [tilespmem:v2+s16+$0x0], $0xffff  }
.LBB2_9:
0x106: {  	v3 =	vld [tilespmem:s19+$0x1C4A0]  }
0x107: {  	v4 =	vld [tilespmem:s19+$0x1C4B0]  }
0x108: {  	v5 =	vld [tilespmem:s19+$0x1C4C0]  }
0x109: {  	v6 =	vld [tilespmem:s19+$0x1C4D0]  }
0x10a: {  	v7 =	vld [tilespmem:s19+$0x1C4E0]  }
0x10b: {  	v8 =	vld [tilespmem:s19+$0x1C4F0]  }
0x10c: {  	v9 =	vld [tilespmem:s19+$0x1C500]  }
0x10d: {  	v10 =	vld [tilespmem:s19+$0x1C510]  }
0x10e: {  	v11 =	vld [tilespmem:s19+$0x1C520]  }
0x10f: {  	v12 =	vld [tilespmem:s19+$0x1C530]  }
0x110: {  	v13 =	vld [tilespmem:s19+$0x1C540]  }
0x111: {  	v14 =	vld [tilespmem:s19+$0x1C550]  }
0x112: {  	v15 =	vld [tilespmem:s19+$0x1C560]  }
0x113: {  	v16 =	vld [tilespmem:s19+$0x1C570]  }
0x114: {  	v17 =	vld [tilespmem:s19+$0x1C580]  }
0x115: {  	v18 =	vld [tilespmem:s19+$0x1C590]  }
0x116: {  	v19 =	vld [tilespmem:s19+$0x1C5A0]  }
0x117: {  	v20 =	vld [tilespmem:s19+$0x1C5B0]  }
0x118: {  	v21 =	vld [tilespmem:s19+$0x1C5C0]  }
0x119: {  	v22 =	vld [tilespmem:s19+$0x1C5D0]  }
0x11a: {  	v23 =	vld [tilespmem:s19+$0x1C5E0]  }
0x11b: {  	v24 =	vld [tilespmem:s19+$0x1C5F0]  }
0x11c: {  	v25 =	vld [tilespmem:s19+$0x1C600]  }
0x11d: {  	v28 =	vld [tilespmem:s19+$0x1C610]  }
0x11e: {  	v41 =	vld [tilespmem:s19+$0x1C620]  }
0x11f: {  	v42 =	vld [tilespmem:s19+$0x1C630]  }
0x120: {  	v44 =	vld [tilespmem:s19+$0x1C640]  }
0x121: {  	v45 =	vld [tilespmem:s19+$0x1C650]  }
0x122: {  	v47 =	vld [tilespmem:s19+$0x1C660]  }
0x123: {  	v48 =	vld [tilespmem:s19+$0x1C670]  }
0x124: {  	v50 =	vld [tilespmem:s19+$0x1C680]  }
0x125: {  	v51 =	vld [tilespmem:s19+$0x1C690]  }
0x126: {  	v3 =	vld.idx.msk [tilespmem:v3+s2+$0x0], $0xffff  }
0x127: {  	v4 =	vld.idx.msk [tilespmem:v4+s2+$0x0], $0xffff  }
0x128: {  	v6 =	vld.idx.msk [tilespmem:v6+s2+$0x0], $0xffff  }
0x129: {  	v5 =	vld.idx.msk [tilespmem:v5+s2+$0x0], $0xffff  }
0x12a: {  	v8 =	vld.idx.msk [tilespmem:v8+s2+$0x0], $0xffff  }
0x12b: {  	v7 =	vld.idx.msk [tilespmem:v7+s2+$0x0], $0xffff;
	v3 =	vadd.f32 v3, v2  }
0x12c: {  	v10 =	vld.idx.msk [tilespmem:v10+s2+$0x0], $0xffff;
	v4 =	vadd.f32 v4, v2  }
0x12d: {  	v9 =	vld.idx.msk [tilespmem:v9+s2+$0x0], $0xffff;
	v29 =	vadd.f32 v6, v2;
	[tilespmem:s19+$0x1E4A0] =	vst v3  }
0x12e: {  	v12 =	vld.idx.msk [tilespmem:v12+s2+$0x0], $0xffff;
	v3 =	vadd.f32 v5, v2;
	[tilespmem:s19+$0x1E4B0] =	vst v4  }
0x12f: {  	v11 =	vld.idx.msk [tilespmem:v11+s2+$0x0], $0xffff;
	v32 =	vadd.f32 v8, v2;
	[tilespmem:s19+$0x1E4D0] =	vst v29  }
0x130: {  	v14 =	vld.idx.msk [tilespmem:v14+s2+$0x0], $0xffff;
	[tilespmem:s19+$0x1E4C0] =	vst v3;
	v3 =	vadd.f32 v7, v2  }
0x131: {  	v13 =	vld.idx.msk [tilespmem:v13+s2+$0x0], $0xffff;
	v35 =	vadd.f32 v10, v2;
	[tilespmem:s19+$0x1E4F0] =	vst v32  }
0x132: {  	v16 =	vld.idx.msk [tilespmem:v16+s2+$0x0], $0xffff;
	[tilespmem:s19+$0x1E4E0] =	vst v3;
	v3 =	vadd.f32 v9, v2  }
0x133: {  	v15 =	vld.idx.msk [tilespmem:v15+s2+$0x0], $0xffff;
	v38 =	vadd.f32 v12, v2;
	[tilespmem:s19+$0x1E510] =	vst v35  }
0x134: {  	v18 =	vld.idx.msk [tilespmem:v18+s2+$0x0], $0xffff;
	[tilespmem:s19+$0x1E500] =	vst v3;
	v3 =	vadd.f32 v11, v2  }
0x135: {  	v17 =	vld.idx.msk [tilespmem:v17+s2+$0x0], $0xffff;
	v40 =	vadd.f32 v14, v2;
	[tilespmem:s19+$0x1E530] =	vst v38  }
0x136: {  	v31 =	vld.idx.msk [tilespmem:v20+s2+$0x0], $0xffff;
	[tilespmem:s19+$0x1E520] =	vst v3;
	v3 =	vadd.f32 v13, v2  }
0x137: {  	v30 =	vld.idx.msk [tilespmem:v19+s2+$0x0], $0xffff;
	v43 =	vadd.f32 v16, v2;
	[tilespmem:s19+$0x1E550] =	vst v40  }
0x138: {  	v34 =	vld.idx.msk [tilespmem:v22+s2+$0x0], $0xffff;
	[tilespmem:s19+$0x1E540] =	vst v3;
	v3 =	vadd.f32 v15, v2  }
0x139: {  	v33 =	vld.idx.msk [tilespmem:v21+s2+$0x0], $0xffff;
	v46 =	vadd.f32 v18, v2;
	[tilespmem:s19+$0x1E570] =	vst v43  }
0x13a: {  	v37 =	vld.idx.msk [tilespmem:v24+s2+$0x0], $0xffff;
	[tilespmem:s19+$0x1E560] =	vst v3;
	v3 =	vadd.f32 v17, v2  }
0x13b: {  	v36 =	vld.idx.msk [tilespmem:v23+s2+$0x0], $0xffff;
	v49 =	vadd.f32 v31, v2;
	[tilespmem:s19+$0x1E590] =	vst v46  }
0x13c: {  	v54 =	vld.idx.msk [tilespmem:v42+s2+$0x0], $0xffff;
	[tilespmem:s19+$0x1E580] =	vst v3;
	v3 =	vadd.f32 v30, v2  }
0x13d: {  	v39 =	vld.idx.msk [tilespmem:v25+s2+$0x0], $0xffff;
	v52 =	vadd.f32 v34, v2;
	[tilespmem:s19+$0x1E5B0] =	vst v49  }
0x13e: {  	v57 =	vld.idx.msk [tilespmem:v45+s2+$0x0], $0xffff;
	[tilespmem:s19+$0x1E5A0] =	vst v3;
	v3 =	vadd.f32 v33, v2  }
0x13f: {  	v53 =	vld.idx.msk [tilespmem:v41+s2+$0x0], $0xffff;
	v55 =	vadd.f32 v37, v2;
	[tilespmem:s19+$0x1E5D0] =	vst v52  }
0x140: {  	v6 =	vld.idx.msk [tilespmem:v48+s2+$0x0], $0xffff;
	[tilespmem:s19+$0x1E5C0] =	vst v3;
	v3 =	vadd.f32 v36, v2  }
0x141: {  	v56 =	vld.idx.msk [tilespmem:v44+s2+$0x0], $0xffff;
	v60 =	vadd.f32 v54, v2;
	[tilespmem:s19+$0x1E5F0] =	vst v55  }
0x142: {  	v8 =	vld.idx.msk [tilespmem:v51+s2+$0x0], $0xffff;
	[tilespmem:s19+$0x1E5E0] =	vst v3;
	v3 =	vadd.f32 v39, v2  }
0x143: {  	v59 =	vld.idx.msk [tilespmem:v47+s2+$0x0], $0xffff;
	v61 =	vadd.f32 v57, v2;
	[tilespmem:s19+$0x1E630] =	vst v60  }
0x144: {  	v5 =	vld.idx.msk [tilespmem:v28+s2+$0x0], $0xffff;
	[tilespmem:s19+$0x1E600] =	vst v3;
	v3 =	vadd.f32 v53, v2  }
0x145: {  	[tilespmem:s19+$0x1E650] =	vst v61;
	v7 =	vld.idx.msk [tilespmem:v50+s2+$0x0], $0xffff;
	v62 =	vadd.f32 v6, v2  }
0x146: {  	[tilespmem:s19+$0x1E620] =	vst v3;
	v3 =	vadd.f32 v56, v2  }
0x147: {  	p2 =	por p1, p1;
	v63 =	vadd.f32 v8, v2;
	[tilespmem:s19+$0x1E670] =	vst v62  }
.Ltmp3:
0x148: {  	[tilespmem:s19+$0x1E640] =	vst v3;
	v3 =	vadd.f32 v59, v2;
	(pc) =	sbr.rel @p2 .LBB2_9-.Ltmp3, $4  }
0x149: {  	v58 =	vadd.f32 v5, v2;
	[tilespmem:s19+$0x1E690] =	vst v63  }
0x14a: {  	[tilespmem:s19+$0x1E660] =	vst v3;
	v3 =	vadd.f32 v7, v2  }
0x14b: {  	[tilespmem:s19+$0x1E610] =	vst v58  }
0x14c: {  	p1 =	por $0x0, $0x0;
	[tilespmem:s19+$0x1E680] =	vst v3;
	s19 =	simm.s32 $0x200  }
0x14d: {  	p1 =	seq.s32 s31, $0x18;
	s1 =	sor.u32 $0x4, s1  }
0x14e: {  	s19 =	sadd.s32 @!p1 s0, s9;
	s20 =	simm.s32 @!p1 $0x0;
	s4 =	simm.s32 @!p1 $0x1B8A0  }
0x14f: {  	[tilespmem:s4], [sflag:$0x2] =	stream.linear.gather @!p1 [hbm4b:s19+s20], $0x1000, $0x38;
	[tilespmem:$0x1F8A0] =	vst v63  }
0x150: {  	s19 =	sshll.u32 s31, $0x13;
	s20 =	sadd.s32 s6, s1  }
0x151: {  	s4 =	sor.u32 s10, s19;
	v2 =	vmov s20  }
0x152: {  	s4 =	sshrl.u32 s4, $0x3;
	v2 =	vshrl.u32 v2, $0x3  }
0x153: {  	s4 =	sadd.s32 s5, s4;
	v2 =	vshll.u32 v2, $0x3  }
0x154: {  	[hbm4b:s4+s22] =	stream.strided.scatter [tilespmem:s24], [sflag:$0x4], $0x1000, s23, s22, $0x38;
	v2 =	vor.u32 $0x4, v2;
	[tilespmem:$0x1F8A0] =	vst v63  }
0x155: {  	_ =	swait.ge [sflag:s25], $0x1000;
	v2 =	vbroadcast v2, $0x0  }
0x156: {  	[sflag:s25] =	ssyncset.done $0x0  }
0x157: {  	s4 =	simm.s32 @!p0 $0x5;
	[sflag:s25] =	ssyncadd.s32 $0xFFFFF000  }
0x158: {  	_ =	swait.ge @!p0 [sflag:s4], $0x1000  }
0x159: {  	[sflag:s4] =	ssyncset.done @!p0 $0x0  }
0x15a: {  	[sflag:s4] =	ssyncadd.s32 @!p0 $0xFFFFF000  }
0x15b: {  	s19 =	simm.s32 $0x0;
	p0 =	por $0x1, $0x1;
	v2 =	vld.idx.msk [tilespmem:v2+s16+$0x0], $0xffff  }
.LBB2_11:
0x15c: {  	v3 =	vld [tilespmem:s19+$0x1C8A0]  }
0x15d: {  	v4 =	vld [tilespmem:s19+$0x1C8B0]  }
0x15e: {  	v5 =	vld [tilespmem:s19+$0x1C8C0]  }
0x15f: {  	v6 =	vld [tilespmem:s19+$0x1C8D0]  }
0x160: {  	v7 =	vld [tilespmem:s19+$0x1C8E0]  }
0x161: {  	v8 =	vld [tilespmem:s19+$0x1C8F0]  }
0x162: {  	v9 =	vld [tilespmem:s19+$0x1C900]  }
0x163: {  	v10 =	vld [tilespmem:s19+$0x1C910]  }
0x164: {  	v11 =	vld [tilespmem:s19+$0x1C920]  }
0x165: {  	v12 =	vld [tilespmem:s19+$0x1C930]  }
0x166: {  	v13 =	vld [tilespmem:s19+$0x1C940]  }
0x167: {  	v14 =	vld [tilespmem:s19+$0x1C950]  }
0x168: {  	v15 =	vld [tilespmem:s19+$0x1C960]  }
0x169: {  	v16 =	vld [tilespmem:s19+$0x1C970]  }
0x16a: {  	v17 =	vld [tilespmem:s19+$0x1C980]  }
0x16b: {  	v18 =	vld [tilespmem:s19+$0x1C990]  }
0x16c: {  	v19 =	vld [tilespmem:s19+$0x1C9A0]  }
0x16d: {  	v20 =	vld [tilespmem:s19+$0x1C9B0]  }
0x16e: {  	v21 =	vld [tilespmem:s19+$0x1C9C0]  }
0x16f: {  	v22 =	vld [tilespmem:s19+$0x1C9D0]  }
0x170: {  	v23 =	vld [tilespmem:s19+$0x1C9E0]  }
0x171: {  	v24 =	vld [tilespmem:s19+$0x1C9F0]  }
0x172: {  	v25 =	vld [tilespmem:s19+$0x1CA00]  }
0x173: {  	v28 =	vld [tilespmem:s19+$0x1CA10]  }
0x174: {  	v41 =	vld [tilespmem:s19+$0x1CA20]  }
0x175: {  	v42 =	vld [tilespmem:s19+$0x1CA30]  }
0x176: {  	v44 =	vld [tilespmem:s19+$0x1CA40]  }
0x177: {  	v45 =	vld [tilespmem:s19+$0x1CA50]  }
0x178: {  	v47 =	vld [tilespmem:s19+$0x1CA60]  }
0x179: {  	v48 =	vld [tilespmem:s19+$0x1CA70]  }
0x17a: {  	v50 =	vld [tilespmem:s19+$0x1CA80]  }
0x17b: {  	v51 =	vld [tilespmem:s19+$0x1CA90]  }
0x17c: {  	v3 =	vld.idx.msk [tilespmem:v3+s2+$0x0], $0xffff  }
0x17d: {  	v4 =	vld.idx.msk [tilespmem:v4+s2+$0x0], $0xffff  }
0x17e: {  	v6 =	vld.idx.msk [tilespmem:v6+s2+$0x0], $0xffff  }
0x17f: {  	v5 =	vld.idx.msk [tilespmem:v5+s2+$0x0], $0xffff  }
0x180: {  	v8 =	vld.idx.msk [tilespmem:v8+s2+$0x0], $0xffff  }
0x181: {  	v7 =	vld.idx.msk [tilespmem:v7+s2+$0x0], $0xffff;
	v3 =	vadd.f32 v3, v2  }
0x182: {  	v10 =	vld.idx.msk [tilespmem:v10+s2+$0x0], $0xffff;
	v4 =	vadd.f32 v4, v2  }
0x183: {  	v9 =	vld.idx.msk [tilespmem:v9+s2+$0x0], $0xffff;
	v29 =	vadd.f32 v6, v2;
	[tilespmem:s19+$0x1E8A0] =	vst v3  }
0x184: {  	v12 =	vld.idx.msk [tilespmem:v12+s2+$0x0], $0xffff;
	v3 =	vadd.f32 v5, v2;
	[tilespmem:s19+$0x1E8B0] =	vst v4  }
0x185: {  	v11 =	vld.idx.msk [tilespmem:v11+s2+$0x0], $0xffff;
	v32 =	vadd.f32 v8, v2;
	[tilespmem:s19+$0x1E8D0] =	vst v29  }
0x186: {  	v14 =	vld.idx.msk [tilespmem:v14+s2+$0x0], $0xffff;
	[tilespmem:s19+$0x1E8C0] =	vst v3;
	v3 =	vadd.f32 v7, v2  }
0x187: {  	v13 =	vld.idx.msk [tilespmem:v13+s2+$0x0], $0xffff;
	v35 =	vadd.f32 v10, v2;
	[tilespmem:s19+$0x1E8F0] =	vst v32  }
0x188: {  	v16 =	vld.idx.msk [tilespmem:v16+s2+$0x0], $0xffff;
	[tilespmem:s19+$0x1E8E0] =	vst v3;
	v3 =	vadd.f32 v9, v2  }
0x189: {  	v15 =	vld.idx.msk [tilespmem:v15+s2+$0x0], $0xffff;
	v38 =	vadd.f32 v12, v2;
	[tilespmem:s19+$0x1E910] =	vst v35  }
0x18a: {  	v18 =	vld.idx.msk [tilespmem:v18+s2+$0x0], $0xffff;
	[tilespmem:s19+$0x1E900] =	vst v3;
	v3 =	vadd.f32 v11, v2  }
0x18b: {  	v17 =	vld.idx.msk [tilespmem:v17+s2+$0x0], $0xffff;
	v40 =	vadd.f32 v14, v2;
	[tilespmem:s19+$0x1E930] =	vst v38  }
0x18c: {  	v31 =	vld.idx.msk [tilespmem:v20+s2+$0x0], $0xffff;
	[tilespmem:s19+$0x1E920] =	vst v3;
	v3 =	vadd.f32 v13, v2  }
0x18d: {  	v30 =	vld.idx.msk [tilespmem:v19+s2+$0x0], $0xffff;
	v43 =	vadd.f32 v16, v2;
	[tilespmem:s19+$0x1E950] =	vst v40  }
0x18e: {  	v34 =	vld.idx.msk [tilespmem:v22+s2+$0x0], $0xffff;
	[tilespmem:s19+$0x1E940] =	vst v3;
	v3 =	vadd.f32 v15, v2  }
0x18f: {  	v33 =	vld.idx.msk [tilespmem:v21+s2+$0x0], $0xffff;
	v46 =	vadd.f32 v18, v2;
	[tilespmem:s19+$0x1E970] =	vst v43  }
0x190: {  	v37 =	vld.idx.msk [tilespmem:v24+s2+$0x0], $0xffff;
	[tilespmem:s19+$0x1E960] =	vst v3;
	v3 =	vadd.f32 v17, v2  }
0x191: {  	v36 =	vld.idx.msk [tilespmem:v23+s2+$0x0], $0xffff;
	v49 =	vadd.f32 v31, v2;
	[tilespmem:s19+$0x1E990] =	vst v46  }
0x192: {  	v54 =	vld.idx.msk [tilespmem:v42+s2+$0x0], $0xffff;
	[tilespmem:s19+$0x1E980] =	vst v3;
	v3 =	vadd.f32 v30, v2  }
0x193: {  	v39 =	vld.idx.msk [tilespmem:v25+s2+$0x0], $0xffff;
	v52 =	vadd.f32 v34, v2;
	[tilespmem:s19+$0x1E9B0] =	vst v49  }
0x194: {  	v57 =	vld.idx.msk [tilespmem:v45+s2+$0x0], $0xffff;
	[tilespmem:s19+$0x1E9A0] =	vst v3;
	v3 =	vadd.f32 v33, v2  }
0x195: {  	v53 =	vld.idx.msk [tilespmem:v41+s2+$0x0], $0xffff;
	v55 =	vadd.f32 v37, v2;
	[tilespmem:s19+$0x1E9D0] =	vst v52  }
0x196: {  	v6 =	vld.idx.msk [tilespmem:v48+s2+$0x0], $0xffff;
	[tilespmem:s19+$0x1E9C0] =	vst v3;
	v3 =	vadd.f32 v36, v2  }
0x197: {  	v56 =	vld.idx.msk [tilespmem:v44+s2+$0x0], $0xffff;
	v60 =	vadd.f32 v54, v2;
	[tilespmem:s19+$0x1E9F0] =	vst v55  }
0x198: {  	v8 =	vld.idx.msk [tilespmem:v51+s2+$0x0], $0xffff;
	[tilespmem:s19+$0x1E9E0] =	vst v3;
	v3 =	vadd.f32 v39, v2  }
0x199: {  	v59 =	vld.idx.msk [tilespmem:v47+s2+$0x0], $0xffff;
	v61 =	vadd.f32 v57, v2;
	[tilespmem:s19+$0x1EA30] =	vst v60  }
0x19a: {  	v5 =	vld.idx.msk [tilespmem:v28+s2+$0x0], $0xffff;
	[tilespmem:s19+$0x1EA00] =	vst v3;
	v3 =	vadd.f32 v53, v2  }
0x19b: {  	[tilespmem:s19+$0x1EA50] =	vst v61;
	v7 =	vld.idx.msk [tilespmem:v50+s2+$0x0], $0xffff;
	v62 =	vadd.f32 v6, v2  }
0x19c: {  	[tilespmem:s19+$0x1EA20] =	vst v3;
	v3 =	vadd.f32 v56, v2  }
0x19d: {  	p2 =	por p0, p0;
	v63 =	vadd.f32 v8, v2;
	[tilespmem:s19+$0x1EA70] =	vst v62  }
.Ltmp4:
0x19e: {  	[tilespmem:s19+$0x1EA40] =	vst v3;
	v3 =	vadd.f32 v59, v2;
	(pc) =	sbr.rel @p2 .LBB2_11-.Ltmp4, $4  }
0x19f: {  	v58 =	vadd.f32 v5, v2;
	[tilespmem:s19+$0x1EA90] =	vst v63  }
0x1a0: {  	[tilespmem:s19+$0x1EA60] =	vst v3;
	v3 =	vadd.f32 v7, v2  }
0x1a1: {  	[tilespmem:s19+$0x1EA10] =	vst v58  }
0x1a2: {  	p0 =	por $0x0, $0x0;
	[tilespmem:s19+$0x1EA80] =	vst v3;
	s19 =	simm.s32 $0x200  }
0x1a3: {  	v2 =	vadd.s32 $0x5, v1  }
0x1a4: {  	v2 =	vbroadcast v2, $0x0;
	_ =	sdelay $0x5  }
0x1a5: {  	s19 =	simm.s32 $0x0;
	p0 =	por $0x1, $0x1;
	v2 =	vld.idx.msk [tilespmem:v2+s16+$0x0], $0xffff  }
.LBB2_13:
0x1a6: {  	v3 =	vld [tilespmem:s19+$0x1CCA0]  }
0x1a7: {  	v4 =	vld [tilespmem:s19+$0x1CCB0]  }
0x1a8: {  	v5 =	vld [tilespmem:s19+$0x1CCC0]  }
0x1a9: {  	v6 =	vld [tilespmem:s19+$0x1CCD0]  }
0x1aa: {  	v7 =	vld [tilespmem:s19+$0x1CCE0]  }
0x1ab: {  	v8 =	vld [tilespmem:s19+$0x1CCF0]  }
0x1ac: {  	v9 =	vld [tilespmem:s19+$0x1CD00]  }
0x1ad: {  	v10 =	vld [tilespmem:s19+$0x1CD10]  }
0x1ae: {  	v11 =	vld [tilespmem:s19+$0x1CD20]  }
0x1af: {  	v12 =	vld [tilespmem:s19+$0x1CD30]  }
0x1b0: {  	v13 =	vld [tilespmem:s19+$0x1CD40]  }
0x1b1: {  	v14 =	vld [tilespmem:s19+$0x1CD50]  }
0x1b2: {  	v15 =	vld [tilespmem:s19+$0x1CD60]  }
0x1b3: {  	v16 =	vld [tilespmem:s19+$0x1CD70]  }
0x1b4: {  	v17 =	vld [tilespmem:s19+$0x1CD80]  }
0x1b5: {  	v18 =	vld [tilespmem:s19+$0x1CD90]  }
0x1b6: {  	v19 =	vld [tilespmem:s19+$0x1CDA0]  }
0x1b7: {  	v20 =	vld [tilespmem:s19+$0x1CDB0]  }
0x1b8: {  	v21 =	vld [tilespmem:s19+$0x1CDC0]  }
0x1b9: {  	v22 =	vld [tilespmem:s19+$0x1CDD0]  }
0x1ba: {  	v23 =	vld [tilespmem:s19+$0x1CDE0]  }
0x1bb: {  	v24 =	vld [tilespmem:s19+$0x1CDF0]  }
0x1bc: {  	v25 =	vld [tilespmem:s19+$0x1CE00]  }
0x1bd: {  	v28 =	vld [tilespmem:s19+$0x1CE10]  }
0x1be: {  	v41 =	vld [tilespmem:s19+$0x1CE20]  }
0x1bf: {  	v42 =	vld [tilespmem:s19+$0x1CE30]  }
0x1c0: {  	v44 =	vld [tilespmem:s19+$0x1CE40]  }
0x1c1: {  	v45 =	vld [tilespmem:s19+$0x1CE50]  }
0x1c2: {  	v47 =	vld [tilespmem:s19+$0x1CE60]  }
0x1c3: {  	v48 =	vld [tilespmem:s19+$0x1CE70]  }
0x1c4: {  	v50 =	vld [tilespmem:s19+$0x1CE80]  }
0x1c5: {  	v51 =	vld [tilespmem:s19+$0x1CE90]  }
0x1c6: {  	v3 =	vld.idx.msk [tilespmem:v3+s2+$0x0], $0xffff  }
0x1c7: {  	v4 =	vld.idx.msk [tilespmem:v4+s2+$0x0], $0xffff  }
0x1c8: {  	v6 =	vld.idx.msk [tilespmem:v6+s2+$0x0], $0xffff  }
0x1c9: {  	v5 =	vld.idx.msk [tilespmem:v5+s2+$0x0], $0xffff  }
0x1ca: {  	v8 =	vld.idx.msk [tilespmem:v8+s2+$0x0], $0xffff  }
0x1cb: {  	v7 =	vld.idx.msk [tilespmem:v7+s2+$0x0], $0xffff;
	v3 =	vadd.f32 v3, v2  }
0x1cc: {  	v10 =	vld.idx.msk [tilespmem:v10+s2+$0x0], $0xffff;
	v4 =	vadd.f32 v4, v2  }
0x1cd: {  	v9 =	vld.idx.msk [tilespmem:v9+s2+$0x0], $0xffff;
	v29 =	vadd.f32 v6, v2;
	[tilespmem:s19+$0x1ECA0] =	vst v3  }
0x1ce: {  	v12 =	vld.idx.msk [tilespmem:v12+s2+$0x0], $0xffff;
	v3 =	vadd.f32 v5, v2;
	[tilespmem:s19+$0x1ECB0] =	vst v4  }
0x1cf: {  	v11 =	vld.idx.msk [tilespmem:v11+s2+$0x0], $0xffff;
	v32 =	vadd.f32 v8, v2;
	[tilespmem:s19+$0x1ECD0] =	vst v29  }
0x1d0: {  	v14 =	vld.idx.msk [tilespmem:v14+s2+$0x0], $0xffff;
	[tilespmem:s19+$0x1ECC0] =	vst v3;
	v3 =	vadd.f32 v7, v2  }
0x1d1: {  	v13 =	vld.idx.msk [tilespmem:v13+s2+$0x0], $0xffff;
	v35 =	vadd.f32 v10, v2;
	[tilespmem:s19+$0x1ECF0] =	vst v32  }
0x1d2: {  	v16 =	vld.idx.msk [tilespmem:v16+s2+$0x0], $0xffff;
	[tilespmem:s19+$0x1ECE0] =	vst v3;
	v3 =	vadd.f32 v9, v2  }
0x1d3: {  	v15 =	vld.idx.msk [tilespmem:v15+s2+$0x0], $0xffff;
	v38 =	vadd.f32 v12, v2;
	[tilespmem:s19+$0x1ED10] =	vst v35  }
0x1d4: {  	v18 =	vld.idx.msk [tilespmem:v18+s2+$0x0], $0xffff;
	[tilespmem:s19+$0x1ED00] =	vst v3;
	v3 =	vadd.f32 v11, v2  }
0x1d5: {  	v17 =	vld.idx.msk [tilespmem:v17+s2+$0x0], $0xffff;
	v40 =	vadd.f32 v14, v2;
	[tilespmem:s19+$0x1ED30] =	vst v38  }
0x1d6: {  	v31 =	vld.idx.msk [tilespmem:v20+s2+$0x0], $0xffff;
	[tilespmem:s19+$0x1ED20] =	vst v3;
	v3 =	vadd.f32 v13, v2  }
0x1d7: {  	v30 =	vld.idx.msk [tilespmem:v19+s2+$0x0], $0xffff;
	v43 =	vadd.f32 v16, v2;
	[tilespmem:s19+$0x1ED50] =	vst v40  }
0x1d8: {  	v34 =	vld.idx.msk [tilespmem:v22+s2+$0x0], $0xffff;
	[tilespmem:s19+$0x1ED40] =	vst v3;
	v3 =	vadd.f32 v15, v2  }
0x1d9: {  	v33 =	vld.idx.msk [tilespmem:v21+s2+$0x0], $0xffff;
	v46 =	vadd.f32 v18, v2;
	[tilespmem:s19+$0x1ED70] =	vst v43  }
0x1da: {  	v37 =	vld.idx.msk [tilespmem:v24+s2+$0x0], $0xffff;
	[tilespmem:s19+$0x1ED60] =	vst v3;
	v3 =	vadd.f32 v17, v2  }
0x1db: {  	v36 =	vld.idx.msk [tilespmem:v23+s2+$0x0], $0xffff;
	v49 =	vadd.f32 v31, v2;
	[tilespmem:s19+$0x1ED90] =	vst v46  }
0x1dc: {  	v54 =	vld.idx.msk [tilespmem:v42+s2+$0x0], $0xffff;
	[tilespmem:s19+$0x1ED80] =	vst v3;
	v3 =	vadd.f32 v30, v2  }
0x1dd: {  	v39 =	vld.idx.msk [tilespmem:v25+s2+$0x0], $0xffff;
	v52 =	vadd.f32 v34, v2;
	[tilespmem:s19+$0x1EDB0] =	vst v49  }
0x1de: {  	v57 =	vld.idx.msk [tilespmem:v45+s2+$0x0], $0xffff;
	[tilespmem:s19+$0x1EDA0] =	vst v3;
	v3 =	vadd.f32 v33, v2  }
0x1df: {  	v53 =	vld.idx.msk [tilespmem:v41+s2+$0x0], $0xffff;
	v55 =	vadd.f32 v37, v2;
	[tilespmem:s19+$0x1EDD0] =	vst v52  }
0x1e0: {  	v6 =	vld.idx.msk [tilespmem:v48+s2+$0x0], $0xffff;
	[tilespmem:s19+$0x1EDC0] =	vst v3;
	v3 =	vadd.f32 v36, v2  }
0x1e1: {  	v56 =	vld.idx.msk [tilespmem:v44+s2+$0x0], $0xffff;
	v60 =	vadd.f32 v54, v2;
	[tilespmem:s19+$0x1EDF0] =	vst v55  }
0x1e2: {  	v8 =	vld.idx.msk [tilespmem:v51+s2+$0x0], $0xffff;
	[tilespmem:s19+$0x1EDE0] =	vst v3;
	v3 =	vadd.f32 v39, v2  }
0x1e3: {  	v59 =	vld.idx.msk [tilespmem:v47+s2+$0x0], $0xffff;
	v61 =	vadd.f32 v57, v2;
	[tilespmem:s19+$0x1EE30] =	vst v60  }
0x1e4: {  	v5 =	vld.idx.msk [tilespmem:v28+s2+$0x0], $0xffff;
	[tilespmem:s19+$0x1EE00] =	vst v3;
	v3 =	vadd.f32 v53, v2  }
0x1e5: {  	[tilespmem:s19+$0x1EE50] =	vst v61;
	v7 =	vld.idx.msk [tilespmem:v50+s2+$0x0], $0xffff;
	v62 =	vadd.f32 v6, v2  }
0x1e6: {  	[tilespmem:s19+$0x1EE20] =	vst v3;
	v3 =	vadd.f32 v56, v2  }
0x1e7: {  	p2 =	por p0, p0;
	v63 =	vadd.f32 v8, v2;
	[tilespmem:s19+$0x1EE70] =	vst v62  }
.Ltmp5:
0x1e8: {  	[tilespmem:s19+$0x1EE40] =	vst v3;
	v3 =	vadd.f32 v59, v2;
	(pc) =	sbr.rel @p2 .LBB2_13-.Ltmp5, $4  }
0x1e9: {  	v58 =	vadd.f32 v5, v2;
	[tilespmem:s19+$0x1EE90] =	vst v63  }
0x1ea: {  	[tilespmem:s19+$0x1EE60] =	vst v3;
	v3 =	vadd.f32 v7, v2  }
0x1eb: {  	[tilespmem:s19+$0x1EE10] =	vst v58  }
0x1ec: {  	p0 =	por $0x0, $0x0;
	[tilespmem:s19+$0x1EE80] =	vst v3;
	s19 =	simm.s32 $0x200  }
0x1ed: {  	v2 =	vadd.s32 $0x6, v1  }
0x1ee: {  	v2 =	vbroadcast v2, $0x0;
	_ =	sdelay $0x5  }
0x1ef: {  	s19 =	simm.s32 $0x0;
	p0 =	por $0x1, $0x1;
	v2 =	vld.idx.msk [tilespmem:v2+s16+$0x0], $0xffff  }
.LBB2_15:
0x1f0: {  	v3 =	vld [tilespmem:s19+$0x1D0A0]  }
0x1f1: {  	v4 =	vld [tilespmem:s19+$0x1D0B0]  }
0x1f2: {  	v5 =	vld [tilespmem:s19+$0x1D0C0]  }
0x1f3: {  	v6 =	vld [tilespmem:s19+$0x1D0D0]  }
0x1f4: {  	v7 =	vld [tilespmem:s19+$0x1D0E0]  }
0x1f5: {  	v8 =	vld [tilespmem:s19+$0x1D0F0]  }
0x1f6: {  	v9 =	vld [tilespmem:s19+$0x1D100]  }
0x1f7: {  	v10 =	vld [tilespmem:s19+$0x1D110]  }
0x1f8: {  	v11 =	vld [tilespmem:s19+$0x1D120]  }
0x1f9: {  	v12 =	vld [tilespmem:s19+$0x1D130]  }
0x1fa: {  	v13 =	vld [tilespmem:s19+$0x1D140]  }
0x1fb: {  	v14 =	vld [tilespmem:s19+$0x1D150]  }
0x1fc: {  	v15 =	vld [tilespmem:s19+$0x1D160]  }
0x1fd: {  	v16 =	vld [tilespmem:s19+$0x1D170]  }
0x1fe: {  	v17 =	vld [tilespmem:s19+$0x1D180]  }
0x1ff: {  	v18 =	vld [tilespmem:s19+$0x1D190]  }
0x200: {  	v19 =	vld [tilespmem:s19+$0x1D1A0]  }
0x201: {  	v20 =	vld [tilespmem:s19+$0x1D1B0]  }
0x202: {  	v21 =	vld [tilespmem:s19+$0x1D1C0]  }
0x203: {  	v22 =	vld [tilespmem:s19+$0x1D1D0]  }
0x204: {  	v23 =	vld [tilespmem:s19+$0x1D1E0]  }
0x205: {  	v24 =	vld [tilespmem:s19+$0x1D1F0]  }
0x206: {  	v25 =	vld [tilespmem:s19+$0x1D200]  }
0x207: {  	v28 =	vld [tilespmem:s19+$0x1D210]  }
0x208: {  	v41 =	vld [tilespmem:s19+$0x1D220]  }
0x209: {  	v42 =	vld [tilespmem:s19+$0x1D230]  }
0x20a: {  	v44 =	vld [tilespmem:s19+$0x1D240]  }
0x20b: {  	v45 =	vld [tilespmem:s19+$0x1D250]  }
0x20c: {  	v47 =	vld [tilespmem:s19+$0x1D260]  }
0x20d: {  	v48 =	vld [tilespmem:s19+$0x1D270]  }
0x20e: {  	v50 =	vld [tilespmem:s19+$0x1D280]  }
0x20f: {  	v51 =	vld [tilespmem:s19+$0x1D290]  }
0x210: {  	v3 =	vld.idx.msk [tilespmem:v3+s2+$0x0], $0xffff  }
0x211: {  	v4 =	vld.idx.msk [tilespmem:v4+s2+$0x0], $0xffff  }
0x212: {  	v6 =	vld.idx.msk [tilespmem:v6+s2+$0x0], $0xffff  }
0x213: {  	v5 =	vld.idx.msk [tilespmem:v5+s2+$0x0], $0xffff  }
0x214: {  	v8 =	vld.idx.msk [tilespmem:v8+s2+$0x0], $0xffff  }
0x215: {  	v7 =	vld.idx.msk [tilespmem:v7+s2+$0x0], $0xffff;
	v3 =	vadd.f32 v3, v2  }
0x216: {  	v10 =	vld.idx.msk [tilespmem:v10+s2+$0x0], $0xffff;
	v4 =	vadd.f32 v4, v2  }
0x217: {  	v9 =	vld.idx.msk [tilespmem:v9+s2+$0x0], $0xffff;
	v29 =	vadd.f32 v6, v2;
	[tilespmem:s19+$0x1F0A0] =	vst v3  }
0x218: {  	v12 =	vld.idx.msk [tilespmem:v12+s2+$0x0], $0xffff;
	v3 =	vadd.f32 v5, v2;
	[tilespmem:s19+$0x1F0B0] =	vst v4  }
0x219: {  	v11 =	vld.idx.msk [tilespmem:v11+s2+$0x0], $0xffff;
	v32 =	vadd.f32 v8, v2;
	[tilespmem:s19+$0x1F0D0] =	vst v29  }
0x21a: {  	v14 =	vld.idx.msk [tilespmem:v14+s2+$0x0], $0xffff;
	[tilespmem:s19+$0x1F0C0] =	vst v3;
	v3 =	vadd.f32 v7, v2  }
0x21b: {  	v13 =	vld.idx.msk [tilespmem:v13+s2+$0x0], $0xffff;
	v35 =	vadd.f32 v10, v2;
	[tilespmem:s19+$0x1F0F0] =	vst v32  }
0x21c: {  	v16 =	vld.idx.msk [tilespmem:v16+s2+$0x0], $0xffff;
	[tilespmem:s19+$0x1F0E0] =	vst v3;
	v3 =	vadd.f32 v9, v2  }
0x21d: {  	v15 =	vld.idx.msk [tilespmem:v15+s2+$0x0], $0xffff;
	v38 =	vadd.f32 v12, v2;
	[tilespmem:s19+$0x1F110] =	vst v35  }
0x21e: {  	v18 =	vld.idx.msk [tilespmem:v18+s2+$0x0], $0xffff;
	[tilespmem:s19+$0x1F100] =	vst v3;
	v3 =	vadd.f32 v11, v2  }
0x21f: {  	v17 =	vld.idx.msk [tilespmem:v17+s2+$0x0], $0xffff;
	v40 =	vadd.f32 v14, v2;
	[tilespmem:s19+$0x1F130] =	vst v38  }
0x220: {  	v31 =	vld.idx.msk [tilespmem:v20+s2+$0x0], $0xffff;
	[tilespmem:s19+$0x1F120] =	vst v3;
	v3 =	vadd.f32 v13, v2  }
0x221: {  	v30 =	vld.idx.msk [tilespmem:v19+s2+$0x0], $0xffff;
	v43 =	vadd.f32 v16, v2;
	[tilespmem:s19+$0x1F150] =	vst v40  }
0x222: {  	v34 =	vld.idx.msk [tilespmem:v22+s2+$0x0], $0xffff;
	[tilespmem:s19+$0x1F140] =	vst v3;
	v3 =	vadd.f32 v15, v2  }
0x223: {  	v33 =	vld.idx.msk [tilespmem:v21+s2+$0x0], $0xffff;
	v46 =	vadd.f32 v18, v2;
	[tilespmem:s19+$0x1F170] =	vst v43  }
0x224: {  	v37 =	vld.idx.msk [tilespmem:v24+s2+$0x0], $0xffff;
	[tilespmem:s19+$0x1F160] =	vst v3;
	v3 =	vadd.f32 v17, v2  }
0x225: {  	v36 =	vld.idx.msk [tilespmem:v23+s2+$0x0], $0xffff;
	v49 =	vadd.f32 v31, v2;
	[tilespmem:s19+$0x1F190] =	vst v46  }
0x226: {  	v54 =	vld.idx.msk [tilespmem:v42+s2+$0x0], $0xffff;
	[tilespmem:s19+$0x1F180] =	vst v3;
	v3 =	vadd.f32 v30, v2  }
0x227: {  	v39 =	vld.idx.msk [tilespmem:v25+s2+$0x0], $0xffff;
	v52 =	vadd.f32 v34, v2;
	[tilespmem:s19+$0x1F1B0] =	vst v49  }
0x228: {  	v57 =	vld.idx.msk [tilespmem:v45+s2+$0x0], $0xffff;
	[tilespmem:s19+$0x1F1A0] =	vst v3;
	v3 =	vadd.f32 v33, v2  }
0x229: {  	v53 =	vld.idx.msk [tilespmem:v41+s2+$0x0], $0xffff;
	v55 =	vadd.f32 v37, v2;
	[tilespmem:s19+$0x1F1D0] =	vst v52  }
0x22a: {  	v6 =	vld.idx.msk [tilespmem:v48+s2+$0x0], $0xffff;
	[tilespmem:s19+$0x1F1C0] =	vst v3;
	v3 =	vadd.f32 v36, v2  }
0x22b: {  	v56 =	vld.idx.msk [tilespmem:v44+s2+$0x0], $0xffff;
	v60 =	vadd.f32 v54, v2;
	[tilespmem:s19+$0x1F1F0] =	vst v55  }
0x22c: {  	v8 =	vld.idx.msk [tilespmem:v51+s2+$0x0], $0xffff;
	[tilespmem:s19+$0x1F1E0] =	vst v3;
	v3 =	vadd.f32 v39, v2  }
0x22d: {  	v59 =	vld.idx.msk [tilespmem:v47+s2+$0x0], $0xffff;
	v61 =	vadd.f32 v57, v2;
	[tilespmem:s19+$0x1F230] =	vst v60  }
0x22e: {  	v5 =	vld.idx.msk [tilespmem:v28+s2+$0x0], $0xffff;
	[tilespmem:s19+$0x1F200] =	vst v3;
	v3 =	vadd.f32 v53, v2  }
0x22f: {  	[tilespmem:s19+$0x1F250] =	vst v61;
	v7 =	vld.idx.msk [tilespmem:v50+s2+$0x0], $0xffff;
	v62 =	vadd.f32 v6, v2  }
0x230: {  	[tilespmem:s19+$0x1F220] =	vst v3;
	v3 =	vadd.f32 v56, v2  }
0x231: {  	p2 =	por p0, p0;
	v63 =	vadd.f32 v8, v2;
	[tilespmem:s19+$0x1F270] =	vst v62  }
.Ltmp6:
0x232: {  	[tilespmem:s19+$0x1F240] =	vst v3;
	v3 =	vadd.f32 v59, v2;
	(pc) =	sbr.rel @p2 .LBB2_15-.Ltmp6, $4  }
0x233: {  	v58 =	vadd.f32 v5, v2;
	[tilespmem:s19+$0x1F290] =	vst v63  }
0x234: {  	[tilespmem:s19+$0x1F260] =	vst v3;
	v3 =	vadd.f32 v7, v2  }
0x235: {  	[tilespmem:s19+$0x1F210] =	vst v58  }
0x236: {  	p0 =	por $0x0, $0x0;
	[tilespmem:s19+$0x1F280] =	vst v3;
	s19 =	simm.s32 $0x200  }
0x237: {  	v1 =	vadd.s32 $0x7, v1  }
0x238: {  	v1 =	vbroadcast v1, $0x0;
	_ =	sdelay $0x5  }
0x239: {  	s19 =	simm.s32 $0x0;
	p0 =	por $0x1, $0x1;
	v1 =	vld.idx.msk [tilespmem:v1+s16+$0x0], $0xffff  }
.LBB2_17:
0x23a: {  	v2 =	vld [tilespmem:s19+$0x1D4A0]  }
0x23b: {  	v3 =	vld [tilespmem:s19+$0x1D4B0]  }
0x23c: {  	v4 =	vld [tilespmem:s19+$0x1D4C0]  }
0x23d: {  	v5 =	vld [tilespmem:s19+$0x1D4D0]  }
0x23e: {  	v6 =	vld [tilespmem:s19+$0x1D4E0]  }
0x23f: {  	v7 =	vld [tilespmem:s19+$0x1D4F0]  }
0x240: {  	v8 =	vld [tilespmem:s19+$0x1D500]  }
0x241: {  	v9 =	vld [tilespmem:s19+$0x1D510]  }
0x242: {  	v10 =	vld [tilespmem:s19+$0x1D520]  }
0x243: {  	v11 =	vld [tilespmem:s19+$0x1D530]  }
0x244: {  	v12 =	vld [tilespmem:s19+$0x1D540]  }
0x245: {  	v13 =	vld [tilespmem:s19+$0x1D550]  }
0x246: {  	v14 =	vld [tilespmem:s19+$0x1D560]  }
0x247: {  	v15 =	vld [tilespmem:s19+$0x1D570]  }
0x248: {  	v16 =	vld [tilespmem:s19+$0x1D580]  }
0x249: {  	v17 =	vld [tilespmem:s19+$0x1D590]  }
0x24a: {  	v18 =	vld [tilespmem:s19+$0x1D5A0]  }
0x24b: {  	v19 =	vld [tilespmem:s19+$0x1D5B0]  }
0x24c: {  	v20 =	vld [tilespmem:s19+$0x1D5C0]  }
0x24d: {  	v21 =	vld [tilespmem:s19+$0x1D5D0]  }
0x24e: {  	v22 =	vld [tilespmem:s19+$0x1D5E0]  }
0x24f: {  	v23 =	vld [tilespmem:s19+$0x1D5F0]  }
0x250: {  	v24 =	vld [tilespmem:s19+$0x1D600]  }
0x251: {  	v43 =	vld [tilespmem:s19+$0x1D610]  }
0x252: {  	v51 =	vld [tilespmem:s19+$0x1D620]  }
0x253: {  	v52 =	vld [tilespmem:s19+$0x1D630]  }
0x254: {  	v53 =	vld [tilespmem:s19+$0x1D640]  }
0x255: {  	v54 =	vld [tilespmem:s19+$0x1D650]  }
0x256: {  	v55 =	vld [tilespmem:s19+$0x1D660]  }
0x257: {  	v56 =	vld [tilespmem:s19+$0x1D670]  }
0x258: {  	v57 =	vld [tilespmem:s19+$0x1D680]  }
0x259: {  	v58 =	vld [tilespmem:s19+$0x1D690]  }
0x25a: {  	v2 =	vld.idx.msk [tilespmem:v2+s2+$0x0], $0xffff  }
0x25b: {  	v3 =	vld.idx.msk [tilespmem:v3+s2+$0x0], $0xffff  }
0x25c: {  	v4 =	vld.idx.msk [tilespmem:v4+s2+$0x0], $0xffff  }
0x25d: {  	v5 =	vld.idx.msk [tilespmem:v5+s2+$0x0], $0xffff  }
0x25e: {  	v6 =	vld.idx.msk [tilespmem:v6+s2+$0x0], $0xffff  }
0x25f: {  	v7 =	vld.idx.msk [tilespmem:v7+s2+$0x0], $0xffff;
	v2 =	vadd.f32 v2, v1  }
0x260: {  	v8 =	vld.idx.msk [tilespmem:v8+s2+$0x0], $0xffff;
	v3 =	vadd.f32 v3, v1  }
0x261: {  	v9 =	vld.idx.msk [tilespmem:v9+s2+$0x0], $0xffff;
	[tilespmem:s19+$0x1F4A0] =	vst v2;
	v2 =	vadd.f32 v4, v1  }
0x262: {  	v10 =	vld.idx.msk [tilespmem:v10+s2+$0x0], $0xffff;
	[tilespmem:s19+$0x1F4B0] =	vst v3;
	v3 =	vadd.f32 v5, v1  }
0x263: {  	v11 =	vld.idx.msk [tilespmem:v11+s2+$0x0], $0xffff;
	[tilespmem:s19+$0x1F4C0] =	vst v2;
	v2 =	vadd.f32 v6, v1  }
0x264: {  	v12 =	vld.idx.msk [tilespmem:v12+s2+$0x0], $0xffff;
	[tilespmem:s19+$0x1F4D0] =	vst v3;
	v3 =	vadd.f32 v7, v1  }
0x265: {  	v13 =	vld.idx.msk [tilespmem:v13+s2+$0x0], $0xffff;
	[tilespmem:s19+$0x1F4E0] =	vst v2;
	v2 =	vadd.f32 v8, v1  }
0x266: {  	v14 =	vld.idx.msk [tilespmem:v14+s2+$0x0], $0xffff;
	[tilespmem:s19+$0x1F4F0] =	vst v3;
	v3 =	vadd.f32 v9, v1  }
0x267: {  	v15 =	vld.idx.msk [tilespmem:v15+s2+$0x0], $0xffff;
	[tilespmem:s19+$0x1F500] =	vst v2;
	v2 =	vadd.f32 v10, v1  }
0x268: {  	v16 =	vld.idx.msk [tilespmem:v16+s2+$0x0], $0xffff;
	[tilespmem:s19+$0x1F510] =	vst v3;
	v3 =	vadd.f32 v11, v1  }
0x269: {  	v17 =	vld.idx.msk [tilespmem:v17+s2+$0x0], $0xffff;
	[tilespmem:s19+$0x1F520] =	vst v2;
	v2 =	vadd.f32 v12, v1  }
0x26a: {  	v44 =	vld.idx.msk [tilespmem:v18+s2+$0x0], $0xffff;
	[tilespmem:s19+$0x1F530] =	vst v3;
	v3 =	vadd.f32 v13, v1  }
0x26b: {  	v45 =	vld.idx.msk [tilespmem:v19+s2+$0x0], $0xffff;
	[tilespmem:s19+$0x1F540] =	vst v2;
	v2 =	vadd.f32 v14, v1  }
0x26c: {  	v46 =	vld.idx.msk [tilespmem:v20+s2+$0x0], $0xffff;
	[tilespmem:s19+$0x1F550] =	vst v3;
	v3 =	vadd.f32 v15, v1  }
0x26d: {  	v47 =	vld.idx.msk [tilespmem:v21+s2+$0x0], $0xffff;
	[tilespmem:s19+$0x1F560] =	vst v2;
	v2 =	vadd.f32 v16, v1  }
0x26e: {  	v48 =	vld.idx.msk [tilespmem:v22+s2+$0x0], $0xffff;
	[tilespmem:s19+$0x1F570] =	vst v3;
	v3 =	vadd.f32 v17, v1  }
0x26f: {  	v49 =	vld.idx.msk [tilespmem:v23+s2+$0x0], $0xffff;
	[tilespmem:s19+$0x1F580] =	vst v2;
	v2 =	vadd.f32 v44, v1  }
0x270: {  	v50 =	vld.idx.msk [tilespmem:v24+s2+$0x0], $0xffff;
	[tilespmem:s19+$0x1F590] =	vst v3;
	v3 =	vadd.f32 v45, v1  }
0x271: {  	v4 =	vld.idx.msk [tilespmem:v43+s2+$0x0], $0xffff;
	[tilespmem:s19+$0x1F5A0] =	vst v2;
	v2 =	vadd.f32 v46, v1  }
0x272: {  	v59 =	vld.idx.msk [tilespmem:v51+s2+$0x0], $0xffff;
	[tilespmem:s19+$0x1F5B0] =	vst v3;
	v3 =	vadd.f32 v47, v1  }
0x273: {  	v60 =	vld.idx.msk [tilespmem:v52+s2+$0x0], $0xffff;
	[tilespmem:s19+$0x1F5C0] =	vst v2;
	v2 =	vadd.f32 v48, v1  }
0x274: {  	v61 =	vld.idx.msk [tilespmem:v53+s2+$0x0], $0xffff;
	[tilespmem:s19+$0x1F5D0] =	vst v3;
	v3 =	vadd.f32 v49, v1  }
0x275: {  	v62 =	vld.idx.msk [tilespmem:v54+s2+$0x0], $0xffff;
	[tilespmem:s19+$0x1F5E0] =	vst v2;
	v2 =	vadd.f32 v50, v1  }
0x276: {  	v63 =	vld.idx.msk [tilespmem:v55+s2+$0x0], $0xffff;
	[tilespmem:s19+$0x1F5F0] =	vst v3;
	v3 =	vadd.f32 v4, v1  }
0x277: {  	v5 =	vld.idx.msk [tilespmem:v56+s2+$0x0], $0xffff;
	[tilespmem:s19+$0x1F600] =	vst v2;
	v2 =	vadd.f32 v59, v1  }
0x278: {  	v6 =	vld.idx.msk [tilespmem:v57+s2+$0x0], $0xffff;
	[tilespmem:s19+$0x1F610] =	vst v3;
	v3 =	vadd.f32 v60, v1  }
0x279: {  	v7 =	vld.idx.msk [tilespmem:v58+s2+$0x0], $0xffff;
	[tilespmem:s19+$0x1F620] =	vst v2;
	v2 =	vadd.f32 v61, v1  }
0x27a: {  	[tilespmem:s19+$0x1F630] =	vst v3;
	v3 =	vadd.f32 v62, v1  }
0x27b: {  	p2 =	por p0, p0;
	[tilespmem:s19+$0x1F640] =	vst v2;
	v2 =	vadd.f32 v63, v1  }
.Ltmp7:
0x27c: {  	[tilespmem:s19+$0x1F650] =	vst v3;
	v3 =	vadd.f32 v5, v1;
	(pc) =	sbr.rel @p2 .LBB2_17-.Ltmp7, $4  }
0x27d: {  	[tilespmem:s19+$0x1F660] =	vst v2;
	v2 =	vadd.f32 v6, v1  }
0x27e: {  	[tilespmem:s19+$0x1F670] =	vst v3;
	v3 =	vadd.f32 v7, v1  }
0x27f: {  	[tilespmem:s19+$0x1F680] =	vst v2  }
0x280: {  	p0 =	por $0x0, $0x0;
	[tilespmem:s19+$0x1F690] =	vst v3;
	s19 =	simm.s32 $0x200  }
0x281: {  	s0 =	sadd.s32 @!p1 s0, s11  }
0x282: {  	s4 =	simm.s32 @!p1 $0x0;
	s19 =	simm.s32 @!p1 $0x1C8A0;
	s31 =	sadd.s32 $0x1, s31  }
0x283: {  	[tilespmem:s19], [sflag:$0x3] =	stream.linear.gather @!p1 [hbm4b:s0+s4], $0x1000, $0x38;
	[tilespmem:$0x1F8A0] =	vst v63  }
0x284: {  	p0 =	sne.s32 s31, $0x19  }
.Ltmp8:
0x285: {  	s20 =	sshll.u32 s1, $0x10;
	(pc) =	sbr.rel @p0 .LBB2_2-.Ltmp8, $4  }
0x286: {  	s0 =	sor.u32 s10, s20  }
0x287: {  	s0 =	sshrl.u32 s0, $0x3  }
0x288: {  	s0 =	sadd.s32 s5, s0  }
0x289: {  	[hbm4b:s0+s22] =	stream.strided.scatter [tilespmem:s26], [sflag:$0x5], $0x1000, s23, s22, $0x38;
	[tilespmem:$0x1F8A0] =	vst v63  }
0x28a: {  	_ =	swait.ge [sflag:s28], $0x1000  }
0x28b: {  	[sflag:s28] =	ssyncset.done $0x0  }
0x28c: {  	[sflag:s28] =	ssyncadd.s32 $0xFFFFF000  }
0x28d: {  	_ =	swait.ge [sflag:s29], $0x1000  }
0x28e: {  	[sflag:s29] =	ssyncset.done $0x0  }
0x28f: {  	s31 =	simm.s32 $0x0;
	[sflag:s29] =	ssyncadd.s32 $0xFFFFF000  }
0x290: {  	[tilespmem:s31], [sflag:$0x1] =	stream.linear.gather [hbm4b:s12+s31], $0x186A0, $0x38;
	[tilespmem:$0x1F8A0] =	vst v63  }
0x291: {  	_ =	swait.ge [sflag:s18], $0x186A0  }
0x292: {  	[sflag:s18] =	ssyncset.done $0x0  }
0x293: {  	s0 =	simm.s32 $0x1B8A0;
	[sflag:s18] =	ssyncadd.s32 $0xFFFE7960  }
0x294: {  	[tilespmem:s0], [sflag:$0x2] =	stream.linear.gather [hbm4b:s3+s31], $0x1000, $0x38;
	[tilespmem:$0x1F8A0] =	vst v63  }
0x295: {  	s20 =	simm.s32 $0x1C8A0  }
0x296: {  	[tilespmem:s20], [sflag:$0x3] =	stream.linear.gather [hbm4b:s8+s31], $0x1000, $0x38;
	[tilespmem:$0x1F8A0] =	vst v63  }
.LBB2_20:
0x297: {  	s1 =	sshll.u32 s31, $0x3  }
0x298: {  	s0 =	sadd.s32 s13, s1  }
0x299: {  	v1 =	vmov s0  }
0x29a: {  	v1 =	vshrl.u32 v1, $0x3  }
0x29b: {  	v1 =	vshll.u32 v1, v0  }
0x29c: {  	_ =	swait.ge [sflag:s21], $0x1000;
	v2 =	vbroadcast v1, $0x0  }
0x29d: {  	p0 =	seq.s32 s31, $0x0;
	[sflag:s21] =	ssyncset.done $0x0  }
0x29e: {  	[sflag:s21] =	ssyncadd.s32 $0xFFFFF000;
	s0 =	simm.s32 @!p0 $0x4  }
0x29f: {  	_ =	swait.ge @!p0 [sflag:s0], $0x1000  }
0x2a0: {  	[sflag:s0] =	ssyncset.done @!p0 $0x0  }
0x2a1: {  	[sflag:s0] =	ssyncadd.s32 @!p0 $0xFFFFF000  }
0x2a2: {  	p1 =	por $0x1, $0x1;
	s19 =	simm.s32 $0x0;
	s0 =	sshll.u32 s31, $0xA;
	v2 =	vld.idx.msk [tilespmem:v2+s16+$0x0], $0xffff  }
.LBB2_21:
0x2a3: {  	v3 =	vld [tilespmem:s19+$0x1B8A0]  }
0x2a4: {  	v4 =	vld [tilespmem:s19+$0x1B8B0]  }
0x2a5: {  	v5 =	vld [tilespmem:s19+$0x1B8C0]  }
0x2a6: {  	v6 =	vld [tilespmem:s19+$0x1B8D0]  }
0x2a7: {  	v7 =	vld [tilespmem:s19+$0x1B8E0]  }
0x2a8: {  	v8 =	vld [tilespmem:s19+$0x1B8F0]  }
0x2a9: {  	v9 =	vld [tilespmem:s19+$0x1B900]  }
0x2aa: {  	v10 =	vld [tilespmem:s19+$0x1B910]  }
0x2ab: {  	v11 =	vld [tilespmem:s19+$0x1B920]  }
0x2ac: {  	v12 =	vld [tilespmem:s19+$0x1B930]  }
0x2ad: {  	v13 =	vld [tilespmem:s19+$0x1B940]  }
0x2ae: {  	v14 =	vld [tilespmem:s19+$0x1B950]  }
0x2af: {  	v15 =	vld [tilespmem:s19+$0x1B960]  }
0x2b0: {  	v16 =	vld [tilespmem:s19+$0x1B970]  }
0x2b1: {  	v17 =	vld [tilespmem:s19+$0x1B980]  }
0x2b2: {  	v18 =	vld [tilespmem:s19+$0x1B990]  }
0x2b3: {  	v19 =	vld [tilespmem:s19+$0x1B9A0]  }
0x2b4: {  	v20 =	vld [tilespmem:s19+$0x1B9B0]  }
0x2b5: {  	v21 =	vld [tilespmem:s19+$0x1B9C0]  }
0x2b6: {  	v22 =	vld [tilespmem:s19+$0x1B9D0]  }
0x2b7: {  	v23 =	vld [tilespmem:s19+$0x1B9E0]  }
0x2b8: {  	v24 =	vld [tilespmem:s19+$0x1B9F0]  }
0x2b9: {  	v25 =	vld [tilespmem:s19+$0x1BA00]  }
0x2ba: {  	v28 =	vld [tilespmem:s19+$0x1BA10]  }
0x2bb: {  	v41 =	vld [tilespmem:s19+$0x1BA20]  }
0x2bc: {  	v42 =	vld [tilespmem:s19+$0x1BA30]  }
0x2bd: {  	v44 =	vld [tilespmem:s19+$0x1BA40]  }
0x2be: {  	v45 =	vld [tilespmem:s19+$0x1BA50]  }
0x2bf: {  	v47 =	vld [tilespmem:s19+$0x1BA60]  }
0x2c0: {  	v48 =	vld [tilespmem:s19+$0x1BA70]  }
0x2c1: {  	v50 =	vld [tilespmem:s19+$0x1BA80]  }
0x2c2: {  	v51 =	vld [tilespmem:s19+$0x1BA90]  }
0x2c3: {  	v3 =	vld.idx.msk [tilespmem:v3+s2+$0x0], $0xffff  }
0x2c4: {  	v4 =	vld.idx.msk [tilespmem:v4+s2+$0x0], $0xffff  }
0x2c5: {  	v6 =	vld.idx.msk [tilespmem:v6+s2+$0x0], $0xffff  }
0x2c6: {  	v5 =	vld.idx.msk [tilespmem:v5+s2+$0x0], $0xffff  }
0x2c7: {  	v8 =	vld.idx.msk [tilespmem:v8+s2+$0x0], $0xffff  }
0x2c8: {  	v7 =	vld.idx.msk [tilespmem:v7+s2+$0x0], $0xffff;
	v3 =	vadd.f32 v3, v2  }
0x2c9: {  	v10 =	vld.idx.msk [tilespmem:v10+s2+$0x0], $0xffff;
	v4 =	vadd.f32 v4, v2  }
0x2ca: {  	v9 =	vld.idx.msk [tilespmem:v9+s2+$0x0], $0xffff;
	v29 =	vadd.f32 v6, v2;
	[tilespmem:s19+$0x1D8A0] =	vst v3  }
0x2cb: {  	v12 =	vld.idx.msk [tilespmem:v12+s2+$0x0], $0xffff;
	v3 =	vadd.f32 v5, v2;
	[tilespmem:s19+$0x1D8B0] =	vst v4  }
0x2cc: {  	v11 =	vld.idx.msk [tilespmem:v11+s2+$0x0], $0xffff;
	v32 =	vadd.f32 v8, v2;
	[tilespmem:s19+$0x1D8D0] =	vst v29  }
0x2cd: {  	v14 =	vld.idx.msk [tilespmem:v14+s2+$0x0], $0xffff;
	[tilespmem:s19+$0x1D8C0] =	vst v3;
	v3 =	vadd.f32 v7, v2  }
0x2ce: {  	v13 =	vld.idx.msk [tilespmem:v13+s2+$0x0], $0xffff;
	v35 =	vadd.f32 v10, v2;
	[tilespmem:s19+$0x1D8F0] =	vst v32  }
0x2cf: {  	v16 =	vld.idx.msk [tilespmem:v16+s2+$0x0], $0xffff;
	[tilespmem:s19+$0x1D8E0] =	vst v3;
	v3 =	vadd.f32 v9, v2  }
0x2d0: {  	v15 =	vld.idx.msk [tilespmem:v15+s2+$0x0], $0xffff;
	v38 =	vadd.f32 v12, v2;
	[tilespmem:s19+$0x1D910] =	vst v35  }
0x2d1: {  	v18 =	vld.idx.msk [tilespmem:v18+s2+$0x0], $0xffff;
	[tilespmem:s19+$0x1D900] =	vst v3;
	v3 =	vadd.f32 v11, v2  }
0x2d2: {  	v17 =	vld.idx.msk [tilespmem:v17+s2+$0x0], $0xffff;
	v40 =	vadd.f32 v14, v2;
	[tilespmem:s19+$0x1D930] =	vst v38  }
0x2d3: {  	v31 =	vld.idx.msk [tilespmem:v20+s2+$0x0], $0xffff;
	[tilespmem:s19+$0x1D920] =	vst v3;
	v3 =	vadd.f32 v13, v2  }
0x2d4: {  	v30 =	vld.idx.msk [tilespmem:v19+s2+$0x0], $0xffff;
	v43 =	vadd.f32 v16, v2;
	[tilespmem:s19+$0x1D950] =	vst v40  }
0x2d5: {  	v34 =	vld.idx.msk [tilespmem:v22+s2+$0x0], $0xffff;
	[tilespmem:s19+$0x1D940] =	vst v3;
	v3 =	vadd.f32 v15, v2  }
0x2d6: {  	v33 =	vld.idx.msk [tilespmem:v21+s2+$0x0], $0xffff;
	v46 =	vadd.f32 v18, v2;
	[tilespmem:s19+$0x1D970] =	vst v43  }
0x2d7: {  	v37 =	vld.idx.msk [tilespmem:v24+s2+$0x0], $0xffff;
	[tilespmem:s19+$0x1D960] =	vst v3;
	v3 =	vadd.f32 v17, v2  }
0x2d8: {  	v36 =	vld.idx.msk [tilespmem:v23+s2+$0x0], $0xffff;
	v49 =	vadd.f32 v31, v2;
	[tilespmem:s19+$0x1D990] =	vst v46  }
0x2d9: {  	v54 =	vld.idx.msk [tilespmem:v42+s2+$0x0], $0xffff;
	[tilespmem:s19+$0x1D980] =	vst v3;
	v3 =	vadd.f32 v30, v2  }
0x2da: {  	v39 =	vld.idx.msk [tilespmem:v25+s2+$0x0], $0xffff;
	v52 =	vadd.f32 v34, v2;
	[tilespmem:s19+$0x1D9B0] =	vst v49  }
0x2db: {  	v57 =	vld.idx.msk [tilespmem:v45+s2+$0x0], $0xffff;
	[tilespmem:s19+$0x1D9A0] =	vst v3;
	v3 =	vadd.f32 v33, v2  }
0x2dc: {  	v53 =	vld.idx.msk [tilespmem:v41+s2+$0x0], $0xffff;
	v55 =	vadd.f32 v37, v2;
	[tilespmem:s19+$0x1D9D0] =	vst v52  }
0x2dd: {  	v6 =	vld.idx.msk [tilespmem:v48+s2+$0x0], $0xffff;
	[tilespmem:s19+$0x1D9C0] =	vst v3;
	v3 =	vadd.f32 v36, v2  }
0x2de: {  	v56 =	vld.idx.msk [tilespmem:v44+s2+$0x0], $0xffff;
	v60 =	vadd.f32 v54, v2;
	[tilespmem:s19+$0x1D9F0] =	vst v55  }
0x2df: {  	v8 =	vld.idx.msk [tilespmem:v51+s2+$0x0], $0xffff;
	[tilespmem:s19+$0x1D9E0] =	vst v3;
	v3 =	vadd.f32 v39, v2  }
0x2e0: {  	v59 =	vld.idx.msk [tilespmem:v47+s2+$0x0], $0xffff;
	v61 =	vadd.f32 v57, v2;
	[tilespmem:s19+$0x1DA30] =	vst v60  }
0x2e1: {  	v5 =	vld.idx.msk [tilespmem:v28+s2+$0x0], $0xffff;
	[tilespmem:s19+$0x1DA00] =	vst v3;
	v3 =	vadd.f32 v53, v2  }
0x2e2: {  	[tilespmem:s19+$0x1DA50] =	vst v61;
	v7 =	vld.idx.msk [tilespmem:v50+s2+$0x0], $0xffff;
	v62 =	vadd.f32 v6, v2  }
0x2e3: {  	[tilespmem:s19+$0x1DA20] =	vst v3;
	v3 =	vadd.f32 v56, v2  }
0x2e4: {  	p2 =	por p1, p1;
	v63 =	vadd.f32 v8, v2;
	[tilespmem:s19+$0x1DA70] =	vst v62  }
.Ltmp9:
0x2e5: {  	[tilespmem:s19+$0x1DA40] =	vst v3;
	v3 =	vadd.f32 v59, v2;
	(pc) =	sbr.rel @p2 .LBB2_21-.Ltmp9, $4  }
0x2e6: {  	v58 =	vadd.f32 v5, v2;
	[tilespmem:s19+$0x1DA90] =	vst v63  }
0x2e7: {  	[tilespmem:s19+$0x1DA60] =	vst v3;
	v3 =	vadd.f32 v7, v2  }
0x2e8: {  	[tilespmem:s19+$0x1DA10] =	vst v58  }
0x2e9: {  	p1 =	por $0x0, $0x0;
	[tilespmem:s19+$0x1DA80] =	vst v3;
	s19 =	simm.s32 $0x200  }
0x2ea: {  	v2 =	vadd.s32 $0x1, v1  }
0x2eb: {  	v2 =	vbroadcast v2, $0x0;
	_ =	sdelay $0x5  }
0x2ec: {  	s19 =	simm.s32 $0x0;
	p1 =	por $0x1, $0x1;
	v2 =	vld.idx.msk [tilespmem:v2+s16+$0x0], $0xffff  }
.LBB2_23:
0x2ed: {  	v3 =	vld [tilespmem:s19+$0x1BCA0]  }
0x2ee: {  	v4 =	vld [tilespmem:s19+$0x1BCB0]  }
0x2ef: {  	v5 =	vld [tilespmem:s19+$0x1BCC0]  }
0x2f0: {  	v6 =	vld [tilespmem:s19+$0x1BCD0]  }
0x2f1: {  	v7 =	vld [tilespmem:s19+$0x1BCE0]  }
0x2f2: {  	v8 =	vld [tilespmem:s19+$0x1BCF0]  }
0x2f3: {  	v9 =	vld [tilespmem:s19+$0x1BD00]  }
0x2f4: {  	v10 =	vld [tilespmem:s19+$0x1BD10]  }
0x2f5: {  	v11 =	vld [tilespmem:s19+$0x1BD20]  }
0x2f6: {  	v12 =	vld [tilespmem:s19+$0x1BD30]  }
0x2f7: {  	v13 =	vld [tilespmem:s19+$0x1BD40]  }
0x2f8: {  	v14 =	vld [tilespmem:s19+$0x1BD50]  }
0x2f9: {  	v15 =	vld [tilespmem:s19+$0x1BD60]  }
0x2fa: {  	v16 =	vld [tilespmem:s19+$0x1BD70]  }
0x2fb: {  	v17 =	vld [tilespmem:s19+$0x1BD80]  }
0x2fc: {  	v18 =	vld [tilespmem:s19+$0x1BD90]  }
0x2fd: {  	v19 =	vld [tilespmem:s19+$0x1BDA0]  }
0x2fe: {  	v20 =	vld [tilespmem:s19+$0x1BDB0]  }
0x2ff: {  	v21 =	vld [tilespmem:s19+$0x1BDC0]  }
0x300: {  	v22 =	vld [tilespmem:s19+$0x1BDD0]  }
0x301: {  	v23 =	vld [tilespmem:s19+$0x1BDE0]  }
0x302: {  	v24 =	vld [tilespmem:s19+$0x1BDF0]  }
0x303: {  	v25 =	vld [tilespmem:s19+$0x1BE00]  }
0x304: {  	v28 =	vld [tilespmem:s19+$0x1BE10]  }
0x305: {  	v41 =	vld [tilespmem:s19+$0x1BE20]  }
0x306: {  	v42 =	vld [tilespmem:s19+$0x1BE30]  }
0x307: {  	v44 =	vld [tilespmem:s19+$0x1BE40]  }
0x308: {  	v45 =	vld [tilespmem:s19+$0x1BE50]  }
0x309: {  	v47 =	vld [tilespmem:s19+$0x1BE60]  }
0x30a: {  	v48 =	vld [tilespmem:s19+$0x1BE70]  }
0x30b: {  	v50 =	vld [tilespmem:s19+$0x1BE80]  }
0x30c: {  	v51 =	vld [tilespmem:s19+$0x1BE90]  }
0x30d: {  	v3 =	vld.idx.msk [tilespmem:v3+s2+$0x0], $0xffff  }
0x30e: {  	v4 =	vld.idx.msk [tilespmem:v4+s2+$0x0], $0xffff  }
0x30f: {  	v6 =	vld.idx.msk [tilespmem:v6+s2+$0x0], $0xffff  }
0x310: {  	v5 =	vld.idx.msk [tilespmem:v5+s2+$0x0], $0xffff  }
0x311: {  	v8 =	vld.idx.msk [tilespmem:v8+s2+$0x0], $0xffff  }
0x312: {  	v7 =	vld.idx.msk [tilespmem:v7+s2+$0x0], $0xffff;
	v3 =	vadd.f32 v3, v2  }
0x313: {  	v10 =	vld.idx.msk [tilespmem:v10+s2+$0x0], $0xffff;
	v4 =	vadd.f32 v4, v2  }
0x314: {  	v9 =	vld.idx.msk [tilespmem:v9+s2+$0x0], $0xffff;
	v29 =	vadd.f32 v6, v2;
	[tilespmem:s19+$0x1DCA0] =	vst v3  }
0x315: {  	v12 =	vld.idx.msk [tilespmem:v12+s2+$0x0], $0xffff;
	v3 =	vadd.f32 v5, v2;
	[tilespmem:s19+$0x1DCB0] =	vst v4  }
0x316: {  	v11 =	vld.idx.msk [tilespmem:v11+s2+$0x0], $0xffff;
	v32 =	vadd.f32 v8, v2;
	[tilespmem:s19+$0x1DCD0] =	vst v29  }
0x317: {  	v14 =	vld.idx.msk [tilespmem:v14+s2+$0x0], $0xffff;
	[tilespmem:s19+$0x1DCC0] =	vst v3;
	v3 =	vadd.f32 v7, v2  }
0x318: {  	v13 =	vld.idx.msk [tilespmem:v13+s2+$0x0], $0xffff;
	v35 =	vadd.f32 v10, v2;
	[tilespmem:s19+$0x1DCF0] =	vst v32  }
0x319: {  	v16 =	vld.idx.msk [tilespmem:v16+s2+$0x0], $0xffff;
	[tilespmem:s19+$0x1DCE0] =	vst v3;
	v3 =	vadd.f32 v9, v2  }
0x31a: {  	v15 =	vld.idx.msk [tilespmem:v15+s2+$0x0], $0xffff;
	v38 =	vadd.f32 v12, v2;
	[tilespmem:s19+$0x1DD10] =	vst v35  }
0x31b: {  	v18 =	vld.idx.msk [tilespmem:v18+s2+$0x0], $0xffff;
	[tilespmem:s19+$0x1DD00] =	vst v3;
	v3 =	vadd.f32 v11, v2  }
0x31c: {  	v17 =	vld.idx.msk [tilespmem:v17+s2+$0x0], $0xffff;
	v40 =	vadd.f32 v14, v2;
	[tilespmem:s19+$0x1DD30] =	vst v38  }
0x31d: {  	v31 =	vld.idx.msk [tilespmem:v20+s2+$0x0], $0xffff;
	[tilespmem:s19+$0x1DD20] =	vst v3;
	v3 =	vadd.f32 v13, v2  }
0x31e: {  	v30 =	vld.idx.msk [tilespmem:v19+s2+$0x0], $0xffff;
	v43 =	vadd.f32 v16, v2;
	[tilespmem:s19+$0x1DD50] =	vst v40  }
0x31f: {  	v34 =	vld.idx.msk [tilespmem:v22+s2+$0x0], $0xffff;
	[tilespmem:s19+$0x1DD40] =	vst v3;
	v3 =	vadd.f32 v15, v2  }
0x320: {  	v33 =	vld.idx.msk [tilespmem:v21+s2+$0x0], $0xffff;
	v46 =	vadd.f32 v18, v2;
	[tilespmem:s19+$0x1DD70] =	vst v43  }
0x321: {  	v37 =	vld.idx.msk [tilespmem:v24+s2+$0x0], $0xffff;
	[tilespmem:s19+$0x1DD60] =	vst v3;
	v3 =	vadd.f32 v17, v2  }
0x322: {  	v36 =	vld.idx.msk [tilespmem:v23+s2+$0x0], $0xffff;
	v49 =	vadd.f32 v31, v2;
	[tilespmem:s19+$0x1DD90] =	vst v46  }
0x323: {  	v54 =	vld.idx.msk [tilespmem:v42+s2+$0x0], $0xffff;
	[tilespmem:s19+$0x1DD80] =	vst v3;
	v3 =	vadd.f32 v30, v2  }
0x324: {  	v39 =	vld.idx.msk [tilespmem:v25+s2+$0x0], $0xffff;
	v52 =	vadd.f32 v34, v2;
	[tilespmem:s19+$0x1DDB0] =	vst v49  }
0x325: {  	v57 =	vld.idx.msk [tilespmem:v45+s2+$0x0], $0xffff;
	[tilespmem:s19+$0x1DDA0] =	vst v3;
	v3 =	vadd.f32 v33, v2  }
0x326: {  	v53 =	vld.idx.msk [tilespmem:v41+s2+$0x0], $0xffff;
	v55 =	vadd.f32 v37, v2;
	[tilespmem:s19+$0x1DDD0] =	vst v52  }
0x327: {  	v6 =	vld.idx.msk [tilespmem:v48+s2+$0x0], $0xffff;
	[tilespmem:s19+$0x1DDC0] =	vst v3;
	v3 =	vadd.f32 v36, v2  }
0x328: {  	v56 =	vld.idx.msk [tilespmem:v44+s2+$0x0], $0xffff;
	v60 =	vadd.f32 v54, v2;
	[tilespmem:s19+$0x1DDF0] =	vst v55  }
0x329: {  	v8 =	vld.idx.msk [tilespmem:v51+s2+$0x0], $0xffff;
	[tilespmem:s19+$0x1DDE0] =	vst v3;
	v3 =	vadd.f32 v39, v2  }
0x32a: {  	v59 =	vld.idx.msk [tilespmem:v47+s2+$0x0], $0xffff;
	v61 =	vadd.f32 v57, v2;
	[tilespmem:s19+$0x1DE30] =	vst v60  }
0x32b: {  	v5 =	vld.idx.msk [tilespmem:v28+s2+$0x0], $0xffff;
	[tilespmem:s19+$0x1DE00] =	vst v3;
	v3 =	vadd.f32 v53, v2  }
0x32c: {  	[tilespmem:s19+$0x1DE50] =	vst v61;
	v7 =	vld.idx.msk [tilespmem:v50+s2+$0x0], $0xffff;
	v62 =	vadd.f32 v6, v2  }
0x32d: {  	[tilespmem:s19+$0x1DE20] =	vst v3;
	v3 =	vadd.f32 v56, v2  }
0x32e: {  	p2 =	por p1, p1;
	v63 =	vadd.f32 v8, v2;
	[tilespmem:s19+$0x1DE70] =	vst v62  }
.Ltmp10:
0x32f: {  	[tilespmem:s19+$0x1DE40] =	vst v3;
	v3 =	vadd.f32 v59, v2;
	(pc) =	sbr.rel @p2 .LBB2_23-.Ltmp10, $4  }
0x330: {  	v58 =	vadd.f32 v5, v2;
	[tilespmem:s19+$0x1DE90] =	vst v63  }
0x331: {  	[tilespmem:s19+$0x1DE60] =	vst v3;
	v3 =	vadd.f32 v7, v2  }
0x332: {  	[tilespmem:s19+$0x1DE10] =	vst v58  }
0x333: {  	p1 =	por $0x0, $0x0;
	[tilespmem:s19+$0x1DE80] =	vst v3;
	s19 =	simm.s32 $0x200  }
0x334: {  	v2 =	vadd.s32 $0x2, v1  }
0x335: {  	v2 =	vbroadcast v2, $0x0;
	_ =	sdelay $0x5  }
0x336: {  	s19 =	simm.s32 $0x0;
	p1 =	por $0x1, $0x1;
	v2 =	vld.idx.msk [tilespmem:v2+s16+$0x0], $0xffff  }
.LBB2_25:
0x337: {  	v3 =	vld [tilespmem:s19+$0x1C0A0]  }
0x338: {  	v4 =	vld [tilespmem:s19+$0x1C0B0]  }
0x339: {  	v5 =	vld [tilespmem:s19+$0x1C0C0]  }
0x33a: {  	v6 =	vld [tilespmem:s19+$0x1C0D0]  }
0x33b: {  	v7 =	vld [tilespmem:s19+$0x1C0E0]  }
0x33c: {  	v8 =	vld [tilespmem:s19+$0x1C0F0]  }
0x33d: {  	v9 =	vld [tilespmem:s19+$0x1C100]  }
0x33e: {  	v10 =	vld [tilespmem:s19+$0x1C110]  }
0x33f: {  	v11 =	vld [tilespmem:s19+$0x1C120]  }
0x340: {  	v12 =	vld [tilespmem:s19+$0x1C130]  }
0x341: {  	v13 =	vld [tilespmem:s19+$0x1C140]  }
0x342: {  	v14 =	vld [tilespmem:s19+$0x1C150]  }
0x343: {  	v15 =	vld [tilespmem:s19+$0x1C160]  }
0x344: {  	v16 =	vld [tilespmem:s19+$0x1C170]  }
0x345: {  	v17 =	vld [tilespmem:s19+$0x1C180]  }
0x346: {  	v18 =	vld [tilespmem:s19+$0x1C190]  }
0x347: {  	v19 =	vld [tilespmem:s19+$0x1C1A0]  }
0x348: {  	v20 =	vld [tilespmem:s19+$0x1C1B0]  }
0x349: {  	v21 =	vld [tilespmem:s19+$0x1C1C0]  }
0x34a: {  	v22 =	vld [tilespmem:s19+$0x1C1D0]  }
0x34b: {  	v23 =	vld [tilespmem:s19+$0x1C1E0]  }
0x34c: {  	v24 =	vld [tilespmem:s19+$0x1C1F0]  }
0x34d: {  	v25 =	vld [tilespmem:s19+$0x1C200]  }
0x34e: {  	v28 =	vld [tilespmem:s19+$0x1C210]  }
0x34f: {  	v41 =	vld [tilespmem:s19+$0x1C220]  }
0x350: {  	v42 =	vld [tilespmem:s19+$0x1C230]  }
0x351: {  	v44 =	vld [tilespmem:s19+$0x1C240]  }
0x352: {  	v45 =	vld [tilespmem:s19+$0x1C250]  }
0x353: {  	v47 =	vld [tilespmem:s19+$0x1C260]  }
0x354: {  	v48 =	vld [tilespmem:s19+$0x1C270]  }
0x355: {  	v50 =	vld [tilespmem:s19+$0x1C280]  }
0x356: {  	v51 =	vld [tilespmem:s19+$0x1C290]  }
0x357: {  	v3 =	vld.idx.msk [tilespmem:v3+s2+$0x0], $0xffff  }
0x358: {  	v4 =	vld.idx.msk [tilespmem:v4+s2+$0x0], $0xffff  }
0x359: {  	v6 =	vld.idx.msk [tilespmem:v6+s2+$0x0], $0xffff  }
0x35a: {  	v5 =	vld.idx.msk [tilespmem:v5+s2+$0x0], $0xffff  }
0x35b: {  	v8 =	vld.idx.msk [tilespmem:v8+s2+$0x0], $0xffff  }
0x35c: {  	v7 =	vld.idx.msk [tilespmem:v7+s2+$0x0], $0xffff;
	v3 =	vadd.f32 v3, v2  }
0x35d: {  	v10 =	vld.idx.msk [tilespmem:v10+s2+$0x0], $0xffff;
	v4 =	vadd.f32 v4, v2  }
0x35e: {  	v9 =	vld.idx.msk [tilespmem:v9+s2+$0x0], $0xffff;
	v29 =	vadd.f32 v6, v2;
	[tilespmem:s19+$0x1E0A0] =	vst v3  }
0x35f: {  	v12 =	vld.idx.msk [tilespmem:v12+s2+$0x0], $0xffff;
	v3 =	vadd.f32 v5, v2;
	[tilespmem:s19+$0x1E0B0] =	vst v4  }
0x360: {  	v11 =	vld.idx.msk [tilespmem:v11+s2+$0x0], $0xffff;
	v32 =	vadd.f32 v8, v2;
	[tilespmem:s19+$0x1E0D0] =	vst v29  }
0x361: {  	v14 =	vld.idx.msk [tilespmem:v14+s2+$0x0], $0xffff;
	[tilespmem:s19+$0x1E0C0] =	vst v3;
	v3 =	vadd.f32 v7, v2  }
0x362: {  	v13 =	vld.idx.msk [tilespmem:v13+s2+$0x0], $0xffff;
	v35 =	vadd.f32 v10, v2;
	[tilespmem:s19+$0x1E0F0] =	vst v32  }
0x363: {  	v16 =	vld.idx.msk [tilespmem:v16+s2+$0x0], $0xffff;
	[tilespmem:s19+$0x1E0E0] =	vst v3;
	v3 =	vadd.f32 v9, v2  }
0x364: {  	v15 =	vld.idx.msk [tilespmem:v15+s2+$0x0], $0xffff;
	v38 =	vadd.f32 v12, v2;
	[tilespmem:s19+$0x1E110] =	vst v35  }
0x365: {  	v18 =	vld.idx.msk [tilespmem:v18+s2+$0x0], $0xffff;
	[tilespmem:s19+$0x1E100] =	vst v3;
	v3 =	vadd.f32 v11, v2  }
0x366: {  	v17 =	vld.idx.msk [tilespmem:v17+s2+$0x0], $0xffff;
	v40 =	vadd.f32 v14, v2;
	[tilespmem:s19+$0x1E130] =	vst v38  }
0x367: {  	v31 =	vld.idx.msk [tilespmem:v20+s2+$0x0], $0xffff;
	[tilespmem:s19+$0x1E120] =	vst v3;
	v3 =	vadd.f32 v13, v2  }
0x368: {  	v30 =	vld.idx.msk [tilespmem:v19+s2+$0x0], $0xffff;
	v43 =	vadd.f32 v16, v2;
	[tilespmem:s19+$0x1E150] =	vst v40  }
0x369: {  	v34 =	vld.idx.msk [tilespmem:v22+s2+$0x0], $0xffff;
	[tilespmem:s19+$0x1E140] =	vst v3;
	v3 =	vadd.f32 v15, v2  }
0x36a: {  	v33 =	vld.idx.msk [tilespmem:v21+s2+$0x0], $0xffff;
	v46 =	vadd.f32 v18, v2;
	[tilespmem:s19+$0x1E170] =	vst v43  }
0x36b: {  	v37 =	vld.idx.msk [tilespmem:v24+s2+$0x0], $0xffff;
	[tilespmem:s19+$0x1E160] =	vst v3;
	v3 =	vadd.f32 v17, v2  }
0x36c: {  	v36 =	vld.idx.msk [tilespmem:v23+s2+$0x0], $0xffff;
	v49 =	vadd.f32 v31, v2;
	[tilespmem:s19+$0x1E190] =	vst v46  }
0x36d: {  	v54 =	vld.idx.msk [tilespmem:v42+s2+$0x0], $0xffff;
	[tilespmem:s19+$0x1E180] =	vst v3;
	v3 =	vadd.f32 v30, v2  }
0x36e: {  	v39 =	vld.idx.msk [tilespmem:v25+s2+$0x0], $0xffff;
	v52 =	vadd.f32 v34, v2;
	[tilespmem:s19+$0x1E1B0] =	vst v49  }
0x36f: {  	v57 =	vld.idx.msk [tilespmem:v45+s2+$0x0], $0xffff;
	[tilespmem:s19+$0x1E1A0] =	vst v3;
	v3 =	vadd.f32 v33, v2  }
0x370: {  	v53 =	vld.idx.msk [tilespmem:v41+s2+$0x0], $0xffff;
	v55 =	vadd.f32 v37, v2;
	[tilespmem:s19+$0x1E1D0] =	vst v52  }
0x371: {  	v6 =	vld.idx.msk [tilespmem:v48+s2+$0x0], $0xffff;
	[tilespmem:s19+$0x1E1C0] =	vst v3;
	v3 =	vadd.f32 v36, v2  }
0x372: {  	v56 =	vld.idx.msk [tilespmem:v44+s2+$0x0], $0xffff;
	v60 =	vadd.f32 v54, v2;
	[tilespmem:s19+$0x1E1F0] =	vst v55  }
0x373: {  	v8 =	vld.idx.msk [tilespmem:v51+s2+$0x0], $0xffff;
	[tilespmem:s19+$0x1E1E0] =	vst v3;
	v3 =	vadd.f32 v39, v2  }
0x374: {  	v59 =	vld.idx.msk [tilespmem:v47+s2+$0x0], $0xffff;
	v61 =	vadd.f32 v57, v2;
	[tilespmem:s19+$0x1E230] =	vst v60  }
0x375: {  	v5 =	vld.idx.msk [tilespmem:v28+s2+$0x0], $0xffff;
	[tilespmem:s19+$0x1E200] =	vst v3;
	v3 =	vadd.f32 v53, v2  }
0x376: {  	[tilespmem:s19+$0x1E250] =	vst v61;
	v7 =	vld.idx.msk [tilespmem:v50+s2+$0x0], $0xffff;
	v62 =	vadd.f32 v6, v2  }
0x377: {  	[tilespmem:s19+$0x1E220] =	vst v3;
	v3 =	vadd.f32 v56, v2  }
0x378: {  	p2 =	por p1, p1;
	v63 =	vadd.f32 v8, v2;
	[tilespmem:s19+$0x1E270] =	vst v62  }
.Ltmp11:
0x379: {  	[tilespmem:s19+$0x1E240] =	vst v3;
	v3 =	vadd.f32 v59, v2;
	(pc) =	sbr.rel @p2 .LBB2_25-.Ltmp11, $4  }
0x37a: {  	v58 =	vadd.f32 v5, v2;
	[tilespmem:s19+$0x1E290] =	vst v63  }
0x37b: {  	[tilespmem:s19+$0x1E260] =	vst v3;
	v3 =	vadd.f32 v7, v2  }
0x37c: {  	[tilespmem:s19+$0x1E210] =	vst v58  }
0x37d: {  	p1 =	por $0x0, $0x0;
	[tilespmem:s19+$0x1E280] =	vst v3;
	s19 =	simm.s32 $0x200  }
0x37e: {  	v2 =	vadd.s32 $0x3, v1  }
0x37f: {  	v2 =	vbroadcast v2, $0x0;
	_ =	sdelay $0x5  }
0x380: {  	s19 =	simm.s32 $0x0;
	p1 =	por $0x1, $0x1;
	v2 =	vld.idx.msk [tilespmem:v2+s16+$0x0], $0xffff  }
.LBB2_27:
0x381: {  	v3 =	vld [tilespmem:s19+$0x1C4A0]  }
0x382: {  	v4 =	vld [tilespmem:s19+$0x1C4B0]  }
0x383: {  	v5 =	vld [tilespmem:s19+$0x1C4C0]  }
0x384: {  	v6 =	vld [tilespmem:s19+$0x1C4D0]  }
0x385: {  	v7 =	vld [tilespmem:s19+$0x1C4E0]  }
0x386: {  	v8 =	vld [tilespmem:s19+$0x1C4F0]  }
0x387: {  	v9 =	vld [tilespmem:s19+$0x1C500]  }
0x388: {  	v10 =	vld [tilespmem:s19+$0x1C510]  }
0x389: {  	v11 =	vld [tilespmem:s19+$0x1C520]  }
0x38a: {  	v12 =	vld [tilespmem:s19+$0x1C530]  }
0x38b: {  	v13 =	vld [tilespmem:s19+$0x1C540]  }
0x38c: {  	v14 =	vld [tilespmem:s19+$0x1C550]  }
0x38d: {  	v15 =	vld [tilespmem:s19+$0x1C560]  }
0x38e: {  	v16 =	vld [tilespmem:s19+$0x1C570]  }
0x38f: {  	v17 =	vld [tilespmem:s19+$0x1C580]  }
0x390: {  	v18 =	vld [tilespmem:s19+$0x1C590]  }
0x391: {  	v19 =	vld [tilespmem:s19+$0x1C5A0]  }
0x392: {  	v20 =	vld [tilespmem:s19+$0x1C5B0]  }
0x393: {  	v21 =	vld [tilespmem:s19+$0x1C5C0]  }
0x394: {  	v22 =	vld [tilespmem:s19+$0x1C5D0]  }
0x395: {  	v23 =	vld [tilespmem:s19+$0x1C5E0]  }
0x396: {  	v24 =	vld [tilespmem:s19+$0x1C5F0]  }
0x397: {  	v25 =	vld [tilespmem:s19+$0x1C600]  }
0x398: {  	v28 =	vld [tilespmem:s19+$0x1C610]  }
0x399: {  	v41 =	vld [tilespmem:s19+$0x1C620]  }
0x39a: {  	v42 =	vld [tilespmem:s19+$0x1C630]  }
0x39b: {  	v44 =	vld [tilespmem:s19+$0x1C640]  }
0x39c: {  	v45 =	vld [tilespmem:s19+$0x1C650]  }
0x39d: {  	v47 =	vld [tilespmem:s19+$0x1C660]  }
0x39e: {  	v48 =	vld [tilespmem:s19+$0x1C670]  }
0x39f: {  	v50 =	vld [tilespmem:s19+$0x1C680]  }
0x3a0: {  	v51 =	vld [tilespmem:s19+$0x1C690]  }
0x3a1: {  	v3 =	vld.idx.msk [tilespmem:v3+s2+$0x0], $0xffff  }
0x3a2: {  	v4 =	vld.idx.msk [tilespmem:v4+s2+$0x0], $0xffff  }
0x3a3: {  	v6 =	vld.idx.msk [tilespmem:v6+s2+$0x0], $0xffff  }
0x3a4: {  	v5 =	vld.idx.msk [tilespmem:v5+s2+$0x0], $0xffff  }
0x3a5: {  	v8 =	vld.idx.msk [tilespmem:v8+s2+$0x0], $0xffff  }
0x3a6: {  	v7 =	vld.idx.msk [tilespmem:v7+s2+$0x0], $0xffff;
	v3 =	vadd.f32 v3, v2  }
0x3a7: {  	v10 =	vld.idx.msk [tilespmem:v10+s2+$0x0], $0xffff;
	v4 =	vadd.f32 v4, v2  }
0x3a8: {  	v9 =	vld.idx.msk [tilespmem:v9+s2+$0x0], $0xffff;
	v29 =	vadd.f32 v6, v2;
	[tilespmem:s19+$0x1E4A0] =	vst v3  }
0x3a9: {  	v12 =	vld.idx.msk [tilespmem:v12+s2+$0x0], $0xffff;
	v3 =	vadd.f32 v5, v2;
	[tilespmem:s19+$0x1E4B0] =	vst v4  }
0x3aa: {  	v11 =	vld.idx.msk [tilespmem:v11+s2+$0x0], $0xffff;
	v32 =	vadd.f32 v8, v2;
	[tilespmem:s19+$0x1E4D0] =	vst v29  }
0x3ab: {  	v14 =	vld.idx.msk [tilespmem:v14+s2+$0x0], $0xffff;
	[tilespmem:s19+$0x1E4C0] =	vst v3;
	v3 =	vadd.f32 v7, v2  }
0x3ac: {  	v13 =	vld.idx.msk [tilespmem:v13+s2+$0x0], $0xffff;
	v35 =	vadd.f32 v10, v2;
	[tilespmem:s19+$0x1E4F0] =	vst v32  }
0x3ad: {  	v16 =	vld.idx.msk [tilespmem:v16+s2+$0x0], $0xffff;
	[tilespmem:s19+$0x1E4E0] =	vst v3;
	v3 =	vadd.f32 v9, v2  }
0x3ae: {  	v15 =	vld.idx.msk [tilespmem:v15+s2+$0x0], $0xffff;
	v38 =	vadd.f32 v12, v2;
	[tilespmem:s19+$0x1E510] =	vst v35  }
0x3af: {  	v18 =	vld.idx.msk [tilespmem:v18+s2+$0x0], $0xffff;
	[tilespmem:s19+$0x1E500] =	vst v3;
	v3 =	vadd.f32 v11, v2  }
0x3b0: {  	v17 =	vld.idx.msk [tilespmem:v17+s2+$0x0], $0xffff;
	v40 =	vadd.f32 v14, v2;
	[tilespmem:s19+$0x1E530] =	vst v38  }
0x3b1: {  	v31 =	vld.idx.msk [tilespmem:v20+s2+$0x0], $0xffff;
	[tilespmem:s19+$0x1E520] =	vst v3;
	v3 =	vadd.f32 v13, v2  }
0x3b2: {  	v30 =	vld.idx.msk [tilespmem:v19+s2+$0x0], $0xffff;
	v43 =	vadd.f32 v16, v2;
	[tilespmem:s19+$0x1E550] =	vst v40  }
0x3b3: {  	v34 =	vld.idx.msk [tilespmem:v22+s2+$0x0], $0xffff;
	[tilespmem:s19+$0x1E540] =	vst v3;
	v3 =	vadd.f32 v15, v2  }
0x3b4: {  	v33 =	vld.idx.msk [tilespmem:v21+s2+$0x0], $0xffff;
	v46 =	vadd.f32 v18, v2;
	[tilespmem:s19+$0x1E570] =	vst v43  }
0x3b5: {  	v37 =	vld.idx.msk [tilespmem:v24+s2+$0x0], $0xffff;
	[tilespmem:s19+$0x1E560] =	vst v3;
	v3 =	vadd.f32 v17, v2  }
0x3b6: {  	v36 =	vld.idx.msk [tilespmem:v23+s2+$0x0], $0xffff;
	v49 =	vadd.f32 v31, v2;
	[tilespmem:s19+$0x1E590] =	vst v46  }
0x3b7: {  	v54 =	vld.idx.msk [tilespmem:v42+s2+$0x0], $0xffff;
	[tilespmem:s19+$0x1E580] =	vst v3;
	v3 =	vadd.f32 v30, v2  }
0x3b8: {  	v39 =	vld.idx.msk [tilespmem:v25+s2+$0x0], $0xffff;
	v52 =	vadd.f32 v34, v2;
	[tilespmem:s19+$0x1E5B0] =	vst v49  }
0x3b9: {  	v57 =	vld.idx.msk [tilespmem:v45+s2+$0x0], $0xffff;
	[tilespmem:s19+$0x1E5A0] =	vst v3;
	v3 =	vadd.f32 v33, v2  }
0x3ba: {  	v53 =	vld.idx.msk [tilespmem:v41+s2+$0x0], $0xffff;
	v55 =	vadd.f32 v37, v2;
	[tilespmem:s19+$0x1E5D0] =	vst v52  }
0x3bb: {  	v6 =	vld.idx.msk [tilespmem:v48+s2+$0x0], $0xffff;
	[tilespmem:s19+$0x1E5C0] =	vst v3;
	v3 =	vadd.f32 v36, v2  }
0x3bc: {  	v56 =	vld.idx.msk [tilespmem:v44+s2+$0x0], $0xffff;
	v60 =	vadd.f32 v54, v2;
	[tilespmem:s19+$0x1E5F0] =	vst v55  }
0x3bd: {  	v8 =	vld.idx.msk [tilespmem:v51+s2+$0x0], $0xffff;
	[tilespmem:s19+$0x1E5E0] =	vst v3;
	v3 =	vadd.f32 v39, v2  }
0x3be: {  	v59 =	vld.idx.msk [tilespmem:v47+s2+$0x0], $0xffff;
	v61 =	vadd.f32 v57, v2;
	[tilespmem:s19+$0x1E630] =	vst v60  }
0x3bf: {  	v5 =	vld.idx.msk [tilespmem:v28+s2+$0x0], $0xffff;
	[tilespmem:s19+$0x1E600] =	vst v3;
	v3 =	vadd.f32 v53, v2  }
0x3c0: {  	[tilespmem:s19+$0x1E650] =	vst v61;
	v7 =	vld.idx.msk [tilespmem:v50+s2+$0x0], $0xffff;
	v62 =	vadd.f32 v6, v2  }
0x3c1: {  	[tilespmem:s19+$0x1E620] =	vst v3;
	v3 =	vadd.f32 v56, v2  }
0x3c2: {  	p2 =	por p1, p1;
	v63 =	vadd.f32 v8, v2;
	[tilespmem:s19+$0x1E670] =	vst v62  }
.Ltmp12:
0x3c3: {  	[tilespmem:s19+$0x1E640] =	vst v3;
	v3 =	vadd.f32 v59, v2;
	(pc) =	sbr.rel @p2 .LBB2_27-.Ltmp12, $4  }
0x3c4: {  	v58 =	vadd.f32 v5, v2;
	[tilespmem:s19+$0x1E690] =	vst v63  }
0x3c5: {  	[tilespmem:s19+$0x1E660] =	vst v3;
	v3 =	vadd.f32 v7, v2  }
0x3c6: {  	[tilespmem:s19+$0x1E610] =	vst v58  }
0x3c7: {  	p1 =	por $0x0, $0x0;
	[tilespmem:s19+$0x1E680] =	vst v3;
	s19 =	simm.s32 $0x200  }
0x3c8: {  	p1 =	seq.s32 s31, $0x18;
	s1 =	sor.u32 $0x4, s1  }
0x3c9: {  	s4 =	sadd.s32 @!p1 s0, s9;
	s19 =	simm.s32 @!p1 $0x0;
	s20 =	simm.s32 @!p1 $0x1B8A0  }
0x3ca: {  	[tilespmem:s20], [sflag:$0x2] =	stream.linear.gather @!p1 [hbm4b:s4+s19], $0x1000, $0x38;
	[tilespmem:$0x1F8A0] =	vst v63  }
0x3cb: {  	s19 =	sshll.u32 s31, $0x13;
	s20 =	sadd.s32 s13, s1  }
0x3cc: {  	s4 =	sor.u32 s14, s19;
	v2 =	vmov s20  }
0x3cd: {  	s4 =	sshrl.u32 s4, $0x3;
	v2 =	vshrl.u32 v2, $0x3  }
0x3ce: {  	s4 =	sadd.s32 s5, s4;
	v2 =	vshll.u32 v2, $0x3  }
0x3cf: {  	[hbm4b:s4+s22] =	stream.strided.scatter [tilespmem:s24], [sflag:$0x4], $0x1000, s23, s22, $0x38;
	v2 =	vor.u32 $0x4, v2;
	[tilespmem:$0x1F8A0] =	vst v63  }
0x3d0: {  	_ =	swait.ge [sflag:s25], $0x1000;
	v2 =	vbroadcast v2, $0x0  }
0x3d1: {  	[sflag:s25] =	ssyncset.done $0x0  }
0x3d2: {  	s4 =	simm.s32 @!p0 $0x5;
	[sflag:s25] =	ssyncadd.s32 $0xFFFFF000  }
0x3d3: {  	_ =	swait.ge @!p0 [sflag:s4], $0x1000  }
0x3d4: {  	[sflag:s4] =	ssyncset.done @!p0 $0x0  }
0x3d5: {  	[sflag:s4] =	ssyncadd.s32 @!p0 $0xFFFFF000  }
0x3d6: {  	s19 =	simm.s32 $0x0;
	p0 =	por $0x1, $0x1;
	v2 =	vld.idx.msk [tilespmem:v2+s16+$0x0], $0xffff  }
.LBB2_29:
0x3d7: {  	v3 =	vld [tilespmem:s19+$0x1C8A0]  }
0x3d8: {  	v4 =	vld [tilespmem:s19+$0x1C8B0]  }
0x3d9: {  	v5 =	vld [tilespmem:s19+$0x1C8C0]  }
0x3da: {  	v6 =	vld [tilespmem:s19+$0x1C8D0]  }
0x3db: {  	v7 =	vld [tilespmem:s19+$0x1C8E0]  }
0x3dc: {  	v8 =	vld [tilespmem:s19+$0x1C8F0]  }
0x3dd: {  	v9 =	vld [tilespmem:s19+$0x1C900]  }
0x3de: {  	v10 =	vld [tilespmem:s19+$0x1C910]  }
0x3df: {  	v11 =	vld [tilespmem:s19+$0x1C920]  }
0x3e0: {  	v12 =	vld [tilespmem:s19+$0x1C930]  }
0x3e1: {  	v13 =	vld [tilespmem:s19+$0x1C940]  }
0x3e2: {  	v14 =	vld [tilespmem:s19+$0x1C950]  }
0x3e3: {  	v15 =	vld [tilespmem:s19+$0x1C960]  }
0x3e4: {  	v16 =	vld [tilespmem:s19+$0x1C970]  }
0x3e5: {  	v17 =	vld [tilespmem:s19+$0x1C980]  }
0x3e6: {  	v18 =	vld [tilespmem:s19+$0x1C990]  }
0x3e7: {  	v19 =	vld [tilespmem:s19+$0x1C9A0]  }
0x3e8: {  	v20 =	vld [tilespmem:s19+$0x1C9B0]  }
0x3e9: {  	v21 =	vld [tilespmem:s19+$0x1C9C0]  }
0x3ea: {  	v22 =	vld [tilespmem:s19+$0x1C9D0]  }
0x3eb: {  	v23 =	vld [tilespmem:s19+$0x1C9E0]  }
0x3ec: {  	v24 =	vld [tilespmem:s19+$0x1C9F0]  }
0x3ed: {  	v25 =	vld [tilespmem:s19+$0x1CA00]  }
0x3ee: {  	v28 =	vld [tilespmem:s19+$0x1CA10]  }
0x3ef: {  	v41 =	vld [tilespmem:s19+$0x1CA20]  }
0x3f0: {  	v42 =	vld [tilespmem:s19+$0x1CA30]  }
0x3f1: {  	v44 =	vld [tilespmem:s19+$0x1CA40]  }
0x3f2: {  	v45 =	vld [tilespmem:s19+$0x1CA50]  }
0x3f3: {  	v47 =	vld [tilespmem:s19+$0x1CA60]  }
0x3f4: {  	v48 =	vld [tilespmem:s19+$0x1CA70]  }
0x3f5: {  	v50 =	vld [tilespmem:s19+$0x1CA80]  }
0x3f6: {  	v51 =	vld [tilespmem:s19+$0x1CA90]  }
0x3f7: {  	v3 =	vld.idx.msk [tilespmem:v3+s2+$0x0], $0xffff  }
0x3f8: {  	v4 =	vld.idx.msk [tilespmem:v4+s2+$0x0], $0xffff  }
0x3f9: {  	v6 =	vld.idx.msk [tilespmem:v6+s2+$0x0], $0xffff  }
0x3fa: {  	v5 =	vld.idx.msk [tilespmem:v5+s2+$0x0], $0xffff  }
0x3fb: {  	v8 =	vld.idx.msk [tilespmem:v8+s2+$0x0], $0xffff  }
0x3fc: {  	v7 =	vld.idx.msk [tilespmem:v7+s2+$0x0], $0xffff;
	v3 =	vadd.f32 v3, v2  }
0x3fd: {  	v10 =	vld.idx.msk [tilespmem:v10+s2+$0x0], $0xffff;
	v4 =	vadd.f32 v4, v2  }
0x3fe: {  	v9 =	vld.idx.msk [tilespmem:v9+s2+$0x0], $0xffff;
	v29 =	vadd.f32 v6, v2;
	[tilespmem:s19+$0x1E8A0] =	vst v3  }
0x3ff: {  	v12 =	vld.idx.msk [tilespmem:v12+s2+$0x0], $0xffff;
	v3 =	vadd.f32 v5, v2;
	[tilespmem:s19+$0x1E8B0] =	vst v4  }
0x400: {  	v11 =	vld.idx.msk [tilespmem:v11+s2+$0x0], $0xffff;
	v32 =	vadd.f32 v8, v2;
	[tilespmem:s19+$0x1E8D0] =	vst v29  }
0x401: {  	v14 =	vld.idx.msk [tilespmem:v14+s2+$0x0], $0xffff;
	[tilespmem:s19+$0x1E8C0] =	vst v3;
	v3 =	vadd.f32 v7, v2  }
0x402: {  	v13 =	vld.idx.msk [tilespmem:v13+s2+$0x0], $0xffff;
	v35 =	vadd.f32 v10, v2;
	[tilespmem:s19+$0x1E8F0] =	vst v32  }
0x403: {  	v16 =	vld.idx.msk [tilespmem:v16+s2+$0x0], $0xffff;
	[tilespmem:s19+$0x1E8E0] =	vst v3;
	v3 =	vadd.f32 v9, v2  }
0x404: {  	v15 =	vld.idx.msk [tilespmem:v15+s2+$0x0], $0xffff;
	v38 =	vadd.f32 v12, v2;
	[tilespmem:s19+$0x1E910] =	vst v35  }
0x405: {  	v18 =	vld.idx.msk [tilespmem:v18+s2+$0x0], $0xffff;
	[tilespmem:s19+$0x1E900] =	vst v3;
	v3 =	vadd.f32 v11, v2  }
0x406: {  	v17 =	vld.idx.msk [tilespmem:v17+s2+$0x0], $0xffff;
	v40 =	vadd.f32 v14, v2;
	[tilespmem:s19+$0x1E930] =	vst v38  }
0x407: {  	v31 =	vld.idx.msk [tilespmem:v20+s2+$0x0], $0xffff;
	[tilespmem:s19+$0x1E920] =	vst v3;
	v3 =	vadd.f32 v13, v2  }
0x408: {  	v30 =	vld.idx.msk [tilespmem:v19+s2+$0x0], $0xffff;
	v43 =	vadd.f32 v16, v2;
	[tilespmem:s19+$0x1E950] =	vst v40  }
0x409: {  	v34 =	vld.idx.msk [tilespmem:v22+s2+$0x0], $0xffff;
	[tilespmem:s19+$0x1E940] =	vst v3;
	v3 =	vadd.f32 v15, v2  }
0x40a: {  	v33 =	vld.idx.msk [tilespmem:v21+s2+$0x0], $0xffff;
	v46 =	vadd.f32 v18, v2;
	[tilespmem:s19+$0x1E970] =	vst v43  }
0x40b: {  	v37 =	vld.idx.msk [tilespmem:v24+s2+$0x0], $0xffff;
	[tilespmem:s19+$0x1E960] =	vst v3;
	v3 =	vadd.f32 v17, v2  }
0x40c: {  	v36 =	vld.idx.msk [tilespmem:v23+s2+$0x0], $0xffff;
	v49 =	vadd.f32 v31, v2;
	[tilespmem:s19+$0x1E990] =	vst v46  }
0x40d: {  	v54 =	vld.idx.msk [tilespmem:v42+s2+$0x0], $0xffff;
	[tilespmem:s19+$0x1E980] =	vst v3;
	v3 =	vadd.f32 v30, v2  }
0x40e: {  	v39 =	vld.idx.msk [tilespmem:v25+s2+$0x0], $0xffff;
	v52 =	vadd.f32 v34, v2;
	[tilespmem:s19+$0x1E9B0] =	vst v49  }
0x40f: {  	v57 =	vld.idx.msk [tilespmem:v45+s2+$0x0], $0xffff;
	[tilespmem:s19+$0x1E9A0] =	vst v3;
	v3 =	vadd.f32 v33, v2  }
0x410: {  	v53 =	vld.idx.msk [tilespmem:v41+s2+$0x0], $0xffff;
	v55 =	vadd.f32 v37, v2;
	[tilespmem:s19+$0x1E9D0] =	vst v52  }
0x411: {  	v6 =	vld.idx.msk [tilespmem:v48+s2+$0x0], $0xffff;
	[tilespmem:s19+$0x1E9C0] =	vst v3;
	v3 =	vadd.f32 v36, v2  }
0x412: {  	v56 =	vld.idx.msk [tilespmem:v44+s2+$0x0], $0xffff;
	v60 =	vadd.f32 v54, v2;
	[tilespmem:s19+$0x1E9F0] =	vst v55  }
0x413: {  	v8 =	vld.idx.msk [tilespmem:v51+s2+$0x0], $0xffff;
	[tilespmem:s19+$0x1E9E0] =	vst v3;
	v3 =	vadd.f32 v39, v2  }
0x414: {  	v59 =	vld.idx.msk [tilespmem:v47+s2+$0x0], $0xffff;
	v61 =	vadd.f32 v57, v2;
	[tilespmem:s19+$0x1EA30] =	vst v60  }
0x415: {  	v5 =	vld.idx.msk [tilespmem:v28+s2+$0x0], $0xffff;
	[tilespmem:s19+$0x1EA00] =	vst v3;
	v3 =	vadd.f32 v53, v2  }
0x416: {  	[tilespmem:s19+$0x1EA50] =	vst v61;
	v7 =	vld.idx.msk [tilespmem:v50+s2+$0x0], $0xffff;
	v62 =	vadd.f32 v6, v2  }
0x417: {  	[tilespmem:s19+$0x1EA20] =	vst v3;
	v3 =	vadd.f32 v56, v2  }
0x418: {  	p2 =	por p0, p0;
	v63 =	vadd.f32 v8, v2;
	[tilespmem:s19+$0x1EA70] =	vst v62  }
.Ltmp13:
0x419: {  	[tilespmem:s19+$0x1EA40] =	vst v3;
	v3 =	vadd.f32 v59, v2;
	(pc) =	sbr.rel @p2 .LBB2_29-.Ltmp13, $4  }
0x41a: {  	v58 =	vadd.f32 v5, v2;
	[tilespmem:s19+$0x1EA90] =	vst v63  }
0x41b: {  	[tilespmem:s19+$0x1EA60] =	vst v3;
	v3 =	vadd.f32 v7, v2  }
0x41c: {  	[tilespmem:s19+$0x1EA10] =	vst v58  }
0x41d: {  	p0 =	por $0x0, $0x0;
	[tilespmem:s19+$0x1EA80] =	vst v3;
	s19 =	simm.s32 $0x200  }
0x41e: {  	v2 =	vadd.s32 $0x5, v1  }
0x41f: {  	v2 =	vbroadcast v2, $0x0;
	_ =	sdelay $0x5  }
0x420: {  	s19 =	simm.s32 $0x0;
	p0 =	por $0x1, $0x1;
	v2 =	vld.idx.msk [tilespmem:v2+s16+$0x0], $0xffff  }
.LBB2_31:
0x421: {  	v3 =	vld [tilespmem:s19+$0x1CCA0]  }
0x422: {  	v4 =	vld [tilespmem:s19+$0x1CCB0]  }
0x423: {  	v5 =	vld [tilespmem:s19+$0x1CCC0]  }
0x424: {  	v6 =	vld [tilespmem:s19+$0x1CCD0]  }
0x425: {  	v7 =	vld [tilespmem:s19+$0x1CCE0]  }
0x426: {  	v8 =	vld [tilespmem:s19+$0x1CCF0]  }
0x427: {  	v9 =	vld [tilespmem:s19+$0x1CD00]  }
0x428: {  	v10 =	vld [tilespmem:s19+$0x1CD10]  }
0x429: {  	v11 =	vld [tilespmem:s19+$0x1CD20]  }
0x42a: {  	v12 =	vld [tilespmem:s19+$0x1CD30]  }
0x42b: {  	v13 =	vld [tilespmem:s19+$0x1CD40]  }
0x42c: {  	v14 =	vld [tilespmem:s19+$0x1CD50]  }
0x42d: {  	v15 =	vld [tilespmem:s19+$0x1CD60]  }
0x42e: {  	v16 =	vld [tilespmem:s19+$0x1CD70]  }
0x42f: {  	v17 =	vld [tilespmem:s19+$0x1CD80]  }
0x430: {  	v18 =	vld [tilespmem:s19+$0x1CD90]  }
0x431: {  	v19 =	vld [tilespmem:s19+$0x1CDA0]  }
0x432: {  	v20 =	vld [tilespmem:s19+$0x1CDB0]  }
0x433: {  	v21 =	vld [tilespmem:s19+$0x1CDC0]  }
0x434: {  	v22 =	vld [tilespmem:s19+$0x1CDD0]  }
0x435: {  	v23 =	vld [tilespmem:s19+$0x1CDE0]  }
0x436: {  	v24 =	vld [tilespmem:s19+$0x1CDF0]  }
0x437: {  	v25 =	vld [tilespmem:s19+$0x1CE00]  }
0x438: {  	v28 =	vld [tilespmem:s19+$0x1CE10]  }
0x439: {  	v41 =	vld [tilespmem:s19+$0x1CE20]  }
0x43a: {  	v42 =	vld [tilespmem:s19+$0x1CE30]  }
0x43b: {  	v44 =	vld [tilespmem:s19+$0x1CE40]  }
0x43c: {  	v45 =	vld [tilespmem:s19+$0x1CE50]  }
0x43d: {  	v47 =	vld [tilespmem:s19+$0x1CE60]  }
0x43e: {  	v48 =	vld [tilespmem:s19+$0x1CE70]  }
0x43f: {  	v50 =	vld [tilespmem:s19+$0x1CE80]  }
0x440: {  	v51 =	vld [tilespmem:s19+$0x1CE90]  }
0x441: {  	v3 =	vld.idx.msk [tilespmem:v3+s2+$0x0], $0xffff  }
0x442: {  	v4 =	vld.idx.msk [tilespmem:v4+s2+$0x0], $0xffff  }
0x443: {  	v6 =	vld.idx.msk [tilespmem:v6+s2+$0x0], $0xffff  }
0x444: {  	v5 =	vld.idx.msk [tilespmem:v5+s2+$0x0], $0xffff  }
0x445: {  	v8 =	vld.idx.msk [tilespmem:v8+s2+$0x0], $0xffff  }
0x446: {  	v7 =	vld.idx.msk [tilespmem:v7+s2+$0x0], $0xffff;
	v3 =	vadd.f32 v3, v2  }
0x447: {  	v10 =	vld.idx.msk [tilespmem:v10+s2+$0x0], $0xffff;
	v4 =	vadd.f32 v4, v2  }
0x448: {  	v9 =	vld.idx.msk [tilespmem:v9+s2+$0x0], $0xffff;
	v29 =	vadd.f32 v6, v2;
	[tilespmem:s19+$0x1ECA0] =	vst v3  }
0x449: {  	v12 =	vld.idx.msk [tilespmem:v12+s2+$0x0], $0xffff;
	v3 =	vadd.f32 v5, v2;
	[tilespmem:s19+$0x1ECB0] =	vst v4  }
0x44a: {  	v11 =	vld.idx.msk [tilespmem:v11+s2+$0x0], $0xffff;
	v32 =	vadd.f32 v8, v2;
	[tilespmem:s19+$0x1ECD0] =	vst v29  }
0x44b: {  	v14 =	vld.idx.msk [tilespmem:v14+s2+$0x0], $0xffff;
	[tilespmem:s19+$0x1ECC0] =	vst v3;
	v3 =	vadd.f32 v7, v2  }
0x44c: {  	v13 =	vld.idx.msk [tilespmem:v13+s2+$0x0], $0xffff;
	v35 =	vadd.f32 v10, v2;
	[tilespmem:s19+$0x1ECF0] =	vst v32  }
0x44d: {  	v16 =	vld.idx.msk [tilespmem:v16+s2+$0x0], $0xffff;
	[tilespmem:s19+$0x1ECE0] =	vst v3;
	v3 =	vadd.f32 v9, v2  }
0x44e: {  	v15 =	vld.idx.msk [tilespmem:v15+s2+$0x0], $0xffff;
	v38 =	vadd.f32 v12, v2;
	[tilespmem:s19+$0x1ED10] =	vst v35  }
0x44f: {  	v18 =	vld.idx.msk [tilespmem:v18+s2+$0x0], $0xffff;
	[tilespmem:s19+$0x1ED00] =	vst v3;
	v3 =	vadd.f32 v11, v2  }
0x450: {  	v17 =	vld.idx.msk [tilespmem:v17+s2+$0x0], $0xffff;
	v40 =	vadd.f32 v14, v2;
	[tilespmem:s19+$0x1ED30] =	vst v38  }
0x451: {  	v31 =	vld.idx.msk [tilespmem:v20+s2+$0x0], $0xffff;
	[tilespmem:s19+$0x1ED20] =	vst v3;
	v3 =	vadd.f32 v13, v2  }
0x452: {  	v30 =	vld.idx.msk [tilespmem:v19+s2+$0x0], $0xffff;
	v43 =	vadd.f32 v16, v2;
	[tilespmem:s19+$0x1ED50] =	vst v40  }
0x453: {  	v34 =	vld.idx.msk [tilespmem:v22+s2+$0x0], $0xffff;
	[tilespmem:s19+$0x1ED40] =	vst v3;
	v3 =	vadd.f32 v15, v2  }
0x454: {  	v33 =	vld.idx.msk [tilespmem:v21+s2+$0x0], $0xffff;
	v46 =	vadd.f32 v18, v2;
	[tilespmem:s19+$0x1ED70] =	vst v43  }
0x455: {  	v37 =	vld.idx.msk [tilespmem:v24+s2+$0x0], $0xffff;
	[tilespmem:s19+$0x1ED60] =	vst v3;
	v3 =	vadd.f32 v17, v2  }
0x456: {  	v36 =	vld.idx.msk [tilespmem:v23+s2+$0x0], $0xffff;
	v49 =	vadd.f32 v31, v2;
	[tilespmem:s19+$0x1ED90] =	vst v46  }
0x457: {  	v54 =	vld.idx.msk [tilespmem:v42+s2+$0x0], $0xffff;
	[tilespmem:s19+$0x1ED80] =	vst v3;
	v3 =	vadd.f32 v30, v2  }
0x458: {  	v39 =	vld.idx.msk [tilespmem:v25+s2+$0x0], $0xffff;
	v52 =	vadd.f32 v34, v2;
	[tilespmem:s19+$0x1EDB0] =	vst v49  }
0x459: {  	v57 =	vld.idx.msk [tilespmem:v45+s2+$0x0], $0xffff;
	[tilespmem:s19+$0x1EDA0] =	vst v3;
	v3 =	vadd.f32 v33, v2  }
0x45a: {  	v53 =	vld.idx.msk [tilespmem:v41+s2+$0x0], $0xffff;
	v55 =	vadd.f32 v37, v2;
	[tilespmem:s19+$0x1EDD0] =	vst v52  }
0x45b: {  	v6 =	vld.idx.msk [tilespmem:v48+s2+$0x0], $0xffff;
	[tilespmem:s19+$0x1EDC0] =	vst v3;
	v3 =	vadd.f32 v36, v2  }
0x45c: {  	v56 =	vld.idx.msk [tilespmem:v44+s2+$0x0], $0xffff;
	v60 =	vadd.f32 v54, v2;
	[tilespmem:s19+$0x1EDF0] =	vst v55  }
0x45d: {  	v8 =	vld.idx.msk [tilespmem:v51+s2+$0x0], $0xffff;
	[tilespmem:s19+$0x1EDE0] =	vst v3;
	v3 =	vadd.f32 v39, v2  }
0x45e: {  	v59 =	vld.idx.msk [tilespmem:v47+s2+$0x0], $0xffff;
	v61 =	vadd.f32 v57, v2;
	[tilespmem:s19+$0x1EE30] =	vst v60  }
0x45f: {  	v5 =	vld.idx.msk [tilespmem:v28+s2+$0x0], $0xffff;
	[tilespmem:s19+$0x1EE00] =	vst v3;
	v3 =	vadd.f32 v53, v2  }
0x460: {  	[tilespmem:s19+$0x1EE50] =	vst v61;
	v7 =	vld.idx.msk [tilespmem:v50+s2+$0x0], $0xffff;
	v62 =	vadd.f32 v6, v2  }
0x461: {  	[tilespmem:s19+$0x1EE20] =	vst v3;
	v3 =	vadd.f32 v56, v2  }
0x462: {  	p2 =	por p0, p0;
	v63 =	vadd.f32 v8, v2;
	[tilespmem:s19+$0x1EE70] =	vst v62  }
.Ltmp14:
0x463: {  	[tilespmem:s19+$0x1EE40] =	vst v3;
	v3 =	vadd.f32 v59, v2;
	(pc) =	sbr.rel @p2 .LBB2_31-.Ltmp14, $4  }
0x464: {  	v58 =	vadd.f32 v5, v2;
	[tilespmem:s19+$0x1EE90] =	vst v63  }
0x465: {  	[tilespmem:s19+$0x1EE60] =	vst v3;
	v3 =	vadd.f32 v7, v2  }
0x466: {  	[tilespmem:s19+$0x1EE10] =	vst v58  }
0x467: {  	p0 =	por $0x0, $0x0;
	[tilespmem:s19+$0x1EE80] =	vst v3;
	s19 =	simm.s32 $0x200  }
0x468: {  	v2 =	vadd.s32 $0x6, v1  }
0x469: {  	v2 =	vbroadcast v2, $0x0;
	_ =	sdelay $0x5  }
0x46a: {  	s19 =	simm.s32 $0x0;
	p0 =	por $0x1, $0x1;
	v2 =	vld.idx.msk [tilespmem:v2+s16+$0x0], $0xffff  }
.LBB2_33:
0x46b: {  	v3 =	vld [tilespmem:s19+$0x1D0A0]  }
0x46c: {  	v4 =	vld [tilespmem:s19+$0x1D0B0]  }
0x46d: {  	v5 =	vld [tilespmem:s19+$0x1D0C0]  }
0x46e: {  	v6 =	vld [tilespmem:s19+$0x1D0D0]  }
0x46f: {  	v7 =	vld [tilespmem:s19+$0x1D0E0]  }
0x470: {  	v8 =	vld [tilespmem:s19+$0x1D0F0]  }
0x471: {  	v9 =	vld [tilespmem:s19+$0x1D100]  }
0x472: {  	v10 =	vld [tilespmem:s19+$0x1D110]  }
0x473: {  	v11 =	vld [tilespmem:s19+$0x1D120]  }
0x474: {  	v12 =	vld [tilespmem:s19+$0x1D130]  }
0x475: {  	v13 =	vld [tilespmem:s19+$0x1D140]  }
0x476: {  	v14 =	vld [tilespmem:s19+$0x1D150]  }
0x477: {  	v15 =	vld [tilespmem:s19+$0x1D160]  }
0x478: {  	v16 =	vld [tilespmem:s19+$0x1D170]  }
0x479: {  	v17 =	vld [tilespmem:s19+$0x1D180]  }
0x47a: {  	v18 =	vld [tilespmem:s19+$0x1D190]  }
0x47b: {  	v19 =	vld [tilespmem:s19+$0x1D1A0]  }
0x47c: {  	v20 =	vld [tilespmem:s19+$0x1D1B0]  }
0x47d: {  	v21 =	vld [tilespmem:s19+$0x1D1C0]  }
0x47e: {  	v22 =	vld [tilespmem:s19+$0x1D1D0]  }
0x47f: {  	v23 =	vld [tilespmem:s19+$0x1D1E0]  }
0x480: {  	v24 =	vld [tilespmem:s19+$0x1D1F0]  }
0x481: {  	v25 =	vld [tilespmem:s19+$0x1D200]  }
0x482: {  	v28 =	vld [tilespmem:s19+$0x1D210]  }
0x483: {  	v41 =	vld [tilespmem:s19+$0x1D220]  }
0x484: {  	v42 =	vld [tilespmem:s19+$0x1D230]  }
0x485: {  	v44 =	vld [tilespmem:s19+$0x1D240]  }
0x486: {  	v45 =	vld [tilespmem:s19+$0x1D250]  }
0x487: {  	v47 =	vld [tilespmem:s19+$0x1D260]  }
0x488: {  	v48 =	vld [tilespmem:s19+$0x1D270]  }
0x489: {  	v50 =	vld [tilespmem:s19+$0x1D280]  }
0x48a: {  	v51 =	vld [tilespmem:s19+$0x1D290]  }
0x48b: {  	v3 =	vld.idx.msk [tilespmem:v3+s2+$0x0], $0xffff  }
0x48c: {  	v4 =	vld.idx.msk [tilespmem:v4+s2+$0x0], $0xffff  }
0x48d: {  	v6 =	vld.idx.msk [tilespmem:v6+s2+$0x0], $0xffff  }
0x48e: {  	v5 =	vld.idx.msk [tilespmem:v5+s2+$0x0], $0xffff  }
0x48f: {  	v8 =	vld.idx.msk [tilespmem:v8+s2+$0x0], $0xffff  }
0x490: {  	v7 =	vld.idx.msk [tilespmem:v7+s2+$0x0], $0xffff;
	v3 =	vadd.f32 v3, v2  }
0x491: {  	v10 =	vld.idx.msk [tilespmem:v10+s2+$0x0], $0xffff;
	v4 =	vadd.f32 v4, v2  }
0x492: {  	v9 =	vld.idx.msk [tilespmem:v9+s2+$0x0], $0xffff;
	v29 =	vadd.f32 v6, v2;
	[tilespmem:s19+$0x1F0A0] =	vst v3  }
0x493: {  	v12 =	vld.idx.msk [tilespmem:v12+s2+$0x0], $0xffff;
	v3 =	vadd.f32 v5, v2;
	[tilespmem:s19+$0x1F0B0] =	vst v4  }
0x494: {  	v11 =	vld.idx.msk [tilespmem:v11+s2+$0x0], $0xffff;
	v32 =	vadd.f32 v8, v2;
	[tilespmem:s19+$0x1F0D0] =	vst v29  }
0x495: {  	v14 =	vld.idx.msk [tilespmem:v14+s2+$0x0], $0xffff;
	[tilespmem:s19+$0x1F0C0] =	vst v3;
	v3 =	vadd.f32 v7, v2  }
0x496: {  	v13 =	vld.idx.msk [tilespmem:v13+s2+$0x0], $0xffff;
	v35 =	vadd.f32 v10, v2;
	[tilespmem:s19+$0x1F0F0] =	vst v32  }
0x497: {  	v16 =	vld.idx.msk [tilespmem:v16+s2+$0x0], $0xffff;
	[tilespmem:s19+$0x1F0E0] =	vst v3;
	v3 =	vadd.f32 v9, v2  }
0x498: {  	v15 =	vld.idx.msk [tilespmem:v15+s2+$0x0], $0xffff;
	v38 =	vadd.f32 v12, v2;
	[tilespmem:s19+$0x1F110] =	vst v35  }
0x499: {  	v18 =	vld.idx.msk [tilespmem:v18+s2+$0x0], $0xffff;
	[tilespmem:s19+$0x1F100] =	vst v3;
	v3 =	vadd.f32 v11, v2  }
0x49a: {  	v17 =	vld.idx.msk [tilespmem:v17+s2+$0x0], $0xffff;
	v40 =	vadd.f32 v14, v2;
	[tilespmem:s19+$0x1F130] =	vst v38  }
0x49b: {  	v31 =	vld.idx.msk [tilespmem:v20+s2+$0x0], $0xffff;
	[tilespmem:s19+$0x1F120] =	vst v3;
	v3 =	vadd.f32 v13, v2  }
0x49c: {  	v30 =	vld.idx.msk [tilespmem:v19+s2+$0x0], $0xffff;
	v43 =	vadd.f32 v16, v2;
	[tilespmem:s19+$0x1F150] =	vst v40  }
0x49d: {  	v34 =	vld.idx.msk [tilespmem:v22+s2+$0x0], $0xffff;
	[tilespmem:s19+$0x1F140] =	vst v3;
	v3 =	vadd.f32 v15, v2  }
0x49e: {  	v33 =	vld.idx.msk [tilespmem:v21+s2+$0x0], $0xffff;
	v46 =	vadd.f32 v18, v2;
	[tilespmem:s19+$0x1F170] =	vst v43  }
0x49f: {  	v37 =	vld.idx.msk [tilespmem:v24+s2+$0x0], $0xffff;
	[tilespmem:s19+$0x1F160] =	vst v3;
	v3 =	vadd.f32 v17, v2  }
0x4a0: {  	v36 =	vld.idx.msk [tilespmem:v23+s2+$0x0], $0xffff;
	v49 =	vadd.f32 v31, v2;
	[tilespmem:s19+$0x1F190] =	vst v46  }
0x4a1: {  	v54 =	vld.idx.msk [tilespmem:v42+s2+$0x0], $0xffff;
	[tilespmem:s19+$0x1F180] =	vst v3;
	v3 =	vadd.f32 v30, v2  }
0x4a2: {  	v39 =	vld.idx.msk [tilespmem:v25+s2+$0x0], $0xffff;
	v52 =	vadd.f32 v34, v2;
	[tilespmem:s19+$0x1F1B0] =	vst v49  }
0x4a3: {  	v57 =	vld.idx.msk [tilespmem:v45+s2+$0x0], $0xffff;
	[tilespmem:s19+$0x1F1A0] =	vst v3;
	v3 =	vadd.f32 v33, v2  }
0x4a4: {  	v53 =	vld.idx.msk [tilespmem:v41+s2+$0x0], $0xffff;
	v55 =	vadd.f32 v37, v2;
	[tilespmem:s19+$0x1F1D0] =	vst v52  }
0x4a5: {  	v6 =	vld.idx.msk [tilespmem:v48+s2+$0x0], $0xffff;
	[tilespmem:s19+$0x1F1C0] =	vst v3;
	v3 =	vadd.f32 v36, v2  }
0x4a6: {  	v56 =	vld.idx.msk [tilespmem:v44+s2+$0x0], $0xffff;
	v60 =	vadd.f32 v54, v2;
	[tilespmem:s19+$0x1F1F0] =	vst v55  }
0x4a7: {  	v8 =	vld.idx.msk [tilespmem:v51+s2+$0x0], $0xffff;
	[tilespmem:s19+$0x1F1E0] =	vst v3;
	v3 =	vadd.f32 v39, v2  }
0x4a8: {  	v59 =	vld.idx.msk [tilespmem:v47+s2+$0x0], $0xffff;
	v61 =	vadd.f32 v57, v2;
	[tilespmem:s19+$0x1F230] =	vst v60  }
0x4a9: {  	v5 =	vld.idx.msk [tilespmem:v28+s2+$0x0], $0xffff;
	[tilespmem:s19+$0x1F200] =	vst v3;
	v3 =	vadd.f32 v53, v2  }
0x4aa: {  	[tilespmem:s19+$0x1F250] =	vst v61;
	v7 =	vld.idx.msk [tilespmem:v50+s2+$0x0], $0xffff;
	v62 =	vadd.f32 v6, v2  }
0x4ab: {  	[tilespmem:s19+$0x1F220] =	vst v3;
	v3 =	vadd.f32 v56, v2  }
0x4ac: {  	p2 =	por p0, p0;
	v63 =	vadd.f32 v8, v2;
	[tilespmem:s19+$0x1F270] =	vst v62  }
.Ltmp15:
0x4ad: {  	[tilespmem:s19+$0x1F240] =	vst v3;
	v3 =	vadd.f32 v59, v2;
	(pc) =	sbr.rel @p2 .LBB2_33-.Ltmp15, $4  }
0x4ae: {  	v58 =	vadd.f32 v5, v2;
	[tilespmem:s19+$0x1F290] =	vst v63  }
0x4af: {  	[tilespmem:s19+$0x1F260] =	vst v3;
	v3 =	vadd.f32 v7, v2  }
0x4b0: {  	[tilespmem:s19+$0x1F210] =	vst v58  }
0x4b1: {  	p0 =	por $0x0, $0x0;
	[tilespmem:s19+$0x1F280] =	vst v3;
	s19 =	simm.s32 $0x200  }
0x4b2: {  	v1 =	vadd.s32 $0x7, v1  }
0x4b3: {  	v1 =	vbroadcast v1, $0x0;
	_ =	sdelay $0x5  }
0x4b4: {  	s19 =	simm.s32 $0x0;
	p0 =	por $0x1, $0x1;
	v1 =	vld.idx.msk [tilespmem:v1+s16+$0x0], $0xffff  }
.LBB2_35:
0x4b5: {  	v2 =	vld [tilespmem:s19+$0x1D4A0]  }
0x4b6: {  	v3 =	vld [tilespmem:s19+$0x1D4B0]  }
0x4b7: {  	v4 =	vld [tilespmem:s19+$0x1D4C0]  }
0x4b8: {  	v5 =	vld [tilespmem:s19+$0x1D4D0]  }
0x4b9: {  	v6 =	vld [tilespmem:s19+$0x1D4E0]  }
0x4ba: {  	v7 =	vld [tilespmem:s19+$0x1D4F0]  }
0x4bb: {  	v8 =	vld [tilespmem:s19+$0x1D500]  }
0x4bc: {  	v9 =	vld [tilespmem:s19+$0x1D510]  }
0x4bd: {  	v10 =	vld [tilespmem:s19+$0x1D520]  }
0x4be: {  	v11 =	vld [tilespmem:s19+$0x1D530]  }
0x4bf: {  	v12 =	vld [tilespmem:s19+$0x1D540]  }
0x4c0: {  	v13 =	vld [tilespmem:s19+$0x1D550]  }
0x4c1: {  	v14 =	vld [tilespmem:s19+$0x1D560]  }
0x4c2: {  	v15 =	vld [tilespmem:s19+$0x1D570]  }
0x4c3: {  	v16 =	vld [tilespmem:s19+$0x1D580]  }
0x4c4: {  	v17 =	vld [tilespmem:s19+$0x1D590]  }
0x4c5: {  	v18 =	vld [tilespmem:s19+$0x1D5A0]  }
0x4c6: {  	v19 =	vld [tilespmem:s19+$0x1D5B0]  }
0x4c7: {  	v20 =	vld [tilespmem:s19+$0x1D5C0]  }
0x4c8: {  	v21 =	vld [tilespmem:s19+$0x1D5D0]  }
0x4c9: {  	v22 =	vld [tilespmem:s19+$0x1D5E0]  }
0x4ca: {  	v23 =	vld [tilespmem:s19+$0x1D5F0]  }
0x4cb: {  	v24 =	vld [tilespmem:s19+$0x1D600]  }
0x4cc: {  	v43 =	vld [tilespmem:s19+$0x1D610]  }
0x4cd: {  	v51 =	vld [tilespmem:s19+$0x1D620]  }
0x4ce: {  	v52 =	vld [tilespmem:s19+$0x1D630]  }
0x4cf: {  	v53 =	vld [tilespmem:s19+$0x1D640]  }
0x4d0: {  	v54 =	vld [tilespmem:s19+$0x1D650]  }
0x4d1: {  	v55 =	vld [tilespmem:s19+$0x1D660]  }
0x4d2: {  	v56 =	vld [tilespmem:s19+$0x1D670]  }
0x4d3: {  	v57 =	vld [tilespmem:s19+$0x1D680]  }
0x4d4: {  	v58 =	vld [tilespmem:s19+$0x1D690]  }
0x4d5: {  	v2 =	vld.idx.msk [tilespmem:v2+s2+$0x0], $0xffff  }
0x4d6: {  	v3 =	vld.idx.msk [tilespmem:v3+s2+$0x0], $0xffff  }
0x4d7: {  	v4 =	vld.idx.msk [tilespmem:v4+s2+$0x0], $0xffff  }
0x4d8: {  	v5 =	vld.idx.msk [tilespmem:v5+s2+$0x0], $0xffff  }
0x4d9: {  	v6 =	vld.idx.msk [tilespmem:v6+s2+$0x0], $0xffff  }
0x4da: {  	v7 =	vld.idx.msk [tilespmem:v7+s2+$0x0], $0xffff;
	v2 =	vadd.f32 v2, v1  }
0x4db: {  	v8 =	vld.idx.msk [tilespmem:v8+s2+$0x0], $0xffff;
	v3 =	vadd.f32 v3, v1  }
0x4dc: {  	v9 =	vld.idx.msk [tilespmem:v9+s2+$0x0], $0xffff;
	[tilespmem:s19+$0x1F4A0] =	vst v2;
	v2 =	vadd.f32 v4, v1  }
0x4dd: {  	v10 =	vld.idx.msk [tilespmem:v10+s2+$0x0], $0xffff;
	[tilespmem:s19+$0x1F4B0] =	vst v3;
	v3 =	vadd.f32 v5, v1  }
0x4de: {  	v11 =	vld.idx.msk [tilespmem:v11+s2+$0x0], $0xffff;
	[tilespmem:s19+$0x1F4C0] =	vst v2;
	v2 =	vadd.f32 v6, v1  }
0x4df: {  	v12 =	vld.idx.msk [tilespmem:v12+s2+$0x0], $0xffff;
	[tilespmem:s19+$0x1F4D0] =	vst v3;
	v3 =	vadd.f32 v7, v1  }
0x4e0: {  	v13 =	vld.idx.msk [tilespmem:v13+s2+$0x0], $0xffff;
	[tilespmem:s19+$0x1F4E0] =	vst v2;
	v2 =	vadd.f32 v8, v1  }
0x4e1: {  	v14 =	vld.idx.msk [tilespmem:v14+s2+$0x0], $0xffff;
	[tilespmem:s19+$0x1F4F0] =	vst v3;
	v3 =	vadd.f32 v9, v1  }
0x4e2: {  	v15 =	vld.idx.msk [tilespmem:v15+s2+$0x0], $0xffff;
	[tilespmem:s19+$0x1F500] =	vst v2;
	v2 =	vadd.f32 v10, v1  }
0x4e3: {  	v16 =	vld.idx.msk [tilespmem:v16+s2+$0x0], $0xffff;
	[tilespmem:s19+$0x1F510] =	vst v3;
	v3 =	vadd.f32 v11, v1  }
0x4e4: {  	v17 =	vld.idx.msk [tilespmem:v17+s2+$0x0], $0xffff;
	[tilespmem:s19+$0x1F520] =	vst v2;
	v2 =	vadd.f32 v12, v1  }
0x4e5: {  	v44 =	vld.idx.msk [tilespmem:v18+s2+$0x0], $0xffff;
	[tilespmem:s19+$0x1F530] =	vst v3;
	v3 =	vadd.f32 v13, v1  }
0x4e6: {  	v45 =	vld.idx.msk [tilespmem:v19+s2+$0x0], $0xffff;
	[tilespmem:s19+$0x1F540] =	vst v2;
	v2 =	vadd.f32 v14, v1  }
0x4e7: {  	v46 =	vld.idx.msk [tilespmem:v20+s2+$0x0], $0xffff;
	[tilespmem:s19+$0x1F550] =	vst v3;
	v3 =	vadd.f32 v15, v1  }
0x4e8: {  	v47 =	vld.idx.msk [tilespmem:v21+s2+$0x0], $0xffff;
	[tilespmem:s19+$0x1F560] =	vst v2;
	v2 =	vadd.f32 v16, v1  }
0x4e9: {  	v48 =	vld.idx.msk [tilespmem:v22+s2+$0x0], $0xffff;
	[tilespmem:s19+$0x1F570] =	vst v3;
	v3 =	vadd.f32 v17, v1  }
0x4ea: {  	v49 =	vld.idx.msk [tilespmem:v23+s2+$0x0], $0xffff;
	[tilespmem:s19+$0x1F580] =	vst v2;
	v2 =	vadd.f32 v44, v1  }
0x4eb: {  	v50 =	vld.idx.msk [tilespmem:v24+s2+$0x0], $0xffff;
	[tilespmem:s19+$0x1F590] =	vst v3;
	v3 =	vadd.f32 v45, v1  }
0x4ec: {  	v4 =	vld.idx.msk [tilespmem:v43+s2+$0x0], $0xffff;
	[tilespmem:s19+$0x1F5A0] =	vst v2;
	v2 =	vadd.f32 v46, v1  }
0x4ed: {  	v59 =	vld.idx.msk [tilespmem:v51+s2+$0x0], $0xffff;
	[tilespmem:s19+$0x1F5B0] =	vst v3;
	v3 =	vadd.f32 v47, v1  }
0x4ee: {  	v60 =	vld.idx.msk [tilespmem:v52+s2+$0x0], $0xffff;
	[tilespmem:s19+$0x1F5C0] =	vst v2;
	v2 =	vadd.f32 v48, v1  }
0x4ef: {  	v61 =	vld.idx.msk [tilespmem:v53+s2+$0x0], $0xffff;
	[tilespmem:s19+$0x1F5D0] =	vst v3;
	v3 =	vadd.f32 v49, v1  }
0x4f0: {  	v62 =	vld.idx.msk [tilespmem:v54+s2+$0x0], $0xffff;
	[tilespmem:s19+$0x1F5E0] =	vst v2;
	v2 =	vadd.f32 v50, v1  }
0x4f1: {  	v63 =	vld.idx.msk [tilespmem:v55+s2+$0x0], $0xffff;
	[tilespmem:s19+$0x1F5F0] =	vst v3;
	v3 =	vadd.f32 v4, v1  }
0x4f2: {  	v5 =	vld.idx.msk [tilespmem:v56+s2+$0x0], $0xffff;
	[tilespmem:s19+$0x1F600] =	vst v2;
	v2 =	vadd.f32 v59, v1  }
0x4f3: {  	v6 =	vld.idx.msk [tilespmem:v57+s2+$0x0], $0xffff;
	[tilespmem:s19+$0x1F610] =	vst v3;
	v3 =	vadd.f32 v60, v1  }
0x4f4: {  	v7 =	vld.idx.msk [tilespmem:v58+s2+$0x0], $0xffff;
	[tilespmem:s19+$0x1F620] =	vst v2;
	v2 =	vadd.f32 v61, v1  }
0x4f5: {  	[tilespmem:s19+$0x1F630] =	vst v3;
	v3 =	vadd.f32 v62, v1  }
0x4f6: {  	p2 =	por p0, p0;
	[tilespmem:s19+$0x1F640] =	vst v2;
	v2 =	vadd.f32 v63, v1  }
.Ltmp16:
0x4f7: {  	[tilespmem:s19+$0x1F650] =	vst v3;
	v3 =	vadd.f32 v5, v1;
	(pc) =	sbr.rel @p2 .LBB2_35-.Ltmp16, $4  }
0x4f8: {  	[tilespmem:s19+$0x1F660] =	vst v2;
	v2 =	vadd.f32 v6, v1  }
0x4f9: {  	[tilespmem:s19+$0x1F670] =	vst v3;
	v3 =	vadd.f32 v7, v1  }
0x4fa: {  	[tilespmem:s19+$0x1F680] =	vst v2  }
0x4fb: {  	p0 =	por $0x0, $0x0;
	[tilespmem:s19+$0x1F690] =	vst v3;
	s19 =	simm.s32 $0x200  }
0x4fc: {  	s0 =	sadd.s32 @!p1 s0, s11  }
0x4fd: {  	s4 =	simm.s32 @!p1 $0x0;
	s19 =	simm.s32 @!p1 $0x1C8A0;
	s31 =	sadd.s32 $0x1, s31  }
0x4fe: {  	[tilespmem:s19], [sflag:$0x3] =	stream.linear.gather @!p1 [hbm4b:s0+s4], $0x1000, $0x38;
	[tilespmem:$0x1F8A0] =	vst v63  }
0x4ff: {  	p0 =	sne.s32 s31, $0x19  }
.Ltmp17:
0x500: {  	s20 =	sshll.u32 s1, $0x10;
	(pc) =	sbr.rel @p0 .LBB2_20-.Ltmp17, $4  }
0x501: {  	s0 =	sor.u32 s14, s20  }
0x502: {  	s0 =	sshrl.u32 s0, $0x3  }
0x503: {  	s0 =	sadd.s32 s5, s0  }
0x504: {  	[hbm4b:s0+s22] =	stream.strided.scatter [tilespmem:s26], [sflag:$0x5], $0x1000, s23, s22, $0x38;
	[tilespmem:$0x1F8A0] =	vst v63  }
0x505: {  	s30 =	sadd.s32 $0x1, s30  }
0x506: {  	_ =	swait.ge [sflag:s28], $0x1000;
	p0 =	sne.s32 s30, s15  }
.Ltmp18:
0x507: {  	[sflag:s28] =	ssyncset.done $0x0;
	(pc) =	sbr.rel @p0 .LBB2_1-.Ltmp18, $4  }
0x508: {  	[sflag:s28] =	ssyncadd.s32 $0xFFFFF000  }
0x509: {  	_ =	swait.ge [sflag:s29], $0x1000  }
0x50a: {  	[sflag:s29] =	ssyncset.done $0x0  }
0x50b: {  	[sflag:s29] =	ssyncadd.s32 $0xFFFFF000  }
0x50c: {  	_ =	sfence.sel $0x180000  }
0x50d: {  	[bflag:$0x0] =	sbarrier.arrive $0xFFFF  }
0x50e: {  	_ =	strace $0x90000047  }
0x50f: {  	s0 =	stileid.u32;
	[bflag:$0x2] =	sbarrier.arrive $0xFFFF  }
0x510: {  	p0 =	sne.s32 s0, $0x0;
	s0 =	rddreg [dreg:$0x2]  }
0x511: {  	s0 =	sadd.s32 @!p0 $0x100000, s0  }
0x512: {  	[sflag:s0] =	ssyncadd.tile.s32 @!p0 $0x1;
	_ =	shalt  }
.Lfunc_end2:
_tile_overlayer_lowered:
.L_overlay_start_2:
0x513: {  	(tag) =	ssettag $0x2  }
0x514: {  	s0 =	rddreg [dreg:$0x0];
	s2 =	stileid.u32  }
0x515: {  	s1 =	rddreg [dreg:$0x1];
	p0 =	sne.s32 s2, $0x0  }
0x516: {  	s3 =	rddreg [dreg:$0x2];
	[bflag:$0x3] =	sbarrier.arrive $0xFFFF;
	s2 =	simm.s32 @!p0 $0x1C06  }
0x517: {  	[timem:s3], [sflag:s2] =	dma.local @!p0 [hbm:s0], s1  }
0x518: {  	s0 =	simm.s32 @!p0 $0x6  }
0x519: {  	_ =	swait.ge @!p0 [sflag:s0], s1  }
0x51a: {  	s1 =	ssub.s32 @!p0 $0x0, s1;
	[sflag:s0] =	ssyncset.done @!p0 $0x0  }
0x51b: {  	[sflag:s0] =	ssyncadd.s32 @!p0 s1  }
0x51c: {  	[bflag:$0x3] =	sbarrier.arrive $0xFFFF  }
0x51d: {  	_ =	shalt  }

</sc_bundles>
